<compile_context>
chip_gen: v7x
topology: tpu7x:2x2x1
jax: 0.10.2.dev20260603
libtpu: 0.0.44.dev20260713+nightly
codegen_flags: <defaults>
</compile_context>

<pallas_src>
import functools

import jax
import jax.numpy as jnp
from jax import lax
from jax.experimental import pallas as pl
from jax.experimental.pallas import tpu as pltpu
from jax.experimental.pallas import tpu_sc as plsc

_CELL_N = 16384
_CHUNK = 8192
_CHUNK_SHIFT = 13
_NW = 32
_OUT_BLOCKS = 2


def _sc_expression(idx_p, gene_ix, w_flat, b_flat, seg_total):
    g_n = gene_ix.shape[0]
    seg_per_w = seg_total // _NW
    rows_per_w = seg_per_w // g_n
    blk_rows = rows_per_w // _OUT_BLOCKS
    blk_seg = seg_per_w // _OUT_BLOCKS
    n = idx_p.shape[0]
    n_chunks = -(-n // _CHUNK)
    tail = n - (n_chunks - 1) * _CHUNK
    n_rounds = -(-(n - 1).bit_length() // 4)

    mesh = plsc.VectorSubcoreMesh(core_axis_name="c", subcore_axis_name="s")
    cp = pltpu.CompilerParams(needs_layout_passes=False)

    @functools.partial(
        pl.kernel,
        out_type=jax.ShapeDtypeStruct((seg_total,), jnp.float32),
        mesh=mesh,
        compiler_params=cp,
        scratch_types=[
            pltpu.VMEM((seg_per_w,), jnp.float32),
            pltpu.VMEM((_CHUNK,), jnp.int32),
            pltpu.VMEM((_CHUNK,), jnp.int32),
            pltpu.VMEM((_CHUNK,), jnp.int32),
            pltpu.VMEM((_CHUNK,), jnp.int32),
            pltpu.VMEM((16,), jnp.int32),
            pltpu.VMEM((16,), jnp.int32),
            pltpu.VMEM((16,), jnp.int32),
            pltpu.VMEM((16,), jnp.int32),
            pltpu.VMEM((g_n,), jnp.int32),
            pltpu.VMEM((g_n,), jnp.float32),
            pltpu.VMEM((g_n,), jnp.float32),
            pltpu.VMEM((g_n,), jnp.float32),
            pltpu.VMEM((g_n,), jnp.float32),
            pltpu.SemaphoreType.DMA,
            pltpu.SemaphoreType.DMA,
            pltpu.SemaphoreType.DMA,
            pltpu.SemaphoreType.DMA,
            pltpu.SemaphoreType.DMA,
            pltpu.SemaphoreType.DMA,
        ],
    )
    def k(idx_hbm, gix_hbm, w_hbm, b_hbm, out_hbm,
          counts_v, buf_a, buf_b, buf_c, buf_e,
          probe_a, probe_b, gath_a, gath_b,
          gi_v, wt_v, bt_v, wg_v, bg_v,
          sem_a, sem_b, sem_c, sem_e, sem_t, sem_o):
        wid = lax.axis_index("s") * 2 + lax.axis_index("c")
        seg_lo = wid * seg_per_w
        seg_hi = seg_lo + seg_per_w

        zeros16 = jnp.zeros((16,), jnp.float32)
        ones16 = jnp.ones((16,), jnp.float32)
        iota16 = lax.iota(jnp.int32, 16)

        pltpu.make_async_copy(gix_hbm, gi_v, sem_t).start()
        pltpu.make_async_copy(w_hbm, wt_v, sem_t).start()
        pltpu.make_async_copy(b_hbm, bt_v, sem_t).start()

        sc_search = jax.named_scope("span_search")
        sc_search.__enter__()
        la = jnp.int32(0)
        lb = jnp.int32(0)
        stage = 16 ** 3
        n_indirect = n_rounds - 3 if n >= stage else n_rounds
        for r in range(n_rounds - 1, n_rounds - 1 - n_indirect, -1):
            step = 16 ** r
            probe_a[...] = jnp.minimum(la + (iota16 + 1) * step - 1, n - 1)
            probe_b[...] = jnp.minimum(lb + (iota16 + 1) * step - 1, n - 1)
            ca = pltpu.async_copy(idx_hbm.at[probe_a], gath_a, sem_a)
            cb = pltpu.async_copy(idx_hbm.at[probe_b], gath_b, sem_b)
            ca.wait()
            cb.wait()
            cnt_a = plsc.all_reduce_population_count(gath_a[...] < seg_lo)
            cnt_b = plsc.all_reduce_population_count(gath_b[...] < seg_hi)
            la = jnp.minimum(la + jnp.max(cnt_a) * step, n)
            lb = jnp.minimum(lb + jnp.max(cnt_b) * step, n)
        if n >= stage:
            base_a = pl.multiple_of(jnp.minimum(la, n - stage), 8)
            base_b = pl.multiple_of(jnp.minimum(lb, n - stage), 8)
            ca = pltpu.async_copy(
                idx_hbm.at[pl.ds(base_a, stage)],
                buf_a.at[pl.ds(0, stage)], sem_a)
            cb = pltpu.async_copy(
                idx_hbm.at[pl.ds(base_b, stage)],
                buf_b.at[pl.ds(0, stage)], sem_b)
            ca.wait()
            cb.wait()
            for r in range(2, -1, -1):
                step = 16 ** r
                pa = jnp.minimum(la + (iota16 + 1) * step - 1, n - 1) - base_a
                pb = jnp.minimum(lb + (iota16 + 1) * step - 1, n - 1) - base_b
                va = plsc.load_gather(buf_a, [pa])
                vb = plsc.load_gather(buf_b, [pb])
                cnt_a = plsc.all_reduce_population_count(va < seg_lo)
                cnt_b = plsc.all_reduce_population_count(vb < seg_hi)
                la = jnp.minimum(la + jnp.max(cnt_a) * step, n)
                lb = jnp.minimum(lb + jnp.max(cnt_b) * step, n)
        frag_lo, frag_hi = la, lb
        sc_search.__exit__(None, None, None)
        sc_zero = jax.named_scope("zero_and_prefetch")
        sc_zero.__enter__()

        c_lo = frag_lo >> _CHUNK_SHIFT
        c_hi = (frag_hi + (_CHUNK - 1)) >> _CHUNK_SHIFT
        nch = c_hi - c_lo
        mid_hi = jnp.maximum(nch - 1, 1)

        def chunk_base(c):
            return pl.multiple_of((c_lo + c) * _CHUNK, _CHUNK)

        def bchunk_copy(glob, base, buf, sem):
            if tail != _CHUNK:
                @pl.when(glob == n_chunks - 1)
                def _():
                    pltpu.make_async_copy(
                        idx_hbm.at[pl.ds(base, tail)],
                        buf.at[pl.ds(0, tail)], sem).start()

                @pl.when(glob != n_chunks - 1)
                def _():
                    pltpu.make_async_copy(
                        idx_hbm.at[pl.ds(base, _CHUNK)], buf, sem).start()
            else:
                pltpu.make_async_copy(
                    idx_hbm.at[pl.ds(base, _CHUNK)], buf, sem).start()

        def bchunk_wait_process(glob, base, buf, sem):
            def masked_subchunks(n_sub):
                @plsc.parallel_loop(0, n_sub, unroll=8)
                def _(j):
                    v = buf[pl.ds(j * 16, 16)]
                    m = (v >= seg_lo) & (v < seg_hi)
                    lv = jnp.where(m, v - seg_lo, 0)
                    plsc.addupdate_scatter(counts_v, [lv], ones16, mask=m)

            if tail != _CHUNK:
                @pl.when(glob == n_chunks - 1)
                def _():
                    pltpu.make_async_copy(
                        idx_hbm.at[pl.ds(base, tail)],
                        buf.at[pl.ds(0, tail)], sem).wait()
                    masked_subchunks(tail // 16)

                @pl.when(glob != n_chunks - 1)
                def _():
                    pltpu.make_async_copy(
                        idx_hbm.at[pl.ds(base, _CHUNK)], buf, sem).wait()
                    masked_subchunks(_CHUNK // 16)
            else:
                pltpu.make_async_copy(
                    idx_hbm.at[pl.ds(base, _CHUNK)], buf, sem).wait()
                masked_subchunks(_CHUNK // 16)

        def start(c, buf, sem):
            pltpu.make_async_copy(
                idx_hbm.at[pl.ds(chunk_base(c), _CHUNK)], buf, sem).start()

        def wait(c, buf, sem):
            pltpu.make_async_copy(
                idx_hbm.at[pl.ds(chunk_base(c), _CHUNK)], buf, sem).wait()

        @pl.when(mid_hi > 1)
        def _():
            start(1, buf_a, sem_a)

        @pl.when(nch >= 1)
        def _():
            bchunk_copy(c_lo, chunk_base(0), buf_e, sem_e)

        @pl.when(nch >= 2)
        def _():
            bchunk_copy(c_hi - 1, chunk_base(nch - 1), buf_c, sem_c)

        @plsc.parallel_loop(0, seg_per_w // 16, unroll=8)
        def _(j):
            counts_v[pl.ds(j * 16, 16)] = zeros16

        sc_zero.__exit__(None, None, None)
        sc_hist = jax.named_scope("histogram")
        sc_hist.__enter__()
        @pl.when(nch >= 1)
        def _():
            bchunk_wait_process(c_lo, chunk_base(0), buf_e, sem_e)

        def process(buf):
            @plsc.parallel_loop(0, _CHUNK // 16, unroll=8)
            def _(j):
                v = buf[pl.ds(j * 16, 16)]
                plsc.addupdate_scatter(counts_v, [v - seg_lo], ones16)

        @pl.loop(1, mid_hi, step=2)
        def _(c):
            @pl.when(c + 1 < mid_hi)
            def _():
                start(c + 1, buf_b, sem_b)
            wait(c, buf_a, sem_a)
            process(buf_a)

            @pl.when(c + 1 < mid_hi)
            def _():
                @pl.when(c + 2 < mid_hi)
                def _():
                    start(c + 2, buf_a, sem_a)
                wait(c + 1, buf_b, sem_b)
                process(buf_b)

        @pl.when(nch >= 2)
        def _():
            bchunk_wait_process(c_hi - 1, chunk_base(nch - 1), buf_c, sem_c)

        sc_hist.__exit__(None, None, None)
        sc_read = jax.named_scope("readout")
        sc_read.__enter__()
        pltpu.make_async_copy(gix_hbm, gi_v, sem_t).wait()
        pltpu.make_async_copy(w_hbm, wt_v, sem_t).wait()
        pltpu.make_async_copy(b_hbm, bt_v, sem_t).wait()
        for t in range(g_n // 16):
            g16 = gi_v[pl.ds(t * 16, 16)]
            wg_v[pl.ds(t * 16, 16)] = plsc.load_gather(wt_v, [g16])
            bg_v[pl.ds(t * 16, 16)] = plsc.load_gather(bt_v, [g16])

        for blk in range(_OUT_BLOCKS):
            @plsc.parallel_loop(blk * blk_rows, (blk + 1) * blk_rows,
                                unroll=8)
            def _(r):
                row = r * g_n
                for t in range(g_n // 16):
                    off = row + t * 16
                    counts_v[pl.ds(off, 16)] = (
                        counts_v[pl.ds(off, 16)] * wg_v[pl.ds(t * 16, 16)]
                        + bg_v[pl.ds(t * 16, 16)])
            pltpu.make_async_copy(
                counts_v.at[pl.ds(blk * blk_seg, blk_seg)],
                out_hbm.at[pl.ds(
                    pl.multiple_of(seg_lo + blk * blk_seg, blk_seg),
                    blk_seg)],
                sem_o).start()

        for blk in range(_OUT_BLOCKS):
            pltpu.make_async_copy(
                counts_v.at[pl.ds(blk * blk_seg, blk_seg)],
                out_hbm.at[pl.ds(
                    pl.multiple_of(seg_lo + blk * blk_seg, blk_seg),
                    blk_seg)],
                sem_o).wait()
        sc_read.__exit__(None, None, None)

    return k(idx_p, gene_ix, w_flat, b_flat)


def kernel(fragment_coordinates, fragment_cellxgene_ix, fragment_gene_ix,
           cell_n, gene_n, gene_ix, weight1, bias1):
    g_n = gene_ix.shape[0]
    seg_total = _CELL_N * g_n
    idx = fragment_cellxgene_ix.astype(jnp.int32)
    n = idx.shape[0]
    if n % 16:
        n_pad = ((n + 16) // 16) * 16
        idx = jnp.concatenate(
            [idx, jnp.full((n_pad - n,), seg_total, jnp.int32)])
    out_flat = _sc_expression(
        idx,
        gene_ix.astype(jnp.int32),
        weight1.reshape(-1).astype(jnp.float32),
        bias1.astype(jnp.float32),
        seg_total,
    )
    return out_flat.reshape(_CELL_N, g_n)

# --- scband reference (transcript-rebuilt; emitter-appended) ---
"""Pipeline reference for scband-fragments-to-expression-25769803776512 (READ-ONLY COPY).

The authoritative reference and input builder live on the scoring server;
editing this copy changes nothing except your own understanding.
"""

import jax, jax.numpy as jnp
import numpy as np


def setup_inputs(seed: int = 0) -> dict:
    key = jax.random.key(seed)
    k1, k2, k3 = jax.random.split(key, 3)
    N = 3200000
    cell_n = 16384
    gene_n = 128
    n_genes = 128
    fragment_coordinates = jax.random.normal(k1, (N, 2), dtype=jnp.float32)
    fragment_cellxgene_ix = jnp.sort(jax.random.randint(k2, (N,), 0, cell_n * gene_n))
    fragment_gene_ix = jax.random.randint(k3, (N,), 0, n_genes)
    gene_ix = jnp.arange(gene_n)
    # learned parameters (per module __init__: weight1 zero-initialized, bias1 = mean_gene_expression = zeros)
    weight1 = jnp.zeros((n_genes, 1), dtype=jnp.float32)
    bias1 = jnp.zeros((n_genes,), dtype=jnp.float32)
    return {
        "fragment_coordinates": fragment_coordinates,
        "fragment_cellxgene_ix": fragment_cellxgene_ix,
        "fragment_gene_ix": fragment_gene_ix,
        "cell_n": cell_n,
        "gene_n": gene_n,
        "gene_ix": gene_ix,
        "weight1": weight1,
        "bias1": bias1,
    }


def reference(fragment_coordinates, fragment_cellxgene_ix, fragment_gene_ix, cell_n, gene_n, gene_ix, weight1, bias1):
    gene_n_static = gene_ix.shape[0]
    cell_n_static = 16384
    # FragmentEmbedder: dummy embedding of ones, shape [N, 1]
    fragment_embedding = jnp.ones((fragment_coordinates.shape[0], 1), dtype=jnp.float32)
    # EmbeddingGenePooler: segment_sum over sorted cellxgene indices
    cellxgene_embedding = jax.ops.segment_sum(
        fragment_embedding, fragment_cellxgene_ix, num_segments=cell_n_static * gene_n_static
    )
    cell_gene_embedding = cellxgene_embedding.reshape((cell_n_static, gene_n_static, cellxgene_embedding.shape[-1]))
    # EmbeddingToExpression: gene-specific linear readout
    expression_predicted = (cell_gene_embedding * weight1[gene_ix]).sum(-1) + bias1[gene_ix]
    anchor = jnp.asarray(cell_n * gene_n - cell_n_static * gene_n_static, dtype=jnp.float32) * 0.0
    return expression_predicted + anchor

if __name__ == "__main__":
    import jax
    _d = setup_inputs()
    print(jax.jit(kernel)(*tuple(_d.values())))

</pallas_src>

<mosaic_0001>
#map = affine_map<(d0, d1) -> (0)>
module attributes {stable_mosaic.version = 14 : i64} {
  func.func @k(%arg0: i32, %arg1: i32, %arg2: memref<3200000xi32, #tpu.memory_space<hbm>>, %arg3: memref<128xi32, #tpu.memory_space<hbm>>, %arg4: memref<128xf32, #tpu.memory_space<hbm>>, %arg5: memref<128xf32, #tpu.memory_space<hbm>>, %arg6: memref<2097152xf32, #tpu.memory_space<hbm>>, %arg7: memref<65536xf32, #tpu.memory_space<vmem>>, %arg8: memref<8192xi32, #tpu.memory_space<vmem>>, %arg9: memref<8192xi32, #tpu.memory_space<vmem>>, %arg10: memref<8192xi32, #tpu.memory_space<vmem>>, %arg11: memref<8192xi32, #tpu.memory_space<vmem>>, %arg12: memref<16xi32, #tpu.memory_space<vmem>>, %arg13: memref<16xi32, #tpu.memory_space<vmem>>, %arg14: memref<16xi32, #tpu.memory_space<vmem>>, %arg15: memref<16xi32, #tpu.memory_space<vmem>>, %arg16: memref<128xi32, #tpu.memory_space<vmem>>, %arg17: memref<128xf32, #tpu.memory_space<vmem>>, %arg18: memref<128xf32, #tpu.memory_space<vmem>>, %arg19: memref<128xf32, #tpu.memory_space<vmem>>, %arg20: memref<128xf32, #tpu.memory_space<vmem>>, %arg21: memref<!tpu.dma_semaphore, #tpu.memory_space<semaphore_mem>>, %arg22: memref<!tpu.dma_semaphore, #tpu.memory_space<semaphore_mem>>, %arg23: memref<!tpu.dma_semaphore, #tpu.memory_space<semaphore_mem>>, %arg24: memref<!tpu.dma_semaphore, #tpu.memory_space<semaphore_mem>>, %arg25: memref<!tpu.dma_semaphore, #tpu.memory_space<semaphore_mem>>, %arg26: memref<!tpu.dma_semaphore, #tpu.memory_space<semaphore_mem>>) attributes {dimension_semantics = [#tpu.dimension_semantics<core_parallel>, #tpu.dimension_semantics<subcore_parallel>], iteration_bounds = array<i64: 2, 16>, scalar_prefetch = 0 : i64, scratch_operands = 20 : i64, tpu.core_type = #tpu.core_type<sc_vector_subcore>, window_params = [{transform_indices = #map}, {transform_indices = #map}, {transform_indices = #map}, {transform_indices = #map}, {transform_indices = #map}]} {
    %mul3A = arith.constant 2 : i32
    %mul3A_0 = arith.muli %arg1, %mul3A : i32
    %add3A = arith.addi %mul3A_0, %arg0 : i32
    %mul3A_1 = arith.constant 65536 : i32
    %mul3A_2 = arith.muli %add3A, %mul3A_1 : i32
    %add3A_3 = arith.constant 65536 : i32
    %add3A_4 = arith.addi %mul3A_2, %add3A_3 : i32
    %broadcast_in_dim3A = arith.constant 0.000000e+00 : f32
    %broadcast_in_dim3A_5 = vector.broadcast %broadcast_in_dim3A : f32 to vector<16xf32>
    %broadcast_in_dim3A_6 = arith.constant 1.000000e+00 : f32
    %broadcast_in_dim3A_7 = vector.broadcast %broadcast_in_dim3A_6 : f32 to vector<16xf32>
    %iota3A = tpu.iota {dimensions = array<i32: 0>} : vector<16xi32>
    tpu.enqueue_dma source(%arg3 : memref<128xi32, #tpu.memory_space<hbm>>) target(%arg16 : memref<128xi32, #tpu.memory_space<vmem>>) target_semaphore(%arg25 : memref<!tpu.dma_semaphore, #tpu.memory_space<semaphore_mem>>)
    tpu.enqueue_dma source(%arg4 : memref<128xf32, #tpu.memory_space<hbm>>) target(%arg17 : memref<128xf32, #tpu.memory_space<vmem>>) target_semaphore(%arg25 : memref<!tpu.dma_semaphore, #tpu.memory_space<semaphore_mem>>)
    tpu.enqueue_dma source(%arg5 : memref<128xf32, #tpu.memory_space<hbm>>) target(%arg18 : memref<128xf32, #tpu.memory_space<vmem>>) target_semaphore(%arg25 : memref<!tpu.dma_semaphore, #tpu.memory_space<semaphore_mem>>)
    "tpu.trace_start"() <{level = 10 : i32, message = "span_search"}> : () -> ()
    %add3A_8 = arith.constant 1 : i32
    %add3A_9 = vector.broadcast %add3A_8 : i32 to vector<16xi32>
    %add3A_10 = arith.addi %iota3A, %add3A_9 : vector<16xi32>
    %mul3A_11 = arith.constant 1048576 : i32
    %mul3A_12 = vector.broadcast %mul3A_11 : i32 to vector<16xi32>
    %mul3A_13 = arith.muli %add3A_10, %mul3A_12 : vector<16xi32>
    %add3A_14 = arith.constant 0 : i32
    %add3A_15 = vector.broadcast %add3A_14 : i32 to vector<16xi32>
    %add3A_16 = arith.addi %add3A_15, %mul3A_13 : vector<16xi32>
    %sub3A = arith.constant 1 : i32
    %sub3A_17 = vector.broadcast %sub3A : i32 to vector<16xi32>
    %sub3A_18 = arith.subi %add3A_16, %sub3A_17 : vector<16xi32>
    %min3A = arith.constant 3199999 : i32
    %min3A_19 = vector.broadcast %min3A : i32 to vector<16xi32>
    %min3A_20 = arith.minsi %sub3A_18, %min3A_19 : vector<16xi32>
    %swap3A = arith.constant 0 : index
    %swap3A_21 = tpu.vector_load %arg12[%swap3A] {strides = array<i32>} : memref<16xi32, #tpu.memory_space<vmem>>, vector<16xi32>,
    tpu.vector_store %arg12[%swap3A], %min3A_20 {strides = array<i32>} : memref<16xi32, #tpu.memory_space<vmem>>, vector<16xi32>,
    %add3A_22 = arith.constant 1 : i32
    %add3A_23 = vector.broadcast %add3A_22 : i32 to vector<16xi32>
    %add3A_24 = arith.addi %iota3A, %add3A_23 : vector<16xi32>
    %mul3A_25 = arith.constant 1048576 : i32
    %mul3A_26 = vector.broadcast %mul3A_25 : i32 to vector<16xi32>
    %mul3A_27 = arith.muli %add3A_24, %mul3A_26 : vector<16xi32>
    %add3A_28 = arith.constant 0 : i32
    %add3A_29 = vector.broadcast %add3A_28 : i32 to vector<16xi32>
    %add3A_30 = arith.addi %add3A_29, %mul3A_27 : vector<16xi32>
    %sub3A_31 = arith.constant 1 : i32
    %sub3A_32 = vector.broadcast %sub3A_31 : i32 to vector<16xi32>
    %sub3A_33 = arith.subi %add3A_30, %sub3A_32 : vector<16xi32>
    %min3A_34 = arith.constant 3199999 : i32
    %min3A_35 = vector.broadcast %min3A_34 : i32 to vector<16xi32>
    %min3A_36 = arith.minsi %sub3A_33, %min3A_35 : vector<16xi32>
    %swap3A_37 = arith.constant 0 : index
    %swap3A_38 = tpu.vector_load %arg13[%swap3A_37] {strides = array<i32>} : memref<16xi32, #tpu.memory_space<vmem>>, vector<16xi32>,
    tpu.vector_store %arg13[%swap3A_37], %min3A_36 {strides = array<i32>} : memref<16xi32, #tpu.memory_space<vmem>>, vector<16xi32>,
    %dma_start3A = arith.constant 0 : i32
    %dma_start3A_39 = tpu.memref_slice %arg2[%dma_start3A] : memref<3200000xi32, #tpu.memory_space<hbm>> -> memref<3200000xi32, #tpu.memory_space<hbm>>
    tpu.enqueue_indirect_dma source(%dma_start3A_39 : memref<3200000xi32, #tpu.memory_space<hbm>>) target(%arg14 : memref<16xi32, #tpu.memory_space<vmem>>) offsets(%arg12 : memref<16xi32, #tpu.memory_space<vmem>>) semaphore(%arg21 : memref<!tpu.dma_semaphore, #tpu.memory_space<semaphore_mem>>)
    %dma_start3A_40 = arith.constant 0 : i32
    %dma_start3A_41 = tpu.memref_slice %arg2[%dma_start3A_40] : memref<3200000xi32, #tpu.memory_space<hbm>> -> memref<3200000xi32, #tpu.memory_space<hbm>>
    tpu.enqueue_indirect_dma source(%dma_start3A_41 : memref<3200000xi32, #tpu.memory_space<hbm>>) target(%arg15 : memref<16xi32, #tpu.memory_space<vmem>>) offsets(%arg13 : memref<16xi32, #tpu.memory_space<vmem>>) semaphore(%arg22 : memref<!tpu.dma_semaphore, #tpu.memory_space<semaphore_mem>>)
    %dma_wait3A = arith.constant 0 : i32
    %dma_wait3A_42 = tpu.memref_slice %arg2[%dma_wait3A] : memref<3200000xi32, #tpu.memory_space<hbm>> -> memref<3200000xi32, #tpu.memory_space<hbm>>
    tpu.wait_indirect_dma semaphore(%arg21 : memref<!tpu.dma_semaphore, #tpu.memory_space<semaphore_mem>>) src(%dma_wait3A_42 : memref<3200000xi32, #tpu.memory_space<hbm>>) dst(%arg14 : memref<16xi32, #tpu.memory_space<vmem>>)
    %dma_wait3A_43 = arith.constant 0 : i32
    %dma_wait3A_44 = tpu.memref_slice %arg2[%dma_wait3A_43] : memref<3200000xi32, #tpu.memory_space<hbm>> -> memref<3200000xi32, #tpu.memory_space<hbm>>
    tpu.wait_indirect_dma semaphore(%arg22 : memref<!tpu.dma_semaphore, #tpu.memory_space<semaphore_mem>>) src(%dma_wait3A_44 : memref<3200000xi32, #tpu.memory_space<hbm>>) dst(%arg15 : memref<16xi32, #tpu.memory_space<vmem>>)
    %get3A = arith.constant 0 : index
    %get3A_45 = tpu.vector_load %arg14[%get3A] {strides = array<i32>} : memref<16xi32, #tpu.memory_space<vmem>>, vector<16xi32>,
    %lt3A = vector.broadcast %mul3A_2 : i32 to vector<16xi32>
    %lt3A_46 = arith.cmpi slt, %get3A_45, %lt3A : vector<16xi32>
    %all_reduce_population_count3A = tpu.all_reduce %lt3A_46 {dim = 0 : i64, kind = #tpu.reduction_kind<sum>} : vector<16xi1> -> vector<16xi32>
    %get3A_47 = arith.constant 0 : index
    %get3A_48 = tpu.vector_load %arg15[%get3A_47] {strides = array<i32>} : memref<16xi32, #tpu.memory_space<vmem>>, vector<16xi32>,
    %lt3A_49 = vector.broadcast %add3A_4 : i32 to vector<16xi32>
    %lt3A_50 = arith.cmpi slt, %get3A_48, %lt3A_49 : vector<16xi32>
    %all_reduce_population_count3A_51 = tpu.all_reduce %lt3A_50 {dim = 0 : i64, kind = #tpu.reduction_kind<sum>} : vector<16xi1> -> vector<16xi32>
    %reduce_max3A = arith.constant true
    %reduce_max3A_52 = vector.broadcast %reduce_max3A : i1 to vector<16xi1>
    %reduce_max3A_53 = arith.constant -2147483648 : i32
    %reduce_max3A_54 = vector.broadcast %reduce_max3A_53 : i32 to vector<16xi32>
    %reduce_max3A_55 = arith.xori %all_reduce_population_count3A, %reduce_max3A_54 : vector<16xi32>
    %reduce_max3A_56 = tpu.scan <max>, %reduce_max3A_55 masked %reduce_max3A_52 : vector<16xi32>, vector<16xi1> -> vector<16xi32>
    %reduce_max3A_57 = arith.xori %reduce_max3A_56, %reduce_max3A_54 : vector<16xi32>
    %reduce_max3A_58 = vector.extract %reduce_max3A_57[15] : i32 from vector<16xi32>
    %mul3A_59 = arith.constant 1048576 : i32
    %mul3A_60 = arith.muli %reduce_max3A_58, %mul3A_59 : i32
    %add3A_61 = arith.constant 0 : i32
    %add3A_62 = arith.addi %add3A_61, %mul3A_60 : i32
    %min3A_63 = arith.constant 3200000 : i32
    %min3A_64 = arith.minsi %add3A_62, %min3A_63 : i32
    %reduce_max3A_65 = arith.constant true
    %reduce_max3A_66 = vector.broadcast %reduce_max3A_65 : i1 to vector<16xi1>
    %reduce_max3A_67 = arith.constant -2147483648 : i32
    %reduce_max3A_68 = vector.broadcast %reduce_max3A_67 : i32 to vector<16xi32>
    %reduce_max3A_69 = arith.xori %all_reduce_population_count3A_51, %reduce_max3A_68 : vector<16xi32>
    %reduce_max3A_70 = tpu.scan <max>, %reduce_max3A_69 masked %reduce_max3A_66 : vector<16xi32>, vector<16xi1> -> vector<16xi32>
    %reduce_max3A_71 = arith.xori %reduce_max3A_70, %reduce_max3A_68 : vector<16xi32>
    %reduce_max3A_72 = vector.extract %reduce_max3A_71[15] : i32 from vector<16xi32>
    %mul3A_73 = arith.constant 1048576 : i32
    %mul3A_74 = arith.muli %reduce_max3A_72, %mul3A_73 : i32
    %add3A_75 = arith.constant 0 : i32
    %add3A_76 = arith.addi %add3A_75, %mul3A_74 : i32
    %min3A_77 = arith.constant 3200000 : i32
    %min3A_78 = arith.minsi %add3A_76, %min3A_77 : i32
    %add3A_79 = arith.constant 1 : i32
    %add3A_80 = vector.broadcast %add3A_79 : i32 to vector<16xi32>
    %add3A_81 = arith.addi %iota3A, %add3A_80 : vector<16xi32>
    %mul3A_82 = arith.constant 65536 : i32
    %mul3A_83 = vector.broadcast %mul3A_82 : i32 to vector<16xi32>
    %mul3A_84 = arith.muli %add3A_81, %mul3A_83 : vector<16xi32>
    %add3A_85 = vector.broadcast %min3A_64 : i32 to vector<16xi32>
    %add3A_86 = arith.addi %add3A_85, %mul3A_84 : vector<16xi32>
    %sub3A_87 = arith.constant 1 : i32
    %sub3A_88 = vector.broadcast %sub3A_87 : i32 to vector<16xi32>
    %sub3A_89 = arith.subi %add3A_86, %sub3A_88 : vector<16xi32>
    %min3A_90 = arith.constant 3199999 : i32
    %min3A_91 = vector.broadcast %min3A_90 : i32 to vector<16xi32>
    %min3A_92 = arith.minsi %sub3A_89, %min3A_91 : vector<16xi32>
    %swap3A_93 = arith.constant 0 : index
    %swap3A_94 = tpu.vector_load %arg12[%swap3A_93] {strides = array<i32>} : memref<16xi32, #tpu.memory_space<vmem>>, vector<16xi32>,
    tpu.vector_store %arg12[%swap3A_93], %min3A_92 {strides = array<i32>} : memref<16xi32, #tpu.memory_space<vmem>>, vector<16xi32>,
    %add3A_95 = arith.constant 1 : i32
    %add3A_96 = vector.broadcast %add3A_95 : i32 to vector<16xi32>
    %add3A_97 = arith.addi %iota3A, %add3A_96 : vector<16xi32>
    %mul3A_98 = arith.constant 65536 : i32
    %mul3A_99 = vector.broadcast %mul3A_98 : i32 to vector<16xi32>
    %mul3A_100 = arith.muli %add3A_97, %mul3A_99 : vector<16xi32>
    %add3A_101 = vector.broadcast %min3A_78 : i32 to vector<16xi32>
    %add3A_102 = arith.addi %add3A_101, %mul3A_100 : vector<16xi32>
    %sub3A_103 = arith.constant 1 : i32
    %sub3A_104 = vector.broadcast %sub3A_103 : i32 to vector<16xi32>
    %sub3A_105 = arith.subi %add3A_102, %sub3A_104 : vector<16xi32>
    %min3A_106 = arith.constant 3199999 : i32
    %min3A_107 = vector.broadcast %min3A_106 : i32 to vector<16xi32>
    %min3A_108 = arith.minsi %sub3A_105, %min3A_107 : vector<16xi32>
    %swap3A_109 = arith.constant 0 : index
    %swap3A_110 = tpu.vector_load %arg13[%swap3A_109] {strides = array<i32>} : memref<16xi32, #tpu.memory_space<vmem>>, vector<16xi32>,
    tpu.vector_store %arg13[%swap3A_109], %min3A_108 {strides = array<i32>} : memref<16xi32, #tpu.memory_space<vmem>>, vector<16xi32>,
    %dma_start3A_111 = arith.constant 0 : i32
    %dma_start3A_112 = tpu.memref_slice %arg2[%dma_start3A_111] : memref<3200000xi32, #tpu.memory_space<hbm>> -> memref<3200000xi32, #tpu.memory_space<hbm>>
    tpu.enqueue_indirect_dma source(%dma_start3A_112 : memref<3200000xi32, #tpu.memory_space<hbm>>) target(%arg14 : memref<16xi32, #tpu.memory_space<vmem>>) offsets(%arg12 : memref<16xi32, #tpu.memory_space<vmem>>) semaphore(%arg21 : memref<!tpu.dma_semaphore, #tpu.memory_space<semaphore_mem>>)
    %dma_start3A_113 = arith.constant 0 : i32
    %dma_start3A_114 = tpu.memref_slice %arg2[%dma_start3A_113] : memref<3200000xi32, #tpu.memory_space<hbm>> -> memref<3200000xi32, #tpu.memory_space<hbm>>
    tpu.enqueue_indirect_dma source(%dma_start3A_114 : memref<3200000xi32, #tpu.memory_space<hbm>>) target(%arg15 : memref<16xi32, #tpu.memory_space<vmem>>) offsets(%arg13 : memref<16xi32, #tpu.memory_space<vmem>>) semaphore(%arg22 : memref<!tpu.dma_semaphore, #tpu.memory_space<semaphore_mem>>)
    %dma_wait3A_115 = arith.constant 0 : i32
    %dma_wait3A_116 = tpu.memref_slice %arg2[%dma_wait3A_115] : memref<3200000xi32, #tpu.memory_space<hbm>> -> memref<3200000xi32, #tpu.memory_space<hbm>>
    tpu.wait_indirect_dma semaphore(%arg21 : memref<!tpu.dma_semaphore, #tpu.memory_space<semaphore_mem>>) src(%dma_wait3A_116 : memref<3200000xi32, #tpu.memory_space<hbm>>) dst(%arg14 : memref<16xi32, #tpu.memory_space<vmem>>)
    %dma_wait3A_117 = arith.constant 0 : i32
    %dma_wait3A_118 = tpu.memref_slice %arg2[%dma_wait3A_117] : memref<3200000xi32, #tpu.memory_space<hbm>> -> memref<3200000xi32, #tpu.memory_space<hbm>>
    tpu.wait_indirect_dma semaphore(%arg22 : memref<!tpu.dma_semaphore, #tpu.memory_space<semaphore_mem>>) src(%dma_wait3A_118 : memref<3200000xi32, #tpu.memory_space<hbm>>) dst(%arg15 : memref<16xi32, #tpu.memory_space<vmem>>)
    %get3A_119 = arith.constant 0 : index
    %get3A_120 = tpu.vector_load %arg14[%get3A_119] {strides = array<i32>} : memref<16xi32, #tpu.memory_space<vmem>>, vector<16xi32>,
    %lt3A_121 = vector.broadcast %mul3A_2 : i32 to vector<16xi32>
    %lt3A_122 = arith.cmpi slt, %get3A_120, %lt3A_121 : vector<16xi32>
    %all_reduce_population_count3A_123 = tpu.all_reduce %lt3A_122 {dim = 0 : i64, kind = #tpu.reduction_kind<sum>} : vector<16xi1> -> vector<16xi32>
    %get3A_124 = arith.constant 0 : index
    %get3A_125 = tpu.vector_load %arg15[%get3A_124] {strides = array<i32>} : memref<16xi32, #tpu.memory_space<vmem>>, vector<16xi32>,
    %lt3A_126 = vector.broadcast %add3A_4 : i32 to vector<16xi32>
    %lt3A_127 = arith.cmpi slt, %get3A_125, %lt3A_126 : vector<16xi32>
    %all_reduce_population_count3A_128 = tpu.all_reduce %lt3A_127 {dim = 0 : i64, kind = #tpu.reduction_kind<sum>} : vector<16xi1> -> vector<16xi32>
    %reduce_max3A_129 = arith.constant true
    %reduce_max3A_130 = vector.broadcast %reduce_max3A_129 : i1 to vector<16xi1>
    %reduce_max3A_131 = arith.constant -2147483648 : i32
    %reduce_max3A_132 = vector.broadcast %reduce_max3A_131 : i32 to vector<16xi32>
    %reduce_max3A_133 = arith.xori %all_reduce_population_count3A_123, %reduce_max3A_132 : vector<16xi32>
    %reduce_max3A_134 = tpu.scan <max>, %reduce_max3A_133 masked %reduce_max3A_130 : vector<16xi32>, vector<16xi1> -> vector<16xi32>
    %reduce_max3A_135 = arith.xori %reduce_max3A_134, %reduce_max3A_132 : vector<16xi32>
    %reduce_max3A_136 = vector.extract %reduce_max3A_135[15] : i32 from vector<16xi32>
    %mul3A_137 = arith.constant 65536 : i32
    %mul3A_138 = arith.muli %reduce_max3A_136, %mul3A_137 : i32
    %add3A_139 = arith.addi %min3A_64, %mul3A_138 : i32
    %min3A_140 = arith.constant 3200000 : i32
    %min3A_141 = arith.minsi %add3A_139, %min3A_140 : i32
    %reduce_max3A_142 = arith.constant true
    %reduce_max3A_143 = vector.broadcast %reduce_max3A_142 : i1 to vector<16xi1>
    %reduce_max3A_144 = arith.constant -2147483648 : i32
    %reduce_max3A_145 = vector.broadcast %reduce_max3A_144 : i32 to vector<16xi32>
    %reduce_max3A_146 = arith.xori %all_reduce_population_count3A_128, %reduce_max3A_145 : vector<16xi32>
    %reduce_max3A_147 = tpu.scan <max>, %reduce_max3A_146 masked %reduce_max3A_143 : vector<16xi32>, vector<16xi1> -> vector<16xi32>
    %reduce_max3A_148 = arith.xori %reduce_max3A_147, %reduce_max3A_145 : vector<16xi32>
    %reduce_max3A_149 = vector.extract %reduce_max3A_148[15] : i32 from vector<16xi32>
    %mul3A_150 = arith.constant 65536 : i32
    %mul3A_151 = arith.muli %reduce_max3A_149, %mul3A_150 : i32
    %add3A_152 = arith.addi %min3A_78, %mul3A_151 : i32
    %min3A_153 = arith.constant 3200000 : i32
    %min3A_154 = arith.minsi %add3A_152, %min3A_153 : i32
    %add3A_155 = arith.constant 1 : i32
    %add3A_156 = vector.broadcast %add3A_155 : i32 to vector<16xi32>
    %add3A_157 = arith.addi %iota3A, %add3A_156 : vector<16xi32>
    %mul3A_158 = arith.constant 4096 : i32
    %mul3A_159 = vector.broadcast %mul3A_158 : i32 to vector<16xi32>
    %mul3A_160 = arith.muli %add3A_157, %mul3A_159 : vector<16xi32>
    %add3A_161 = vector.broadcast %min3A_141 : i32 to vector<16xi32>
    %add3A_162 = arith.addi %add3A_161, %mul3A_160 : vector<16xi32>
    %sub3A_163 = arith.constant 1 : i32
    %sub3A_164 = vector.broadcast %sub3A_163 : i32 to vector<16xi32>
    %sub3A_165 = arith.subi %add3A_162, %sub3A_164 : vector<16xi32>
    %min3A_166 = arith.constant 3199999 : i32
    %min3A_167 = vector.broadcast %min3A_166 : i32 to vector<16xi32>
    %min3A_168 = arith.minsi %sub3A_165, %min3A_167 : vector<16xi32>
    %swap3A_169 = arith.constant 0 : index
    %swap3A_170 = tpu.vector_load %arg12[%swap3A_169] {strides = array<i32>} : memref<16xi32, #tpu.memory_space<vmem>>, vector<16xi32>,
    tpu.vector_store %arg12[%swap3A_169], %min3A_168 {strides = array<i32>} : memref<16xi32, #tpu.memory_space<vmem>>, vector<16xi32>,
    %add3A_171 = arith.constant 1 : i32
    %add3A_172 = vector.broadcast %add3A_171 : i32 to vector<16xi32>
    %add3A_173 = arith.addi %iota3A, %add3A_172 : vector<16xi32>
    %mul3A_174 = arith.constant 4096 : i32
    %mul3A_175 = vector.broadcast %mul3A_174 : i32 to vector<16xi32>
    %mul3A_176 = arith.muli %add3A_173, %mul3A_175 : vector<16xi32>
    %add3A_177 = vector.broadcast %min3A_154 : i32 to vector<16xi32>
    %add3A_178 = arith.addi %add3A_177, %mul3A_176 : vector<16xi32>
    %sub3A_179 = arith.constant 1 : i32
    %sub3A_180 = vector.broadcast %sub3A_179 : i32 to vector<16xi32>
    %sub3A_181 = arith.subi %add3A_178, %sub3A_180 : vector<16xi32>
    %min3A_182 = arith.constant 3199999 : i32
    %min3A_183 = vector.broadcast %min3A_182 : i32 to vector<16xi32>
    %min3A_184 = arith.minsi %sub3A_181, %min3A_183 : vector<16xi32>
    %swap3A_185 = arith.constant 0 : index
    %swap3A_186 = tpu.vector_load %arg13[%swap3A_185] {strides = array<i32>} : memref<16xi32, #tpu.memory_space<vmem>>, vector<16xi32>,
    tpu.vector_store %arg13[%swap3A_185], %min3A_184 {strides = array<i32>} : memref<16xi32, #tpu.memory_space<vmem>>, vector<16xi32>,
    %dma_start3A_187 = arith.constant 0 : i32
    %dma_start3A_188 = tpu.memref_slice %arg2[%dma_start3A_187] : memref<3200000xi32, #tpu.memory_space<hbm>> -> memref<3200000xi32, #tpu.memory_space<hbm>>
    tpu.enqueue_indirect_dma source(%dma_start3A_188 : memref<3200000xi32, #tpu.memory_space<hbm>>) target(%arg14 : memref<16xi32, #tpu.memory_space<vmem>>) offsets(%arg12 : memref<16xi32, #tpu.memory_space<vmem>>) semaphore(%arg21 : memref<!tpu.dma_semaphore, #tpu.memory_space<semaphore_mem>>)
    %dma_start3A_189 = arith.constant 0 : i32
    %dma_start3A_190 = tpu.memref_slice %arg2[%dma_start3A_189] : memref<3200000xi32, #tpu.memory_space<hbm>> -> memref<3200000xi32, #tpu.memory_space<hbm>>
    tpu.enqueue_indirect_dma source(%dma_start3A_190 : memref<3200000xi32, #tpu.memory_space<hbm>>) target(%arg15 : memref<16xi32, #tpu.memory_space<vmem>>) offsets(%arg13 : memref<16xi32, #tpu.memory_space<vmem>>) semaphore(%arg22 : memref<!tpu.dma_semaphore, #tpu.memory_space<semaphore_mem>>)
    %dma_wait3A_191 = arith.constant 0 : i32
    %dma_wait3A_192 = tpu.memref_slice %arg2[%dma_wait3A_191] : memref<3200000xi32, #tpu.memory_space<hbm>> -> memref<3200000xi32, #tpu.memory_space<hbm>>
    tpu.wait_indirect_dma semaphore(%arg21 : memref<!tpu.dma_semaphore, #tpu.memory_space<semaphore_mem>>) src(%dma_wait3A_192 : memref<3200000xi32, #tpu.memory_space<hbm>>) dst(%arg14 : memref<16xi32, #tpu.memory_space<vmem>>)
    %dma_wait3A_193 = arith.constant 0 : i32
    %dma_wait3A_194 = tpu.memref_slice %arg2[%dma_wait3A_193] : memref<3200000xi32, #tpu.memory_space<hbm>> -> memref<3200000xi32, #tpu.memory_space<hbm>>
    tpu.wait_indirect_dma semaphore(%arg22 : memref<!tpu.dma_semaphore, #tpu.memory_space<semaphore_mem>>) src(%dma_wait3A_194 : memref<3200000xi32, #tpu.memory_space<hbm>>) dst(%arg15 : memref<16xi32, #tpu.memory_space<vmem>>)
    %get3A_195 = arith.constant 0 : index
    %get3A_196 = tpu.vector_load %arg14[%get3A_195] {strides = array<i32>} : memref<16xi32, #tpu.memory_space<vmem>>, vector<16xi32>,
    %lt3A_197 = vector.broadcast %mul3A_2 : i32 to vector<16xi32>
    %lt3A_198 = arith.cmpi slt, %get3A_196, %lt3A_197 : vector<16xi32>
    %all_reduce_population_count3A_199 = tpu.all_reduce %lt3A_198 {dim = 0 : i64, kind = #tpu.reduction_kind<sum>} : vector<16xi1> -> vector<16xi32>
    %get3A_200 = arith.constant 0 : index
    %get3A_201 = tpu.vector_load %arg15[%get3A_200] {strides = array<i32>} : memref<16xi32, #tpu.memory_space<vmem>>, vector<16xi32>,
    %lt3A_202 = vector.broadcast %add3A_4 : i32 to vector<16xi32>
    %lt3A_203 = arith.cmpi slt, %get3A_201, %lt3A_202 : vector<16xi32>
    %all_reduce_population_count3A_204 = tpu.all_reduce %lt3A_203 {dim = 0 : i64, kind = #tpu.reduction_kind<sum>} : vector<16xi1> -> vector<16xi32>
    %reduce_max3A_205 = arith.constant true
    %reduce_max3A_206 = vector.broadcast %reduce_max3A_205 : i1 to vector<16xi1>
    %reduce_max3A_207 = arith.constant -2147483648 : i32
    %reduce_max3A_208 = vector.broadcast %reduce_max3A_207 : i32 to vector<16xi32>
    %reduce_max3A_209 = arith.xori %all_reduce_population_count3A_199, %reduce_max3A_208 : vector<16xi32>
    %reduce_max3A_210 = tpu.scan <max>, %reduce_max3A_209 masked %reduce_max3A_206 : vector<16xi32>, vector<16xi1> -> vector<16xi32>
    %reduce_max3A_211 = arith.xori %reduce_max3A_210, %reduce_max3A_208 : vector<16xi32>
    %reduce_max3A_212 = vector.extract %reduce_max3A_211[15] : i32 from vector<16xi32>
    %mul3A_213 = arith.constant 4096 : i32
    %mul3A_214 = arith.muli %reduce_max3A_212, %mul3A_213 : i32
    %add3A_215 = arith.addi %min3A_141, %mul3A_214 : i32
    %min3A_216 = arith.constant 3200000 : i32
    %min3A_217 = arith.minsi %add3A_215, %min3A_216 : i32
    %reduce_max3A_218 = arith.constant true
    %reduce_max3A_219 = vector.broadcast %reduce_max3A_218 : i1 to vector<16xi1>
    %reduce_max3A_220 = arith.constant -2147483648 : i32
    %reduce_max3A_221 = vector.broadcast %reduce_max3A_220 : i32 to vector<16xi32>
    %reduce_max3A_222 = arith.xori %all_reduce_population_count3A_204, %reduce_max3A_221 : vector<16xi32>
    %reduce_max3A_223 = tpu.scan <max>, %reduce_max3A_222 masked %reduce_max3A_219 : vector<16xi32>, vector<16xi1> -> vector<16xi32>
    %reduce_max3A_224 = arith.xori %reduce_max3A_223, %reduce_max3A_221 : vector<16xi32>
    %reduce_max3A_225 = vector.extract %reduce_max3A_224[15] : i32 from vector<16xi32>
    %mul3A_226 = arith.constant 4096 : i32
    %mul3A_227 = arith.muli %reduce_max3A_225, %mul3A_226 : i32
    %add3A_228 = arith.addi %min3A_154, %mul3A_227 : i32
    %min3A_229 = arith.constant 3200000 : i32
    %min3A_230 = arith.minsi %add3A_228, %min3A_229 : i32
    %min3A_231 = arith.constant 3195904 : i32
    %min3A_232 = arith.minsi %min3A_217, %min3A_231 : i32
    %multiple_of3A = tpu.assume_multiple %min3A_232, 8 : i32
    %min3A_233 = arith.constant 3195904 : i32
    %min3A_234 = arith.minsi %min3A_230, %min3A_233 : i32
    %multiple_of3A_235 = tpu.assume_multiple %min3A_234, 8 : i32
    %dma_start3A_236 = arith.constant 0 : i32
    %dma_start3A_237 = tpu.memref_slice %arg8[%dma_start3A_236] : memref<8192xi32, #tpu.memory_space<vmem>> -> memref<4096xi32, #tpu.memory_space<vmem>>
    %dma_start3A_238 = tpu.memref_slice %arg2[%multiple_of3A] : memref<3200000xi32, #tpu.memory_space<hbm>> -> memref<4096xi32, #tpu.memory_space<hbm>>
    %dma_start3A_239 = arith.constant 0 : i32
    %dma_start3A_240 = tpu.memref_slice %arg8[%dma_start3A_239] : memref<8192xi32, #tpu.memory_space<vmem>> -> memref<4096xi32, #tpu.memory_space<vmem>>
    %dma_start3A_241 = tpu.memref_slice %arg2[%multiple_of3A] : memref<3200000xi32, #tpu.memory_space<hbm>> -> memref<4096xi32, #tpu.memory_space<hbm>>
    tpu.enqueue_dma source(%dma_start3A_241 : memref<4096xi32, #tpu.memory_space<hbm>>) target(%dma_start3A_240 : memref<4096xi32, #tpu.memory_space<vmem>>) target_semaphore(%arg21 : memref<!tpu.dma_semaphore, #tpu.memory_space<semaphore_mem>>)
    %dma_start3A_242 = arith.constant 0 : i32
    %dma_start3A_243 = tpu.memref_slice %arg9[%dma_start3A_242] : memref<8192xi32, #tpu.memory_space<vmem>> -> memref<4096xi32, #tpu.memory_space<vmem>>
    %dma_start3A_244 = tpu.memref_slice %arg2[%multiple_of3A_235] : memref<3200000xi32, #tpu.memory_space<hbm>> -> memref<4096xi32, #tpu.memory_space<hbm>>
    %dma_start3A_245 = arith.constant 0 : i32
    %dma_start3A_246 = tpu.memref_slice %arg9[%dma_start3A_245] : memref<8192xi32, #tpu.memory_space<vmem>> -> memref<4096xi32, #tpu.memory_space<vmem>>
    %dma_start3A_247 = tpu.memref_slice %arg2[%multiple_of3A_235] : memref<3200000xi32, #tpu.memory_space<hbm>> -> memref<4096xi32, #tpu.memory_space<hbm>>
    tpu.enqueue_dma source(%dma_start3A_247 : memref<4096xi32, #tpu.memory_space<hbm>>) target(%dma_start3A_246 : memref<4096xi32, #tpu.memory_space<vmem>>) target_semaphore(%arg22 : memref<!tpu.dma_semaphore, #tpu.memory_space<semaphore_mem>>)
    %dma_wait3A_248 = arith.constant 0 : i32
    %dma_wait3A_249 = tpu.memref_slice %arg8[%dma_wait3A_248] : memref<8192xi32, #tpu.memory_space<vmem>> -> memref<4096xi32, #tpu.memory_space<vmem>>
    %dma_wait3A_250 = tpu.memref_slice %arg2[%multiple_of3A] : memref<3200000xi32, #tpu.memory_space<hbm>> -> memref<4096xi32, #tpu.memory_space<hbm>>
    %dma_wait3A_251 = arith.constant 0 : i32
    %dma_wait3A_252 = tpu.memref_slice %arg8[%dma_wait3A_251] : memref<8192xi32, #tpu.memory_space<vmem>> -> memref<4096xi32, #tpu.memory_space<vmem>>
    %dma_wait3A_253 = tpu.memref_slice %arg2[%multiple_of3A] : memref<3200000xi32, #tpu.memory_space<hbm>> -> memref<4096xi32, #tpu.memory_space<hbm>>
    tpu.wait_dma2 semaphore(%arg21 : memref<!tpu.dma_semaphore, #tpu.memory_space<semaphore_mem>>) src(%dma_wait3A_253 : memref<4096xi32, #tpu.memory_space<hbm>>) dst(%dma_wait3A_252 : memref<4096xi32, #tpu.memory_space<vmem>>)
    %dma_wait3A_254 = arith.constant 0 : i32
    %dma_wait3A_255 = tpu.memref_slice %arg9[%dma_wait3A_254] : memref<8192xi32, #tpu.memory_space<vmem>> -> memref<4096xi32, #tpu.memory_space<vmem>>
    %dma_wait3A_256 = tpu.memref_slice %arg2[%multiple_of3A_235] : memref<3200000xi32, #tpu.memory_space<hbm>> -> memref<4096xi32, #tpu.memory_space<hbm>>
    %dma_wait3A_257 = arith.constant 0 : i32
    %dma_wait3A_258 = tpu.memref_slice %arg9[%dma_wait3A_257] : memref<8192xi32, #tpu.memory_space<vmem>> -> memref<4096xi32, #tpu.memory_space<vmem>>
    %dma_wait3A_259 = tpu.memref_slice %arg2[%multiple_of3A_235] : memref<3200000xi32, #tpu.memory_space<hbm>> -> memref<4096xi32, #tpu.memory_space<hbm>>
    tpu.wait_dma2 semaphore(%arg22 : memref<!tpu.dma_semaphore, #tpu.memory_space<semaphore_mem>>) src(%dma_wait3A_259 : memref<4096xi32, #tpu.memory_space<hbm>>) dst(%dma_wait3A_258 : memref<4096xi32, #tpu.memory_space<vmem>>)
    %add3A_260 = arith.constant 1 : i32
    %add3A_261 = vector.broadcast %add3A_260 : i32 to vector<16xi32>
    %add3A_262 = arith.addi %iota3A, %add3A_261 : vector<16xi32>
    %mul3A_263 = arith.constant 256 : i32
    %mul3A_264 = vector.broadcast %mul3A_263 : i32 to vector<16xi32>
    %mul3A_265 = arith.muli %add3A_262, %mul3A_264 : vector<16xi32>
    %add3A_266 = vector.broadcast %min3A_217 : i32 to vector<16xi32>
    %add3A_267 = arith.addi %add3A_266, %mul3A_265 : vector<16xi32>
    %sub3A_268 = arith.constant 1 : i32
    %sub3A_269 = vector.broadcast %sub3A_268 : i32 to vector<16xi32>
    %sub3A_270 = arith.subi %add3A_267, %sub3A_269 : vector<16xi32>
    %min3A_271 = arith.constant 3199999 : i32
    %min3A_272 = vector.broadcast %min3A_271 : i32 to vector<16xi32>
    %min3A_273 = arith.minsi %sub3A_270, %min3A_272 : vector<16xi32>
    %sub3A_274 = vector.broadcast %multiple_of3A : i32 to vector<16xi32>
    %sub3A_275 = arith.subi %min3A_273, %sub3A_274 : vector<16xi32>
    %add3A_276 = arith.constant 1 : i32
    %add3A_277 = vector.broadcast %add3A_276 : i32 to vector<16xi32>
    %add3A_278 = arith.addi %iota3A, %add3A_277 : vector<16xi32>
    %mul3A_279 = arith.constant 256 : i32
    %mul3A_280 = vector.broadcast %mul3A_279 : i32 to vector<16xi32>
    %mul3A_281 = arith.muli %add3A_278, %mul3A_280 : vector<16xi32>
    %add3A_282 = vector.broadcast %min3A_230 : i32 to vector<16xi32>
    %add3A_283 = arith.addi %add3A_282, %mul3A_281 : vector<16xi32>
    %sub3A_284 = arith.constant 1 : i32
    %sub3A_285 = vector.broadcast %sub3A_284 : i32 to vector<16xi32>
    %sub3A_286 = arith.subi %add3A_283, %sub3A_285 : vector<16xi32>
    %min3A_287 = arith.constant 3199999 : i32
    %min3A_288 = vector.broadcast %min3A_287 : i32 to vector<16xi32>
    %min3A_289 = arith.minsi %sub3A_286, %min3A_288 : vector<16xi32>
    %sub3A_290 = vector.broadcast %multiple_of3A_235 : i32 to vector<16xi32>
    %sub3A_291 = arith.subi %min3A_289, %sub3A_290 : vector<16xi32>
    %gather3A = tpu.vector_load_idx %arg8[%sub3A_275] : memref<8192xi32, #tpu.memory_space<vmem>>[vector<16xi32>], vector<16xi32>,
    %gather3A_292 = tpu.vector_load_idx %arg9[%sub3A_291] : memref<8192xi32, #tpu.memory_space<vmem>>[vector<16xi32>], vector<16xi32>,
    %lt3A_293 = vector.broadcast %mul3A_2 : i32 to vector<16xi32>
    %lt3A_294 = arith.cmpi slt, %gather3A, %lt3A_293 : vector<16xi32>
    %all_reduce_population_count3A_295 = tpu.all_reduce %lt3A_294 {dim = 0 : i64, kind = #tpu.reduction_kind<sum>} : vector<16xi1> -> vector<16xi32>
    %lt3A_296 = vector.broadcast %add3A_4 : i32 to vector<16xi32>
    %lt3A_297 = arith.cmpi slt, %gather3A_292, %lt3A_296 : vector<16xi32>
    %all_reduce_population_count3A_298 = tpu.all_reduce %lt3A_297 {dim = 0 : i64, kind = #tpu.reduction_kind<sum>} : vector<16xi1> -> vector<16xi32>
    %reduce_max3A_299 = arith.constant true
    %reduce_max3A_300 = vector.broadcast %reduce_max3A_299 : i1 to vector<16xi1>
    %reduce_max3A_301 = arith.constant -2147483648 : i32
    %reduce_max3A_302 = vector.broadcast %reduce_max3A_301 : i32 to vector<16xi32>
    %reduce_max3A_303 = arith.xori %all_reduce_population_count3A_295, %reduce_max3A_302 : vector<16xi32>
    %reduce_max3A_304 = tpu.scan <max>, %reduce_max3A_303 masked %reduce_max3A_300 : vector<16xi32>, vector<16xi1> -> vector<16xi32>
    %reduce_max3A_305 = arith.xori %reduce_max3A_304, %reduce_max3A_302 : vector<16xi32>
    %reduce_max3A_306 = vector.extract %reduce_max3A_305[15] : i32 from vector<16xi32>
    %mul3A_307 = arith.constant 256 : i32
    %mul3A_308 = arith.muli %reduce_max3A_306, %mul3A_307 : i32
    %add3A_309 = arith.addi %min3A_217, %mul3A_308 : i32
    %min3A_310 = arith.constant 3200000 : i32
    %min3A_311 = arith.minsi %add3A_309, %min3A_310 : i32
    %reduce_max3A_312 = arith.constant true
    %reduce_max3A_313 = vector.broadcast %reduce_max3A_312 : i1 to vector<16xi1>
    %reduce_max3A_314 = arith.constant -2147483648 : i32
    %reduce_max3A_315 = vector.broadcast %reduce_max3A_314 : i32 to vector<16xi32>
    %reduce_max3A_316 = arith.xori %all_reduce_population_count3A_298, %reduce_max3A_315 : vector<16xi32>
    %reduce_max3A_317 = tpu.scan <max>, %reduce_max3A_316 masked %reduce_max3A_313 : vector<16xi32>, vector<16xi1> -> vector<16xi32>
    %reduce_max3A_318 = arith.xori %reduce_max3A_317, %reduce_max3A_315 : vector<16xi32>
    %reduce_max3A_319 = vector.extract %reduce_max3A_318[15] : i32 from vector<16xi32>
    %mul3A_320 = arith.constant 256 : i32
    %mul3A_321 = arith.muli %reduce_max3A_319, %mul3A_320 : i32
    %add3A_322 = arith.addi %min3A_230, %mul3A_321 : i32
    %min3A_323 = arith.constant 3200000 : i32
    %min3A_324 = arith.minsi %add3A_322, %min3A_323 : i32
    %add3A_325 = arith.constant 1 : i32
    %add3A_326 = vector.broadcast %add3A_325 : i32 to vector<16xi32>
    %add3A_327 = arith.addi %iota3A, %add3A_326 : vector<16xi32>
    %mul3A_328 = arith.constant 16 : i32
    %mul3A_329 = vector.broadcast %mul3A_328 : i32 to vector<16xi32>
    %mul3A_330 = arith.muli %add3A_327, %mul3A_329 : vector<16xi32>
    %add3A_331 = vector.broadcast %min3A_311 : i32 to vector<16xi32>
    %add3A_332 = arith.addi %add3A_331, %mul3A_330 : vector<16xi32>
    %sub3A_333 = arith.constant 1 : i32
    %sub3A_334 = vector.broadcast %sub3A_333 : i32 to vector<16xi32>
    %sub3A_335 = arith.subi %add3A_332, %sub3A_334 : vector<16xi32>
    %min3A_336 = arith.constant 3199999 : i32
    %min3A_337 = vector.broadcast %min3A_336 : i32 to vector<16xi32>
    %min3A_338 = arith.minsi %sub3A_335, %min3A_337 : vector<16xi32>
    %sub3A_339 = vector.broadcast %multiple_of3A : i32 to vector<16xi32>
    %sub3A_340 = arith.subi %min3A_338, %sub3A_339 : vector<16xi32>
    %add3A_341 = arith.constant 1 : i32
    %add3A_342 = vector.broadcast %add3A_341 : i32 to vector<16xi32>
    %add3A_343 = arith.addi %iota3A, %add3A_342 : vector<16xi32>
    %mul3A_344 = arith.constant 16 : i32
    %mul3A_345 = vector.broadcast %mul3A_344 : i32 to vector<16xi32>
    %mul3A_346 = arith.muli %add3A_343, %mul3A_345 : vector<16xi32>
    %add3A_347 = vector.broadcast %min3A_324 : i32 to vector<16xi32>
    %add3A_348 = arith.addi %add3A_347, %mul3A_346 : vector<16xi32>
    %sub3A_349 = arith.constant 1 : i32
    %sub3A_350 = vector.broadcast %sub3A_349 : i32 to vector<16xi32>
    %sub3A_351 = arith.subi %add3A_348, %sub3A_350 : vector<16xi32>
    %min3A_352 = arith.constant 3199999 : i32
    %min3A_353 = vector.broadcast %min3A_352 : i32 to vector<16xi32>
    %min3A_354 = arith.minsi %sub3A_351, %min3A_353 : vector<16xi32>
    %sub3A_355 = vector.broadcast %multiple_of3A_235 : i32 to vector<16xi32>
    %sub3A_356 = arith.subi %min3A_354, %sub3A_355 : vector<16xi32>
    %gather3A_357 = tpu.vector_load_idx %arg8[%sub3A_340] : memref<8192xi32, #tpu.memory_space<vmem>>[vector<16xi32>], vector<16xi32>,
    %gather3A_358 = tpu.vector_load_idx %arg9[%sub3A_356] : memref<8192xi32, #tpu.memory_space<vmem>>[vector<16xi32>], vector<16xi32>,
    %lt3A_359 = vector.broadcast %mul3A_2 : i32 to vector<16xi32>
    %lt3A_360 = arith.cmpi slt, %gather3A_357, %lt3A_359 : vector<16xi32>
    %all_reduce_population_count3A_361 = tpu.all_reduce %lt3A_360 {dim = 0 : i64, kind = #tpu.reduction_kind<sum>} : vector<16xi1> -> vector<16xi32>
    %lt3A_362 = vector.broadcast %add3A_4 : i32 to vector<16xi32>
    %lt3A_363 = arith.cmpi slt, %gather3A_358, %lt3A_362 : vector<16xi32>
    %all_reduce_population_count3A_364 = tpu.all_reduce %lt3A_363 {dim = 0 : i64, kind = #tpu.reduction_kind<sum>} : vector<16xi1> -> vector<16xi32>
    %reduce_max3A_365 = arith.constant true
    %reduce_max3A_366 = vector.broadcast %reduce_max3A_365 : i1 to vector<16xi1>
    %reduce_max3A_367 = arith.constant -2147483648 : i32
    %reduce_max3A_368 = vector.broadcast %reduce_max3A_367 : i32 to vector<16xi32>
    %reduce_max3A_369 = arith.xori %all_reduce_population_count3A_361, %reduce_max3A_368 : vector<16xi32>
    %reduce_max3A_370 = tpu.scan <max>, %reduce_max3A_369 masked %reduce_max3A_366 : vector<16xi32>, vector<16xi1> -> vector<16xi32>
    %reduce_max3A_371 = arith.xori %reduce_max3A_370, %reduce_max3A_368 : vector<16xi32>
    %reduce_max3A_372 = vector.extract %reduce_max3A_371[15] : i32 from vector<16xi32>
    %mul3A_373 = arith.constant 16 : i32
    %mul3A_374 = arith.muli %reduce_max3A_372, %mul3A_373 : i32
    %add3A_375 = arith.addi %min3A_311, %mul3A_374 : i32
    %min3A_376 = arith.constant 3200000 : i32
    %min3A_377 = arith.minsi %add3A_375, %min3A_376 : i32
    %reduce_max3A_378 = arith.constant true
    %reduce_max3A_379 = vector.broadcast %reduce_max3A_378 : i1 to vector<16xi1>
    %reduce_max3A_380 = arith.constant -2147483648 : i32
    %reduce_max3A_381 = vector.broadcast %reduce_max3A_380 : i32 to vector<16xi32>
    %reduce_max3A_382 = arith.xori %all_reduce_population_count3A_364, %reduce_max3A_381 : vector<16xi32>
    %reduce_max3A_383 = tpu.scan <max>, %reduce_max3A_382 masked %reduce_max3A_379 : vector<16xi32>, vector<16xi1> -> vector<16xi32>
    %reduce_max3A_384 = arith.xori %reduce_max3A_383, %reduce_max3A_381 : vector<16xi32>
    %reduce_max3A_385 = vector.extract %reduce_max3A_384[15] : i32 from vector<16xi32>
    %mul3A_386 = arith.constant 16 : i32
    %mul3A_387 = arith.muli %reduce_max3A_385, %mul3A_386 : i32
    %add3A_388 = arith.addi %min3A_324, %mul3A_387 : i32
    %min3A_389 = arith.constant 3200000 : i32
    %min3A_390 = arith.minsi %add3A_388, %min3A_389 : i32
    %add3A_391 = arith.constant 1 : i32
    %add3A_392 = vector.broadcast %add3A_391 : i32 to vector<16xi32>
    %add3A_393 = arith.addi %iota3A, %add3A_392 : vector<16xi32>
    %mul3A_394 = arith.constant 1 : i32
    %mul3A_395 = vector.broadcast %mul3A_394 : i32 to vector<16xi32>
    %mul3A_396 = arith.muli %add3A_393, %mul3A_395 : vector<16xi32>
    %add3A_397 = vector.broadcast %min3A_377 : i32 to vector<16xi32>
    %add3A_398 = arith.addi %add3A_397, %mul3A_396 : vector<16xi32>
    %sub3A_399 = arith.constant 1 : i32
    %sub3A_400 = vector.broadcast %sub3A_399 : i32 to vector<16xi32>
    %sub3A_401 = arith.subi %add3A_398, %sub3A_400 : vector<16xi32>
    %min3A_402 = arith.constant 3199999 : i32
    %min3A_403 = vector.broadcast %min3A_402 : i32 to vector<16xi32>
    %min3A_404 = arith.minsi %sub3A_401, %min3A_403 : vector<16xi32>
    %sub3A_405 = vector.broadcast %multiple_of3A : i32 to vector<16xi32>
    %sub3A_406 = arith.subi %min3A_404, %sub3A_405 : vector<16xi32>
    %add3A_407 = arith.constant 1 : i32
    %add3A_408 = vector.broadcast %add3A_407 : i32 to vector<16xi32>
    %add3A_409 = arith.addi %iota3A, %add3A_408 : vector<16xi32>
    %mul3A_410 = arith.constant 1 : i32
    %mul3A_411 = vector.broadcast %mul3A_410 : i32 to vector<16xi32>
    %mul3A_412 = arith.muli %add3A_409, %mul3A_411 : vector<16xi32>
    %add3A_413 = vector.broadcast %min3A_390 : i32 to vector<16xi32>
    %add3A_414 = arith.addi %add3A_413, %mul3A_412 : vector<16xi32>
    %sub3A_415 = arith.constant 1 : i32
    %sub3A_416 = vector.broadcast %sub3A_415 : i32 to vector<16xi32>
    %sub3A_417 = arith.subi %add3A_414, %sub3A_416 : vector<16xi32>
    %min3A_418 = arith.constant 3199999 : i32
    %min3A_419 = vector.broadcast %min3A_418 : i32 to vector<16xi32>
    %min3A_420 = arith.minsi %sub3A_417, %min3A_419 : vector<16xi32>
    %sub3A_421 = vector.broadcast %multiple_of3A_235 : i32 to vector<16xi32>
    %sub3A_422 = arith.subi %min3A_420, %sub3A_421 : vector<16xi32>
    %gather3A_423 = tpu.vector_load_idx %arg8[%sub3A_406] : memref<8192xi32, #tpu.memory_space<vmem>>[vector<16xi32>], vector<16xi32>,
    %gather3A_424 = tpu.vector_load_idx %arg9[%sub3A_422] : memref<8192xi32, #tpu.memory_space<vmem>>[vector<16xi32>], vector<16xi32>,
    %lt3A_425 = vector.broadcast %mul3A_2 : i32 to vector<16xi32>
    %lt3A_426 = arith.cmpi slt, %gather3A_423, %lt3A_425 : vector<16xi32>
    %all_reduce_population_count3A_427 = tpu.all_reduce %lt3A_426 {dim = 0 : i64, kind = #tpu.reduction_kind<sum>} : vector<16xi1> -> vector<16xi32>
    %lt3A_428 = vector.broadcast %add3A_4 : i32 to vector<16xi32>
    %lt3A_429 = arith.cmpi slt, %gather3A_424, %lt3A_428 : vector<16xi32>
    %all_reduce_population_count3A_430 = tpu.all_reduce %lt3A_429 {dim = 0 : i64, kind = #tpu.reduction_kind<sum>} : vector<16xi1> -> vector<16xi32>
    %reduce_max3A_431 = arith.constant true
    %reduce_max3A_432 = vector.broadcast %reduce_max3A_431 : i1 to vector<16xi1>
    %reduce_max3A_433 = arith.constant -2147483648 : i32
    %reduce_max3A_434 = vector.broadcast %reduce_max3A_433 : i32 to vector<16xi32>
    %reduce_max3A_435 = arith.xori %all_reduce_population_count3A_427, %reduce_max3A_434 : vector<16xi32>
    %reduce_max3A_436 = tpu.scan <max>, %reduce_max3A_435 masked %reduce_max3A_432 : vector<16xi32>, vector<16xi1> -> vector<16xi32>
    %reduce_max3A_437 = arith.xori %reduce_max3A_436, %reduce_max3A_434 : vector<16xi32>
    %reduce_max3A_438 = vector.extract %reduce_max3A_437[15] : i32 from vector<16xi32>
    %mul3A_439 = arith.constant 1 : i32
    %mul3A_440 = arith.muli %reduce_max3A_438, %mul3A_439 : i32
    %add3A_441 = arith.addi %min3A_377, %mul3A_440 : i32
    %min3A_442 = arith.constant 3200000 : i32
    %min3A_443 = arith.minsi %add3A_441, %min3A_442 : i32
    %reduce_max3A_444 = arith.constant true
    %reduce_max3A_445 = vector.broadcast %reduce_max3A_444 : i1 to vector<16xi1>
    %reduce_max3A_446 = arith.constant -2147483648 : i32
    %reduce_max3A_447 = vector.broadcast %reduce_max3A_446 : i32 to vector<16xi32>
    %reduce_max3A_448 = arith.xori %all_reduce_population_count3A_430, %reduce_max3A_447 : vector<16xi32>
    %reduce_max3A_449 = tpu.scan <max>, %reduce_max3A_448 masked %reduce_max3A_445 : vector<16xi32>, vector<16xi1> -> vector<16xi32>
    %reduce_max3A_450 = arith.xori %reduce_max3A_449, %reduce_max3A_447 : vector<16xi32>
    %reduce_max3A_451 = vector.extract %reduce_max3A_450[15] : i32 from vector<16xi32>
    %mul3A_452 = arith.constant 1 : i32
    %mul3A_453 = arith.muli %reduce_max3A_451, %mul3A_452 : i32
    %add3A_454 = arith.addi %min3A_390, %mul3A_453 : i32
    %min3A_455 = arith.constant 3200000 : i32
    %min3A_456 = arith.minsi %add3A_454, %min3A_455 : i32
    "tpu.trace_stop"() : () -> ()
    "tpu.trace_start"() <{level = 10 : i32, message = "zero_and_prefetch"}> : () -> ()
    %shift_right_arithmetic3A = arith.constant 13 : i32
    %shift_right_arithmetic3A_457 = arith.shrsi %min3A_443, %shift_right_arithmetic3A : i32
    %add3A_458 = arith.constant 8191 : i32
    %add3A_459 = arith.addi %min3A_456, %add3A_458 : i32
    %shift_right_arithmetic3A_460 = arith.constant 13 : i32
    %shift_right_arithmetic3A_461 = arith.shrsi %add3A_459, %shift_right_arithmetic3A_460 : i32
    %sub3A_462 = arith.subi %shift_right_arithmetic3A_461, %shift_right_arithmetic3A_457 : i32
    %sub3A_463 = arith.constant 1 : i32
    %sub3A_464 = arith.subi %sub3A_462, %sub3A_463 : i32
    %max3A = arith.constant 1 : i32
    %max3A_465 = arith.maxsi %sub3A_464, %max3A : i32
    %gt3A = arith.constant 1 : i32
    %gt3A_466 = arith.cmpi sgt, %max3A_465, %gt3A : i32
    %convert_element_type3A = arith.extui %gt3A_466 : i1 to i32
    %cond3A = arith.constant 0 : i32
    %cond3A_467 = arith.cmpi ne, %convert_element_type3A, %cond3A : i32
    scf.if %cond3A_467 {
      %add3A_612 = arith.constant 1 : i32
      %add3A_613 = arith.addi %shift_right_arithmetic3A_457, %add3A_612 : i32
      %mul3A_614 = arith.constant 8192 : i32
      %mul3A_615 = arith.muli %add3A_613, %mul3A_614 : i32
      %multiple_of3A_616 = tpu.assume_multiple %mul3A_615, 8192 : i32
      %dma_start3A_617 = tpu.memref_slice %arg2[%multiple_of3A_616] : memref<3200000xi32, #tpu.memory_space<hbm>> -> memref<8192xi32, #tpu.memory_space<hbm>>
      %dma_start3A_618 = tpu.memref_slice %arg2[%multiple_of3A_616] : memref<3200000xi32, #tpu.memory_space<hbm>> -> memref<8192xi32, #tpu.memory_space<hbm>>
      tpu.enqueue_dma source(%dma_start3A_618 : memref<8192xi32, #tpu.memory_space<hbm>>) target(%arg8 : memref<8192xi32, #tpu.memory_space<vmem>>) target_semaphore(%arg21 : memref<!tpu.dma_semaphore, #tpu.memory_space<semaphore_mem>>)
    } else {
    }
    %ge3A = arith.constant 1 : i32
    %ge3A_468 = arith.cmpi sge, %sub3A_462, %ge3A : i32
    %convert_element_type3A_469 = arith.extui %ge3A_468 : i1 to i32
    %cond3A_470 = arith.constant 0 : i32
    %cond3A_471 = arith.cmpi ne, %convert_element_type3A_469, %cond3A_470 : i32
    scf.if %cond3A_471 {
      %add3A_612 = arith.constant 0 : i32
      %add3A_613 = arith.addi %shift_right_arithmetic3A_457, %add3A_612 : i32
      %mul3A_614 = arith.constant 8192 : i32
      %mul3A_615 = arith.muli %add3A_613, %mul3A_614 : i32
      %multiple_of3A_616 = tpu.assume_multiple %mul3A_615, 8192 : i32
      %eq3A = arith.constant 390 : i32
      %eq3A_617 = arith.cmpi eq, %shift_right_arithmetic3A_457, %eq3A : i32
      %convert_element_type3A_618 = arith.extui %eq3A_617 : i1 to i32
      %cond3A_619 = arith.constant 0 : i32
      %cond3A_620 = arith.cmpi ne, %convert_element_type3A_618, %cond3A_619 : i32
      scf.if %cond3A_620 {
        %dma_start3A_625 = arith.constant 0 : i32
        %dma_start3A_626 = tpu.memref_slice %arg11[%dma_start3A_625] : memref<8192xi32, #tpu.memory_space<vmem>> -> memref<5120xi32, #tpu.memory_space<vmem>>
        %dma_start3A_627 = tpu.memref_slice %arg2[%multiple_of3A_616] : memref<3200000xi32, #tpu.memory_space<hbm>> -> memref<5120xi32, #tpu.memory_space<hbm>>
        %dma_start3A_628 = arith.constant 0 : i32
        %dma_start3A_629 = tpu.memref_slice %arg11[%dma_start3A_628] : memref<8192xi32, #tpu.memory_space<vmem>> -> memref<5120xi32, #tpu.memory_space<vmem>>
        %dma_start3A_630 = tpu.memref_slice %arg2[%multiple_of3A_616] : memref<3200000xi32, #tpu.memory_space<hbm>> -> memref<5120xi32, #tpu.memory_space<hbm>>
        tpu.enqueue_dma source(%dma_start3A_630 : memref<5120xi32, #tpu.memory_space<hbm>>) target(%dma_start3A_629 : memref<5120xi32, #tpu.memory_space<vmem>>) target_semaphore(%arg24 : memref<!tpu.dma_semaphore, #tpu.memory_space<semaphore_mem>>)
      } else {
      }
      %ne3A = arith.constant 390 : i32
      %ne3A_621 = arith.cmpi ne, %shift_right_arithmetic3A_457, %ne3A : i32
      %convert_element_type3A_622 = arith.extui %ne3A_621 : i1 to i32
      %cond3A_623 = arith.constant 0 : i32
      %cond3A_624 = arith.cmpi ne, %convert_element_type3A_622, %cond3A_623 : i32
      scf.if %cond3A_624 {
        %dma_start3A_625 = tpu.memref_slice %arg2[%multiple_of3A_616] : memref<3200000xi32, #tpu.memory_space<hbm>> -> memref<8192xi32, #tpu.memory_space<hbm>>
        %dma_start3A_626 = tpu.memref_slice %arg2[%multiple_of3A_616] : memref<3200000xi32, #tpu.memory_space<hbm>> -> memref<8192xi32, #tpu.memory_space<hbm>>
        tpu.enqueue_dma source(%dma_start3A_626 : memref<8192xi32, #tpu.memory_space<hbm>>) target(%arg11 : memref<8192xi32, #tpu.memory_space<vmem>>) target_semaphore(%arg24 : memref<!tpu.dma_semaphore, #tpu.memory_space<semaphore_mem>>)
      } else {
      }
    } else {
    }
    %ge3A_472 = arith.constant 2 : i32
    %ge3A_473 = arith.cmpi sge, %sub3A_462, %ge3A_472 : i32
    %convert_element_type3A_474 = arith.extui %ge3A_473 : i1 to i32
    %cond3A_475 = arith.constant 0 : i32
    %cond3A_476 = arith.cmpi ne, %convert_element_type3A_474, %cond3A_475 : i32
    scf.if %cond3A_476 {
      %sub3A_612 = arith.constant 1 : i32
      %sub3A_613 = arith.subi %shift_right_arithmetic3A_461, %sub3A_612 : i32
      %sub3A_614 = arith.constant 1 : i32
      %sub3A_615 = arith.subi %sub3A_462, %sub3A_614 : i32
      %add3A_616 = arith.addi %shift_right_arithmetic3A_457, %sub3A_615 : i32
      %mul3A_617 = arith.constant 8192 : i32
      %mul3A_618 = arith.muli %add3A_616, %mul3A_617 : i32
      %multiple_of3A_619 = tpu.assume_multiple %mul3A_618, 8192 : i32
      %eq3A = arith.constant 390 : i32
      %eq3A_620 = arith.cmpi eq, %sub3A_613, %eq3A : i32
      %convert_element_type3A_621 = arith.extui %eq3A_620 : i1 to i32
      %cond3A_622 = arith.constant 0 : i32
      %cond3A_623 = arith.cmpi ne, %convert_element_type3A_621, %cond3A_622 : i32
      scf.if %cond3A_623 {
        %dma_start3A_628 = arith.constant 0 : i32
        %dma_start3A_629 = tpu.memref_slice %arg10[%dma_start3A_628] : memref<8192xi32, #tpu.memory_space<vmem>> -> memref<5120xi32, #tpu.memory_space<vmem>>
        %dma_start3A_630 = tpu.memref_slice %arg2[%multiple_of3A_619] : memref<3200000xi32, #tpu.memory_space<hbm>> -> memref<5120xi32, #tpu.memory_space<hbm>>
        %dma_start3A_631 = arith.constant 0 : i32
        %dma_start3A_632 = tpu.memref_slice %arg10[%dma_start3A_631] : memref<8192xi32, #tpu.memory_space<vmem>> -> memref<5120xi32, #tpu.memory_space<vmem>>
        %dma_start3A_633 = tpu.memref_slice %arg2[%multiple_of3A_619] : memref<3200000xi32, #tpu.memory_space<hbm>> -> memref<5120xi32, #tpu.memory_space<hbm>>
        tpu.enqueue_dma source(%dma_start3A_633 : memref<5120xi32, #tpu.memory_space<hbm>>) target(%dma_start3A_632 : memref<5120xi32, #tpu.memory_space<vmem>>) target_semaphore(%arg23 : memref<!tpu.dma_semaphore, #tpu.memory_space<semaphore_mem>>)
      } else {
      }
      %ne3A = arith.constant 390 : i32
      %ne3A_624 = arith.cmpi ne, %sub3A_613, %ne3A : i32
      %convert_element_type3A_625 = arith.extui %ne3A_624 : i1 to i32
      %cond3A_626 = arith.constant 0 : i32
      %cond3A_627 = arith.cmpi ne, %convert_element_type3A_625, %cond3A_626 : i32
      scf.if %cond3A_627 {
        %dma_start3A_628 = tpu.memref_slice %arg2[%multiple_of3A_619] : memref<3200000xi32, #tpu.memory_space<hbm>> -> memref<8192xi32, #tpu.memory_space<hbm>>
        %dma_start3A_629 = tpu.memref_slice %arg2[%multiple_of3A_619] : memref<3200000xi32, #tpu.memory_space<hbm>> -> memref<8192xi32, #tpu.memory_space<hbm>>
        tpu.enqueue_dma source(%dma_start3A_629 : memref<8192xi32, #tpu.memory_space<hbm>>) target(%arg10 : memref<8192xi32, #tpu.memory_space<vmem>>) target_semaphore(%arg23 : memref<!tpu.dma_semaphore, #tpu.memory_space<semaphore_mem>>)
      } else {
      }
    } else {
    }
    %parallel_loop3A = arith.constant 0 : i32
    %parallel_loop3A_477 = arith.constant 4096 : i32
    %parallel_loop3A_478 = arith.constant 1 : i32
    scf.for %parallel_loop3A_612 = %parallel_loop3A to %parallel_loop3A_477 step %parallel_loop3A_478  : i32 {
      %parallel_loop3A_613 = arith.constant 16 : i32
      %parallel_loop3A_614 = arith.muli %parallel_loop3A_612, %parallel_loop3A_613 : i32
      %parallel_loop3A_615 = arith.index_cast %parallel_loop3A_614 : i32 to index
      %parallel_loop3A_616 = tpu.vector_load %arg7[%parallel_loop3A_615] {strides = array<i32>} : memref<65536xf32, #tpu.memory_space<vmem>>, vector<16xf32>,
      tpu.vector_store %arg7[%parallel_loop3A_615], %broadcast_in_dim3A_5 {strides = array<i32>} : memref<65536xf32, #tpu.memory_space<vmem>>, vector<16xf32>,
    } {sc.loop_unroll_factor = 8 : i64, sc.parallel_access}
    %ge3A_479 = arith.constant 1 : i32
    "tpu.trace_stop"() : () -> ()
    "tpu.trace_start"() <{level = 10 : i32, message = "histogram"}> : () -> ()
    %ge3A_480 = arith.cmpi sge, %sub3A_462, %ge3A_479 : i32
    %convert_element_type3A_481 = arith.extui %ge3A_480 : i1 to i32
    %cond3A_482 = arith.constant 0 : i32
    %cond3A_483 = arith.cmpi ne, %convert_element_type3A_481, %cond3A_482 : i32
    scf.if %cond3A_483 {
      %add3A_612 = arith.constant 0 : i32
      %add3A_613 = arith.addi %shift_right_arithmetic3A_457, %add3A_612 : i32
      %mul3A_614 = arith.constant 8192 : i32
      %mul3A_615 = arith.muli %add3A_613, %mul3A_614 : i32
      %multiple_of3A_616 = tpu.assume_multiple %mul3A_615, 8192 : i32
      %eq3A = arith.constant 390 : i32
      %eq3A_617 = arith.cmpi eq, %shift_right_arithmetic3A_457, %eq3A : i32
      %convert_element_type3A_618 = arith.extui %eq3A_617 : i1 to i32
      %cond3A_619 = arith.constant 0 : i32
      %cond3A_620 = arith.cmpi ne, %convert_element_type3A_618, %cond3A_619 : i32
      scf.if %cond3A_620 {
        %dma_wait3A_625 = arith.constant 0 : i32
        %dma_wait3A_626 = tpu.memref_slice %arg11[%dma_wait3A_625] : memref<8192xi32, #tpu.memory_space<vmem>> -> memref<5120xi32, #tpu.memory_space<vmem>>
        %dma_wait3A_627 = tpu.memref_slice %arg2[%multiple_of3A_616] : memref<3200000xi32, #tpu.memory_space<hbm>> -> memref<5120xi32, #tpu.memory_space<hbm>>
        %dma_wait3A_628 = arith.constant 0 : i32
        %dma_wait3A_629 = tpu.memref_slice %arg11[%dma_wait3A_628] : memref<8192xi32, #tpu.memory_space<vmem>> -> memref<5120xi32, #tpu.memory_space<vmem>>
        %dma_wait3A_630 = tpu.memref_slice %arg2[%multiple_of3A_616] : memref<3200000xi32, #tpu.memory_space<hbm>> -> memref<5120xi32, #tpu.memory_space<hbm>>
        tpu.wait_dma2 semaphore(%arg24 : memref<!tpu.dma_semaphore, #tpu.memory_space<semaphore_mem>>) src(%dma_wait3A_630 : memref<5120xi32, #tpu.memory_space<hbm>>) dst(%dma_wait3A_629 : memref<5120xi32, #tpu.memory_space<vmem>>)
        %parallel_loop3A_631 = arith.constant 0 : i32
        %parallel_loop3A_632 = arith.constant 320 : i32
        %parallel_loop3A_633 = arith.constant 1 : i32
        scf.for %parallel_loop3A_634 = %parallel_loop3A_631 to %parallel_loop3A_632 step %parallel_loop3A_633  : i32 {
          %parallel_loop3A_635 = arith.constant 16 : i32
          %parallel_loop3A_636 = arith.muli %parallel_loop3A_634, %parallel_loop3A_635 : i32
          %parallel_loop3A_637 = arith.index_cast %parallel_loop3A_636 : i32 to index
          %parallel_loop3A_638 = tpu.vector_load %arg11[%parallel_loop3A_637] {strides = array<i32>} : memref<8192xi32, #tpu.memory_space<vmem>>, vector<16xi32>,
          %parallel_loop3A_639 = vector.broadcast %mul3A_2 : i32 to vector<16xi32>
          %parallel_loop3A_640 = arith.cmpi sge, %parallel_loop3A_638, %parallel_loop3A_639 : vector<16xi32>
          %parallel_loop3A_641 = vector.broadcast %add3A_4 : i32 to vector<16xi32>
          %parallel_loop3A_642 = arith.cmpi slt, %parallel_loop3A_638, %parallel_loop3A_641 : vector<16xi32>
          %parallel_loop3A_643 = arith.andi %parallel_loop3A_640, %parallel_loop3A_642 : vector<16xi1>
          %parallel_loop3A_644 = vector.broadcast %mul3A_2 : i32 to vector<16xi32>
          %parallel_loop3A_645 = arith.subi %parallel_loop3A_638, %parallel_loop3A_644 : vector<16xi32>
          %parallel_loop3A_646 = arith.constant 0 : i32
          %parallel_loop3A_647 = vector.broadcast %parallel_loop3A_646 : i32 to vector<16xi32>
          %parallel_loop3A_648 = arith.select %parallel_loop3A_643, %parallel_loop3A_645, %parallel_loop3A_647 : vector<16xi1>, vector<16xi32>
          tpu.vector_store_idx %arg7[%parallel_loop3A_648], %broadcast_in_dim3A_7 masked %parallel_loop3A_643 {add = true} : memref<65536xf32, #tpu.memory_space<vmem>>[vector<16xi32>], vector<16xf32>, vector<16xi1>
        } {sc.loop_unroll_factor = 8 : i64, sc.parallel_access}
      } else {
      }
      %ne3A = arith.constant 390 : i32
      %ne3A_621 = arith.cmpi ne, %shift_right_arithmetic3A_457, %ne3A : i32
      %convert_element_type3A_622 = arith.extui %ne3A_621 : i1 to i32
      %cond3A_623 = arith.constant 0 : i32
      %cond3A_624 = arith.cmpi ne, %convert_element_type3A_622, %cond3A_623 : i32
      scf.if %cond3A_624 {
        %dma_wait3A_625 = tpu.memref_slice %arg2[%multiple_of3A_616] : memref<3200000xi32, #tpu.memory_space<hbm>> -> memref<8192xi32, #tpu.memory_space<hbm>>
        %dma_wait3A_626 = tpu.memref_slice %arg2[%multiple_of3A_616] : memref<3200000xi32, #tpu.memory_space<hbm>> -> memref<8192xi32, #tpu.memory_space<hbm>>
        tpu.wait_dma2 semaphore(%arg24 : memref<!tpu.dma_semaphore, #tpu.memory_space<semaphore_mem>>) src(%dma_wait3A_626 : memref<8192xi32, #tpu.memory_space<hbm>>) dst(%arg11 : memref<8192xi32, #tpu.memory_space<vmem>>)
        %parallel_loop3A_627 = arith.constant 0 : i32
        %parallel_loop3A_628 = arith.constant 512 : i32
        %parallel_loop3A_629 = arith.constant 1 : i32
        scf.for %parallel_loop3A_630 = %parallel_loop3A_627 to %parallel_loop3A_628 step %parallel_loop3A_629  : i32 {
          %parallel_loop3A_631 = arith.constant 16 : i32
          %parallel_loop3A_632 = arith.muli %parallel_loop3A_630, %parallel_loop3A_631 : i32
          %parallel_loop3A_633 = arith.index_cast %parallel_loop3A_632 : i32 to index
          %parallel_loop3A_634 = tpu.vector_load %arg11[%parallel_loop3A_633] {strides = array<i32>} : memref<8192xi32, #tpu.memory_space<vmem>>, vector<16xi32>,
          %parallel_loop3A_635 = vector.broadcast %mul3A_2 : i32 to vector<16xi32>
          %parallel_loop3A_636 = arith.cmpi sge, %parallel_loop3A_634, %parallel_loop3A_635 : vector<16xi32>
          %parallel_loop3A_637 = vector.broadcast %add3A_4 : i32 to vector<16xi32>
          %parallel_loop3A_638 = arith.cmpi slt, %parallel_loop3A_634, %parallel_loop3A_637 : vector<16xi32>
          %parallel_loop3A_639 = arith.andi %parallel_loop3A_636, %parallel_loop3A_638 : vector<16xi1>
          %parallel_loop3A_640 = vector.broadcast %mul3A_2 : i32 to vector<16xi32>
          %parallel_loop3A_641 = arith.subi %parallel_loop3A_634, %parallel_loop3A_640 : vector<16xi32>
          %parallel_loop3A_642 = arith.constant 0 : i32
          %parallel_loop3A_643 = vector.broadcast %parallel_loop3A_642 : i32 to vector<16xi32>
          %parallel_loop3A_644 = arith.select %parallel_loop3A_639, %parallel_loop3A_641, %parallel_loop3A_643 : vector<16xi1>, vector<16xi32>
          tpu.vector_store_idx %arg7[%parallel_loop3A_644], %broadcast_in_dim3A_7 masked %parallel_loop3A_639 {add = true} : memref<65536xf32, #tpu.memory_space<vmem>>[vector<16xi32>], vector<16xf32>, vector<16xi1>
        } {sc.loop_unroll_factor = 8 : i64, sc.parallel_access}
      } else {
      }
    } else {
    }
    %sub3A_484 = arith.constant 1 : i32
    %sub3A_485 = arith.subi %max3A_465, %sub3A_484 : i32
    %sub3A_486 = arith.constant 2 : i32
    %sub3A_487 = arith.constant 1 : i32
    %sub3A_488 = arith.subi %sub3A_486, %sub3A_487 : i32
    %add3A_489 = arith.addi %sub3A_485, %sub3A_488 : i32
    %div3A = arith.constant 2 : i32
    %div3A_490 = arith.divsi %add3A_489, %div3A : i32
    %while3A = arith.constant 2 : i32
    %while3A_491 = arith.constant 1 : i32
    %while3A_492 = arith.constant 0 : i32
    %while3A_493 = arith.subi %div3A_490, %while3A_492 : i32
    %while3A_494 = arith.addi %while3A_492, %while3A_493 : i32
    %while3A_495 = arith.constant 1 : i32
    %while3A_496 = arith.divsi %while3A_493, %while3A_495 : i32
    %while3A_497 = arith.muli %while3A_496, %while3A_495 : i32
    %while3A_498 = arith.addi %while3A_492, %while3A_497 : i32
    %while3A_499 = arith.constant 1 : i32
    scf.for %while3A_612 = %while3A_492 to %while3A_498 step %while3A_499  : i32 {
      %mul3A_613 = arith.muli %while3A_612, %while3A : i32
      %add3A_614 = arith.addi %while3A_491, %mul3A_613 : i32
      %add3A_615 = arith.constant 1 : i32
      %add3A_616 = arith.addi %add3A_614, %add3A_615 : i32
      %lt3A_617 = arith.cmpi slt, %add3A_616, %max3A_465 : i32
      %convert_element_type3A_618 = arith.extui %lt3A_617 : i1 to i32
      %cond3A_619 = arith.constant 0 : i32
      %cond3A_620 = arith.cmpi ne, %convert_element_type3A_618, %cond3A_619 : i32
      scf.if %cond3A_620 {
        %add3A_636 = arith.constant 1 : i32
        %add3A_637 = arith.addi %add3A_614, %add3A_636 : i32
        %add3A_638 = arith.addi %shift_right_arithmetic3A_457, %add3A_637 : i32
        %mul3A_639 = arith.constant 8192 : i32
        %mul3A_640 = arith.muli %add3A_638, %mul3A_639 : i32
        %multiple_of3A_641 = tpu.assume_multiple %mul3A_640, 8192 : i32
        %dma_start3A_642 = tpu.memref_slice %arg2[%multiple_of3A_641] : memref<3200000xi32, #tpu.memory_space<hbm>> -> memref<8192xi32, #tpu.memory_space<hbm>>
        %dma_start3A_643 = tpu.memref_slice %arg2[%multiple_of3A_641] : memref<3200000xi32, #tpu.memory_space<hbm>> -> memref<8192xi32, #tpu.memory_space<hbm>>
        tpu.enqueue_dma source(%dma_start3A_643 : memref<8192xi32, #tpu.memory_space<hbm>>) target(%arg9 : memref<8192xi32, #tpu.memory_space<vmem>>) target_semaphore(%arg22 : memref<!tpu.dma_semaphore, #tpu.memory_space<semaphore_mem>>)
      } else {
      }
      %add3A_621 = arith.addi %shift_right_arithmetic3A_457, %add3A_614 : i32
      %mul3A_622 = arith.constant 8192 : i32
      %mul3A_623 = arith.muli %add3A_621, %mul3A_622 : i32
      %multiple_of3A_624 = tpu.assume_multiple %mul3A_623, 8192 : i32
      %dma_wait3A_625 = tpu.memref_slice %arg2[%multiple_of3A_624] : memref<3200000xi32, #tpu.memory_space<hbm>> -> memref<8192xi32, #tpu.memory_space<hbm>>
      %dma_wait3A_626 = tpu.memref_slice %arg2[%multiple_of3A_624] : memref<3200000xi32, #tpu.memory_space<hbm>> -> memref<8192xi32, #tpu.memory_space<hbm>>
      tpu.wait_dma2 semaphore(%arg21 : memref<!tpu.dma_semaphore, #tpu.memory_space<semaphore_mem>>) src(%dma_wait3A_626 : memref<8192xi32, #tpu.memory_space<hbm>>) dst(%arg8 : memref<8192xi32, #tpu.memory_space<vmem>>)
      %parallel_loop3A_627 = arith.constant 0 : i32
      %parallel_loop3A_628 = arith.constant 512 : i32
      %parallel_loop3A_629 = arith.constant 1 : i32
      scf.for %parallel_loop3A_636 = %parallel_loop3A_627 to %parallel_loop3A_628 step %parallel_loop3A_629  : i32 {
        %parallel_loop3A_637 = arith.constant 16 : i32
        %parallel_loop3A_638 = arith.muli %parallel_loop3A_636, %parallel_loop3A_637 : i32
        %parallel_loop3A_639 = arith.index_cast %parallel_loop3A_638 : i32 to index
        %parallel_loop3A_640 = tpu.vector_load %arg8[%parallel_loop3A_639] {strides = array<i32>} : memref<8192xi32, #tpu.memory_space<vmem>>, vector<16xi32>,
        %parallel_loop3A_641 = vector.broadcast %mul3A_2 : i32 to vector<16xi32>
        %parallel_loop3A_642 = arith.subi %parallel_loop3A_640, %parallel_loop3A_641 : vector<16xi32>
        tpu.vector_store_idx %arg7[%parallel_loop3A_642], %broadcast_in_dim3A_7 {add = true} : memref<65536xf32, #tpu.memory_space<vmem>>[vector<16xi32>], vector<16xf32>,
      } {sc.loop_unroll_factor = 8 : i64, sc.parallel_access}
      %add3A_630 = arith.constant 1 : i32
      %add3A_631 = arith.addi %add3A_614, %add3A_630 : i32
      %lt3A_632 = arith.cmpi slt, %add3A_631, %max3A_465 : i32
      %convert_element_type3A_633 = arith.extui %lt3A_632 : i1 to i32
      %cond3A_634 = arith.constant 0 : i32
      %cond3A_635 = arith.cmpi ne, %convert_element_type3A_633, %cond3A_634 : i32
      scf.if %cond3A_635 {
        %add3A_636 = arith.constant 2 : i32
        %add3A_637 = arith.addi %add3A_614, %add3A_636 : i32
        %lt3A_638 = arith.cmpi slt, %add3A_637, %max3A_465 : i32
        %convert_element_type3A_639 = arith.extui %lt3A_638 : i1 to i32
        %cond3A_640 = arith.constant 0 : i32
        %cond3A_641 = arith.cmpi ne, %convert_element_type3A_639, %cond3A_640 : i32
        scf.if %cond3A_641 {
          %add3A_653 = arith.constant 2 : i32
          %add3A_654 = arith.addi %add3A_614, %add3A_653 : i32
          %add3A_655 = arith.addi %shift_right_arithmetic3A_457, %add3A_654 : i32
          %mul3A_656 = arith.constant 8192 : i32
          %mul3A_657 = arith.muli %add3A_655, %mul3A_656 : i32
          %multiple_of3A_658 = tpu.assume_multiple %mul3A_657, 8192 : i32
          %dma_start3A_659 = tpu.memref_slice %arg2[%multiple_of3A_658] : memref<3200000xi32, #tpu.memory_space<hbm>> -> memref<8192xi32, #tpu.memory_space<hbm>>
          %dma_start3A_660 = tpu.memref_slice %arg2[%multiple_of3A_658] : memref<3200000xi32, #tpu.memory_space<hbm>> -> memref<8192xi32, #tpu.memory_space<hbm>>
          tpu.enqueue_dma source(%dma_start3A_660 : memref<8192xi32, #tpu.memory_space<hbm>>) target(%arg8 : memref<8192xi32, #tpu.memory_space<vmem>>) target_semaphore(%arg21 : memref<!tpu.dma_semaphore, #tpu.memory_space<semaphore_mem>>)
        } else {
        }
        %add3A_642 = arith.constant 1 : i32
        %add3A_643 = arith.addi %add3A_614, %add3A_642 : i32
        %add3A_644 = arith.addi %shift_right_arithmetic3A_457, %add3A_643 : i32
        %mul3A_645 = arith.constant 8192 : i32
        %mul3A_646 = arith.muli %add3A_644, %mul3A_645 : i32
        %multiple_of3A_647 = tpu.assume_multiple %mul3A_646, 8192 : i32
        %dma_wait3A_648 = tpu.memref_slice %arg2[%multiple_of3A_647] : memref<3200000xi32, #tpu.memory_space<hbm>> -> memref<8192xi32, #tpu.memory_space<hbm>>
        %dma_wait3A_649 = tpu.memref_slice %arg2[%multiple_of3A_647] : memref<3200000xi32, #tpu.memory_space<hbm>> -> memref<8192xi32, #tpu.memory_space<hbm>>
        tpu.wait_dma2 semaphore(%arg22 : memref<!tpu.dma_semaphore, #tpu.memory_space<semaphore_mem>>) src(%dma_wait3A_649 : memref<8192xi32, #tpu.memory_space<hbm>>) dst(%arg9 : memref<8192xi32, #tpu.memory_space<vmem>>)
        %parallel_loop3A_650 = arith.constant 0 : i32
        %parallel_loop3A_651 = arith.constant 512 : i32
        %parallel_loop3A_652 = arith.constant 1 : i32
        scf.for %parallel_loop3A_653 = %parallel_loop3A_650 to %parallel_loop3A_651 step %parallel_loop3A_652  : i32 {
          %parallel_loop3A_654 = arith.constant 16 : i32
          %parallel_loop3A_655 = arith.muli %parallel_loop3A_653, %parallel_loop3A_654 : i32
          %parallel_loop3A_656 = arith.index_cast %parallel_loop3A_655 : i32 to index
          %parallel_loop3A_657 = tpu.vector_load %arg9[%parallel_loop3A_656] {strides = array<i32>} : memref<8192xi32, #tpu.memory_space<vmem>>, vector<16xi32>,
          %parallel_loop3A_658 = vector.broadcast %mul3A_2 : i32 to vector<16xi32>
          %parallel_loop3A_659 = arith.subi %parallel_loop3A_657, %parallel_loop3A_658 : vector<16xi32>
          tpu.vector_store_idx %arg7[%parallel_loop3A_659], %broadcast_in_dim3A_7 {add = true} : memref<65536xf32, #tpu.memory_space<vmem>>[vector<16xi32>], vector<16xf32>,
        } {sc.loop_unroll_factor = 8 : i64, sc.parallel_access}
      } else {
      }
    }
    %while3A_500 = arith.constant 1 : i32
    scf.for %while3A_612 = %while3A_498 to %while3A_494 step %while3A_500  : i32 {
      %mul3A_613 = arith.muli %while3A_612, %while3A : i32
      %add3A_614 = arith.addi %while3A_491, %mul3A_613 : i32
      %add3A_615 = arith.constant 1 : i32
      %add3A_616 = arith.addi %add3A_614, %add3A_615 : i32
      %lt3A_617 = arith.cmpi slt, %add3A_616, %max3A_465 : i32
      %convert_element_type3A_618 = arith.extui %lt3A_617 : i1 to i32
      %cond3A_619 = arith.constant 0 : i32
      %cond3A_620 = arith.cmpi ne, %convert_element_type3A_618, %cond3A_619 : i32
      scf.if %cond3A_620 {
        %add3A_636 = arith.constant 1 : i32
        %add3A_637 = arith.addi %add3A_614, %add3A_636 : i32
        %add3A_638 = arith.addi %shift_right_arithmetic3A_457, %add3A_637 : i32
        %mul3A_639 = arith.constant 8192 : i32
        %mul3A_640 = arith.muli %add3A_638, %mul3A_639 : i32
        %multiple_of3A_641 = tpu.assume_multiple %mul3A_640, 8192 : i32
        %dma_start3A_642 = tpu.memref_slice %arg2[%multiple_of3A_641] : memref<3200000xi32, #tpu.memory_space<hbm>> -> memref<8192xi32, #tpu.memory_space<hbm>>
        %dma_start3A_643 = tpu.memref_slice %arg2[%multiple_of3A_641] : memref<3200000xi32, #tpu.memory_space<hbm>> -> memref<8192xi32, #tpu.memory_space<hbm>>
        tpu.enqueue_dma source(%dma_start3A_643 : memref<8192xi32, #tpu.memory_space<hbm>>) target(%arg9 : memref<8192xi32, #tpu.memory_space<vmem>>) target_semaphore(%arg22 : memref<!tpu.dma_semaphore, #tpu.memory_space<semaphore_mem>>)
      } else {
      }
      %add3A_621 = arith.addi %shift_right_arithmetic3A_457, %add3A_614 : i32
      %mul3A_622 = arith.constant 8192 : i32
      %mul3A_623 = arith.muli %add3A_621, %mul3A_622 : i32
      %multiple_of3A_624 = tpu.assume_multiple %mul3A_623, 8192 : i32
      %dma_wait3A_625 = tpu.memref_slice %arg2[%multiple_of3A_624] : memref<3200000xi32, #tpu.memory_space<hbm>> -> memref<8192xi32, #tpu.memory_space<hbm>>
      %dma_wait3A_626 = tpu.memref_slice %arg2[%multiple_of3A_624] : memref<3200000xi32, #tpu.memory_space<hbm>> -> memref<8192xi32, #tpu.memory_space<hbm>>
      tpu.wait_dma2 semaphore(%arg21 : memref<!tpu.dma_semaphore, #tpu.memory_space<semaphore_mem>>) src(%dma_wait3A_626 : memref<8192xi32, #tpu.memory_space<hbm>>) dst(%arg8 : memref<8192xi32, #tpu.memory_space<vmem>>)
      %parallel_loop3A_627 = arith.constant 0 : i32
      %parallel_loop3A_628 = arith.constant 512 : i32
      %parallel_loop3A_629 = arith.constant 1 : i32
      scf.for %parallel_loop3A_636 = %parallel_loop3A_627 to %parallel_loop3A_628 step %parallel_loop3A_629  : i32 {
        %parallel_loop3A_637 = arith.constant 16 : i32
        %parallel_loop3A_638 = arith.muli %parallel_loop3A_636, %parallel_loop3A_637 : i32
        %parallel_loop3A_639 = arith.index_cast %parallel_loop3A_638 : i32 to index
        %parallel_loop3A_640 = tpu.vector_load %arg8[%parallel_loop3A_639] {strides = array<i32>} : memref<8192xi32, #tpu.memory_space<vmem>>, vector<16xi32>,
        %parallel_loop3A_641 = vector.broadcast %mul3A_2 : i32 to vector<16xi32>
        %parallel_loop3A_642 = arith.subi %parallel_loop3A_640, %parallel_loop3A_641 : vector<16xi32>
        tpu.vector_store_idx %arg7[%parallel_loop3A_642], %broadcast_in_dim3A_7 {add = true} : memref<65536xf32, #tpu.memory_space<vmem>>[vector<16xi32>], vector<16xf32>,
      } {sc.loop_unroll_factor = 8 : i64, sc.parallel_access}
      %add3A_630 = arith.constant 1 : i32
      %add3A_631 = arith.addi %add3A_614, %add3A_630 : i32
      %lt3A_632 = arith.cmpi slt, %add3A_631, %max3A_465 : i32
      %convert_element_type3A_633 = arith.extui %lt3A_632 : i1 to i32
      %cond3A_634 = arith.constant 0 : i32
      %cond3A_635 = arith.cmpi ne, %convert_element_type3A_633, %cond3A_634 : i32
      scf.if %cond3A_635 {
        %add3A_636 = arith.constant 2 : i32
        %add3A_637 = arith.addi %add3A_614, %add3A_636 : i32
        %lt3A_638 = arith.cmpi slt, %add3A_637, %max3A_465 : i32
        %convert_element_type3A_639 = arith.extui %lt3A_638 : i1 to i32
        %cond3A_640 = arith.constant 0 : i32
        %cond3A_641 = arith.cmpi ne, %convert_element_type3A_639, %cond3A_640 : i32
        scf.if %cond3A_641 {
          %add3A_653 = arith.constant 2 : i32
          %add3A_654 = arith.addi %add3A_614, %add3A_653 : i32
          %add3A_655 = arith.addi %shift_right_arithmetic3A_457, %add3A_654 : i32
          %mul3A_656 = arith.constant 8192 : i32
          %mul3A_657 = arith.muli %add3A_655, %mul3A_656 : i32
          %multiple_of3A_658 = tpu.assume_multiple %mul3A_657, 8192 : i32
          %dma_start3A_659 = tpu.memref_slice %arg2[%multiple_of3A_658] : memref<3200000xi32, #tpu.memory_space<hbm>> -> memref<8192xi32, #tpu.memory_space<hbm>>
          %dma_start3A_660 = tpu.memref_slice %arg2[%multiple_of3A_658] : memref<3200000xi32, #tpu.memory_space<hbm>> -> memref<8192xi32, #tpu.memory_space<hbm>>
          tpu.enqueue_dma source(%dma_start3A_660 : memref<8192xi32, #tpu.memory_space<hbm>>) target(%arg8 : memref<8192xi32, #tpu.memory_space<vmem>>) target_semaphore(%arg21 : memref<!tpu.dma_semaphore, #tpu.memory_space<semaphore_mem>>)
        } else {
        }
        %add3A_642 = arith.constant 1 : i32
        %add3A_643 = arith.addi %add3A_614, %add3A_642 : i32
        %add3A_644 = arith.addi %shift_right_arithmetic3A_457, %add3A_643 : i32
        %mul3A_645 = arith.constant 8192 : i32
        %mul3A_646 = arith.muli %add3A_644, %mul3A_645 : i32
        %multiple_of3A_647 = tpu.assume_multiple %mul3A_646, 8192 : i32
        %dma_wait3A_648 = tpu.memref_slice %arg2[%multiple_of3A_647] : memref<3200000xi32, #tpu.memory_space<hbm>> -> memref<8192xi32, #tpu.memory_space<hbm>>
        %dma_wait3A_649 = tpu.memref_slice %arg2[%multiple_of3A_647] : memref<3200000xi32, #tpu.memory_space<hbm>> -> memref<8192xi32, #tpu.memory_space<hbm>>
        tpu.wait_dma2 semaphore(%arg22 : memref<!tpu.dma_semaphore, #tpu.memory_space<semaphore_mem>>) src(%dma_wait3A_649 : memref<8192xi32, #tpu.memory_space<hbm>>) dst(%arg9 : memref<8192xi32, #tpu.memory_space<vmem>>)
        %parallel_loop3A_650 = arith.constant 0 : i32
        %parallel_loop3A_651 = arith.constant 512 : i32
        %parallel_loop3A_652 = arith.constant 1 : i32
        scf.for %parallel_loop3A_653 = %parallel_loop3A_650 to %parallel_loop3A_651 step %parallel_loop3A_652  : i32 {
          %parallel_loop3A_654 = arith.constant 16 : i32
          %parallel_loop3A_655 = arith.muli %parallel_loop3A_653, %parallel_loop3A_654 : i32
          %parallel_loop3A_656 = arith.index_cast %parallel_loop3A_655 : i32 to index
          %parallel_loop3A_657 = tpu.vector_load %arg9[%parallel_loop3A_656] {strides = array<i32>} : memref<8192xi32, #tpu.memory_space<vmem>>, vector<16xi32>,
          %parallel_loop3A_658 = vector.broadcast %mul3A_2 : i32 to vector<16xi32>
          %parallel_loop3A_659 = arith.subi %parallel_loop3A_657, %parallel_loop3A_658 : vector<16xi32>
          tpu.vector_store_idx %arg7[%parallel_loop3A_659], %broadcast_in_dim3A_7 {add = true} : memref<65536xf32, #tpu.memory_space<vmem>>[vector<16xi32>], vector<16xf32>,
        } {sc.loop_unroll_factor = 8 : i64, sc.parallel_access}
      } else {
      }
    }
    %ge3A_501 = arith.constant 2 : i32
    %ge3A_502 = arith.cmpi sge, %sub3A_462, %ge3A_501 : i32
    %convert_element_type3A_503 = arith.extui %ge3A_502 : i1 to i32
    %cond3A_504 = arith.constant 0 : i32
    %cond3A_505 = arith.cmpi ne, %convert_element_type3A_503, %cond3A_504 : i32
    scf.if %cond3A_505 {
      %sub3A_612 = arith.constant 1 : i32
      %sub3A_613 = arith.subi %shift_right_arithmetic3A_461, %sub3A_612 : i32
      %sub3A_614 = arith.constant 1 : i32
      %sub3A_615 = arith.subi %sub3A_462, %sub3A_614 : i32
      %add3A_616 = arith.addi %shift_right_arithmetic3A_457, %sub3A_615 : i32
      %mul3A_617 = arith.constant 8192 : i32
      %mul3A_618 = arith.muli %add3A_616, %mul3A_617 : i32
      %multiple_of3A_619 = tpu.assume_multiple %mul3A_618, 8192 : i32
      %eq3A = arith.constant 390 : i32
      %eq3A_620 = arith.cmpi eq, %sub3A_613, %eq3A : i32
      %convert_element_type3A_621 = arith.extui %eq3A_620 : i1 to i32
      %cond3A_622 = arith.constant 0 : i32
      %cond3A_623 = arith.cmpi ne, %convert_element_type3A_621, %cond3A_622 : i32
      scf.if %cond3A_623 {
        %dma_wait3A_628 = arith.constant 0 : i32
        %dma_wait3A_629 = tpu.memref_slice %arg10[%dma_wait3A_628] : memref<8192xi32, #tpu.memory_space<vmem>> -> memref<5120xi32, #tpu.memory_space<vmem>>
        %dma_wait3A_630 = tpu.memref_slice %arg2[%multiple_of3A_619] : memref<3200000xi32, #tpu.memory_space<hbm>> -> memref<5120xi32, #tpu.memory_space<hbm>>
        %dma_wait3A_631 = arith.constant 0 : i32
        %dma_wait3A_632 = tpu.memref_slice %arg10[%dma_wait3A_631] : memref<8192xi32, #tpu.memory_space<vmem>> -> memref<5120xi32, #tpu.memory_space<vmem>>
        %dma_wait3A_633 = tpu.memref_slice %arg2[%multiple_of3A_619] : memref<3200000xi32, #tpu.memory_space<hbm>> -> memref<5120xi32, #tpu.memory_space<hbm>>
        tpu.wait_dma2 semaphore(%arg23 : memref<!tpu.dma_semaphore, #tpu.memory_space<semaphore_mem>>) src(%dma_wait3A_633 : memref<5120xi32, #tpu.memory_space<hbm>>) dst(%dma_wait3A_632 : memref<5120xi32, #tpu.memory_space<vmem>>)
        %parallel_loop3A_634 = arith.constant 0 : i32
        %parallel_loop3A_635 = arith.constant 320 : i32
        %parallel_loop3A_636 = arith.constant 1 : i32
        scf.for %parallel_loop3A_637 = %parallel_loop3A_634 to %parallel_loop3A_635 step %parallel_loop3A_636  : i32 {
          %parallel_loop3A_638 = arith.constant 16 : i32
          %parallel_loop3A_639 = arith.muli %parallel_loop3A_637, %parallel_loop3A_638 : i32
          %parallel_loop3A_640 = arith.index_cast %parallel_loop3A_639 : i32 to index
          %parallel_loop3A_641 = tpu.vector_load %arg10[%parallel_loop3A_640] {strides = array<i32>} : memref<8192xi32, #tpu.memory_space<vmem>>, vector<16xi32>,
          %parallel_loop3A_642 = vector.broadcast %mul3A_2 : i32 to vector<16xi32>
          %parallel_loop3A_643 = arith.cmpi sge, %parallel_loop3A_641, %parallel_loop3A_642 : vector<16xi32>
          %parallel_loop3A_644 = vector.broadcast %add3A_4 : i32 to vector<16xi32>
          %parallel_loop3A_645 = arith.cmpi slt, %parallel_loop3A_641, %parallel_loop3A_644 : vector<16xi32>
          %parallel_loop3A_646 = arith.andi %parallel_loop3A_643, %parallel_loop3A_645 : vector<16xi1>
          %parallel_loop3A_647 = vector.broadcast %mul3A_2 : i32 to vector<16xi32>
          %parallel_loop3A_648 = arith.subi %parallel_loop3A_641, %parallel_loop3A_647 : vector<16xi32>
          %parallel_loop3A_649 = arith.constant 0 : i32
          %parallel_loop3A_650 = vector.broadcast %parallel_loop3A_649 : i32 to vector<16xi32>
          %parallel_loop3A_651 = arith.select %parallel_loop3A_646, %parallel_loop3A_648, %parallel_loop3A_650 : vector<16xi1>, vector<16xi32>
          tpu.vector_store_idx %arg7[%parallel_loop3A_651], %broadcast_in_dim3A_7 masked %parallel_loop3A_646 {add = true} : memref<65536xf32, #tpu.memory_space<vmem>>[vector<16xi32>], vector<16xf32>, vector<16xi1>
        } {sc.loop_unroll_factor = 8 : i64, sc.parallel_access}
      } else {
      }
      %ne3A = arith.constant 390 : i32
      %ne3A_624 = arith.cmpi ne, %sub3A_613, %ne3A : i32
      %convert_element_type3A_625 = arith.extui %ne3A_624 : i1 to i32
      %cond3A_626 = arith.constant 0 : i32
      %cond3A_627 = arith.cmpi ne, %convert_element_type3A_625, %cond3A_626 : i32
      scf.if %cond3A_627 {
        %dma_wait3A_628 = tpu.memref_slice %arg2[%multiple_of3A_619] : memref<3200000xi32, #tpu.memory_space<hbm>> -> memref<8192xi32, #tpu.memory_space<hbm>>
        %dma_wait3A_629 = tpu.memref_slice %arg2[%multiple_of3A_619] : memref<3200000xi32, #tpu.memory_space<hbm>> -> memref<8192xi32, #tpu.memory_space<hbm>>
        tpu.wait_dma2 semaphore(%arg23 : memref<!tpu.dma_semaphore, #tpu.memory_space<semaphore_mem>>) src(%dma_wait3A_629 : memref<8192xi32, #tpu.memory_space<hbm>>) dst(%arg10 : memref<8192xi32, #tpu.memory_space<vmem>>)
        %parallel_loop3A_630 = arith.constant 0 : i32
        %parallel_loop3A_631 = arith.constant 512 : i32
        %parallel_loop3A_632 = arith.constant 1 : i32
        scf.for %parallel_loop3A_633 = %parallel_loop3A_630 to %parallel_loop3A_631 step %parallel_loop3A_632  : i32 {
          %parallel_loop3A_634 = arith.constant 16 : i32
          %parallel_loop3A_635 = arith.muli %parallel_loop3A_633, %parallel_loop3A_634 : i32
          %parallel_loop3A_636 = arith.index_cast %parallel_loop3A_635 : i32 to index
          %parallel_loop3A_637 = tpu.vector_load %arg10[%parallel_loop3A_636] {strides = array<i32>} : memref<8192xi32, #tpu.memory_space<vmem>>, vector<16xi32>,
          %parallel_loop3A_638 = vector.broadcast %mul3A_2 : i32 to vector<16xi32>
          %parallel_loop3A_639 = arith.cmpi sge, %parallel_loop3A_637, %parallel_loop3A_638 : vector<16xi32>
          %parallel_loop3A_640 = vector.broadcast %add3A_4 : i32 to vector<16xi32>
          %parallel_loop3A_641 = arith.cmpi slt, %parallel_loop3A_637, %parallel_loop3A_640 : vector<16xi32>
          %parallel_loop3A_642 = arith.andi %parallel_loop3A_639, %parallel_loop3A_641 : vector<16xi1>
          %parallel_loop3A_643 = vector.broadcast %mul3A_2 : i32 to vector<16xi32>
          %parallel_loop3A_644 = arith.subi %parallel_loop3A_637, %parallel_loop3A_643 : vector<16xi32>
          %parallel_loop3A_645 = arith.constant 0 : i32
          %parallel_loop3A_646 = vector.broadcast %parallel_loop3A_645 : i32 to vector<16xi32>
          %parallel_loop3A_647 = arith.select %parallel_loop3A_642, %parallel_loop3A_644, %parallel_loop3A_646 : vector<16xi1>, vector<16xi32>
          tpu.vector_store_idx %arg7[%parallel_loop3A_647], %broadcast_in_dim3A_7 masked %parallel_loop3A_642 {add = true} : memref<65536xf32, #tpu.memory_space<vmem>>[vector<16xi32>], vector<16xf32>, vector<16xi1>
        } {sc.loop_unroll_factor = 8 : i64, sc.parallel_access}
      } else {
      }
    } else {
    }
    "tpu.trace_stop"() : () -> ()
    "tpu.trace_start"() <{level = 10 : i32, message = "readout"}> : () -> ()
    tpu.wait_dma2 semaphore(%arg25 : memref<!tpu.dma_semaphore, #tpu.memory_space<semaphore_mem>>) src(%arg3 : memref<128xi32, #tpu.memory_space<hbm>>) dst(%arg16 : memref<128xi32, #tpu.memory_space<vmem>>)
    tpu.wait_dma2 semaphore(%arg25 : memref<!tpu.dma_semaphore, #tpu.memory_space<semaphore_mem>>) src(%arg4 : memref<128xf32, #tpu.memory_space<hbm>>) dst(%arg17 : memref<128xf32, #tpu.memory_space<vmem>>)
    tpu.wait_dma2 semaphore(%arg25 : memref<!tpu.dma_semaphore, #tpu.memory_space<semaphore_mem>>) src(%arg5 : memref<128xf32, #tpu.memory_space<hbm>>) dst(%arg18 : memref<128xf32, #tpu.memory_space<vmem>>)
    %get3A_506 = arith.constant 0 : index
    %get3A_507 = tpu.vector_load %arg16[%get3A_506] {strides = array<i32>} : memref<128xi32, #tpu.memory_space<vmem>>, vector<16xi32>,
    %gather3A_508 = tpu.vector_load_idx %arg17[%get3A_507] : memref<128xf32, #tpu.memory_space<vmem>>[vector<16xi32>], vector<16xf32>,
    %swap3A_509 = arith.constant 0 : index
    %swap3A_510 = tpu.vector_load %arg19[%swap3A_509] {strides = array<i32>} : memref<128xf32, #tpu.memory_space<vmem>>, vector<16xf32>,
    tpu.vector_store %arg19[%swap3A_509], %gather3A_508 {strides = array<i32>} : memref<128xf32, #tpu.memory_space<vmem>>, vector<16xf32>,
    %gather3A_511 = tpu.vector_load_idx %arg18[%get3A_507] : memref<128xf32, #tpu.memory_space<vmem>>[vector<16xi32>], vector<16xf32>,
    %swap3A_512 = arith.constant 0 : index
    %swap3A_513 = tpu.vector_load %arg20[%swap3A_512] {strides = array<i32>} : memref<128xf32, #tpu.memory_space<vmem>>, vector<16xf32>,
    tpu.vector_store %arg20[%swap3A_512], %gather3A_511 {strides = array<i32>} : memref<128xf32, #tpu.memory_space<vmem>>, vector<16xf32>,
    %get3A_514 = arith.constant 16 : index
    %get3A_515 = tpu.vector_load %arg16[%get3A_514] {strides = array<i32>} : memref<128xi32, #tpu.memory_space<vmem>>, vector<16xi32>,
    %gather3A_516 = tpu.vector_load_idx %arg17[%get3A_515] : memref<128xf32, #tpu.memory_space<vmem>>[vector<16xi32>], vector<16xf32>,
    %swap3A_517 = arith.constant 16 : index
    %swap3A_518 = tpu.vector_load %arg19[%swap3A_517] {strides = array<i32>} : memref<128xf32, #tpu.memory_space<vmem>>, vector<16xf32>,
    tpu.vector_store %arg19[%swap3A_517], %gather3A_516 {strides = array<i32>} : memref<128xf32, #tpu.memory_space<vmem>>, vector<16xf32>,
    %gather3A_519 = tpu.vector_load_idx %arg18[%get3A_515] : memref<128xf32, #tpu.memory_space<vmem>>[vector<16xi32>], vector<16xf32>,
    %swap3A_520 = arith.constant 16 : index
    %swap3A_521 = tpu.vector_load %arg20[%swap3A_520] {strides = array<i32>} : memref<128xf32, #tpu.memory_space<vmem>>, vector<16xf32>,
    tpu.vector_store %arg20[%swap3A_520], %gather3A_519 {strides = array<i32>} : memref<128xf32, #tpu.memory_space<vmem>>, vector<16xf32>,
    %get3A_522 = arith.constant 32 : index
    %get3A_523 = tpu.vector_load %arg16[%get3A_522] {strides = array<i32>} : memref<128xi32, #tpu.memory_space<vmem>>, vector<16xi32>,
    %gather3A_524 = tpu.vector_load_idx %arg17[%get3A_523] : memref<128xf32, #tpu.memory_space<vmem>>[vector<16xi32>], vector<16xf32>,
    %swap3A_525 = arith.constant 32 : index
    %swap3A_526 = tpu.vector_load %arg19[%swap3A_525] {strides = array<i32>} : memref<128xf32, #tpu.memory_space<vmem>>, vector<16xf32>,
    tpu.vector_store %arg19[%swap3A_525], %gather3A_524 {strides = array<i32>} : memref<128xf32, #tpu.memory_space<vmem>>, vector<16xf32>,
    %gather3A_527 = tpu.vector_load_idx %arg18[%get3A_523] : memref<128xf32, #tpu.memory_space<vmem>>[vector<16xi32>], vector<16xf32>,
    %swap3A_528 = arith.constant 32 : index
    %swap3A_529 = tpu.vector_load %arg20[%swap3A_528] {strides = array<i32>} : memref<128xf32, #tpu.memory_space<vmem>>, vector<16xf32>,
    tpu.vector_store %arg20[%swap3A_528], %gather3A_527 {strides = array<i32>} : memref<128xf32, #tpu.memory_space<vmem>>, vector<16xf32>,
    %get3A_530 = arith.constant 48 : index
    %get3A_531 = tpu.vector_load %arg16[%get3A_530] {strides = array<i32>} : memref<128xi32, #tpu.memory_space<vmem>>, vector<16xi32>,
    %gather3A_532 = tpu.vector_load_idx %arg17[%get3A_531] : memref<128xf32, #tpu.memory_space<vmem>>[vector<16xi32>], vector<16xf32>,
    %swap3A_533 = arith.constant 48 : index
    %swap3A_534 = tpu.vector_load %arg19[%swap3A_533] {strides = array<i32>} : memref<128xf32, #tpu.memory_space<vmem>>, vector<16xf32>,
    tpu.vector_store %arg19[%swap3A_533], %gather3A_532 {strides = array<i32>} : memref<128xf32, #tpu.memory_space<vmem>>, vector<16xf32>,
    %gather3A_535 = tpu.vector_load_idx %arg18[%get3A_531] : memref<128xf32, #tpu.memory_space<vmem>>[vector<16xi32>], vector<16xf32>,
    %swap3A_536 = arith.constant 48 : index
    %swap3A_537 = tpu.vector_load %arg20[%swap3A_536] {strides = array<i32>} : memref<128xf32, #tpu.memory_space<vmem>>, vector<16xf32>,
    tpu.vector_store %arg20[%swap3A_536], %gather3A_535 {strides = array<i32>} : memref<128xf32, #tpu.memory_space<vmem>>, vector<16xf32>,
    %get3A_538 = arith.constant 64 : index
    %get3A_539 = tpu.vector_load %arg16[%get3A_538] {strides = array<i32>} : memref<128xi32, #tpu.memory_space<vmem>>, vector<16xi32>,
    %gather3A_540 = tpu.vector_load_idx %arg17[%get3A_539] : memref<128xf32, #tpu.memory_space<vmem>>[vector<16xi32>], vector<16xf32>,
    %swap3A_541 = arith.constant 64 : index
    %swap3A_542 = tpu.vector_load %arg19[%swap3A_541] {strides = array<i32>} : memref<128xf32, #tpu.memory_space<vmem>>, vector<16xf32>,
    tpu.vector_store %arg19[%swap3A_541], %gather3A_540 {strides = array<i32>} : memref<128xf32, #tpu.memory_space<vmem>>, vector<16xf32>,
    %gather3A_543 = tpu.vector_load_idx %arg18[%get3A_539] : memref<128xf32, #tpu.memory_space<vmem>>[vector<16xi32>], vector<16xf32>,
    %swap3A_544 = arith.constant 64 : index
    %swap3A_545 = tpu.vector_load %arg20[%swap3A_544] {strides = array<i32>} : memref<128xf32, #tpu.memory_space<vmem>>, vector<16xf32>,
    tpu.vector_store %arg20[%swap3A_544], %gather3A_543 {strides = array<i32>} : memref<128xf32, #tpu.memory_space<vmem>>, vector<16xf32>,
    %get3A_546 = arith.constant 80 : index
    %get3A_547 = tpu.vector_load %arg16[%get3A_546] {strides = array<i32>} : memref<128xi32, #tpu.memory_space<vmem>>, vector<16xi32>,
    %gather3A_548 = tpu.vector_load_idx %arg17[%get3A_547] : memref<128xf32, #tpu.memory_space<vmem>>[vector<16xi32>], vector<16xf32>,
    %swap3A_549 = arith.constant 80 : index
    %swap3A_550 = tpu.vector_load %arg19[%swap3A_549] {strides = array<i32>} : memref<128xf32, #tpu.memory_space<vmem>>, vector<16xf32>,
    tpu.vector_store %arg19[%swap3A_549], %gather3A_548 {strides = array<i32>} : memref<128xf32, #tpu.memory_space<vmem>>, vector<16xf32>,
    %gather3A_551 = tpu.vector_load_idx %arg18[%get3A_547] : memref<128xf32, #tpu.memory_space<vmem>>[vector<16xi32>], vector<16xf32>,
    %swap3A_552 = arith.constant 80 : index
    %swap3A_553 = tpu.vector_load %arg20[%swap3A_552] {strides = array<i32>} : memref<128xf32, #tpu.memory_space<vmem>>, vector<16xf32>,
    tpu.vector_store %arg20[%swap3A_552], %gather3A_551 {strides = array<i32>} : memref<128xf32, #tpu.memory_space<vmem>>, vector<16xf32>,
    %get3A_554 = arith.constant 96 : index
    %get3A_555 = tpu.vector_load %arg16[%get3A_554] {strides = array<i32>} : memref<128xi32, #tpu.memory_space<vmem>>, vector<16xi32>,
    %gather3A_556 = tpu.vector_load_idx %arg17[%get3A_555] : memref<128xf32, #tpu.memory_space<vmem>>[vector<16xi32>], vector<16xf32>,
    %swap3A_557 = arith.constant 96 : index
    %swap3A_558 = tpu.vector_load %arg19[%swap3A_557] {strides = array<i32>} : memref<128xf32, #tpu.memory_space<vmem>>, vector<16xf32>,
    tpu.vector_store %arg19[%swap3A_557], %gather3A_556 {strides = array<i32>} : memref<128xf32, #tpu.memory_space<vmem>>, vector<16xf32>,
    %gather3A_559 = tpu.vector_load_idx %arg18[%get3A_555] : memref<128xf32, #tpu.memory_space<vmem>>[vector<16xi32>], vector<16xf32>,
    %swap3A_560 = arith.constant 96 : index
    %swap3A_561 = tpu.vector_load %arg20[%swap3A_560] {strides = array<i32>} : memref<128xf32, #tpu.memory_space<vmem>>, vector<16xf32>,
    tpu.vector_store %arg20[%swap3A_560], %gather3A_559 {strides = array<i32>} : memref<128xf32, #tpu.memory_space<vmem>>, vector<16xf32>,
    %get3A_562 = arith.constant 112 : index
    %get3A_563 = tpu.vector_load %arg16[%get3A_562] {strides = array<i32>} : memref<128xi32, #tpu.memory_space<vmem>>, vector<16xi32>,
    %gather3A_564 = tpu.vector_load_idx %arg17[%get3A_563] : memref<128xf32, #tpu.memory_space<vmem>>[vector<16xi32>], vector<16xf32>,
    %swap3A_565 = arith.constant 112 : index
    %swap3A_566 = tpu.vector_load %arg19[%swap3A_565] {strides = array<i32>} : memref<128xf32, #tpu.memory_space<vmem>>, vector<16xf32>,
    tpu.vector_store %arg19[%swap3A_565], %gather3A_564 {strides = array<i32>} : memref<128xf32, #tpu.memory_space<vmem>>, vector<16xf32>,
    %gather3A_567 = tpu.vector_load_idx %arg18[%get3A_563] : memref<128xf32, #tpu.memory_space<vmem>>[vector<16xi32>], vector<16xf32>,
    %swap3A_568 = arith.constant 112 : index
    %swap3A_569 = tpu.vector_load %arg20[%swap3A_568] {strides = array<i32>} : memref<128xf32, #tpu.memory_space<vmem>>, vector<16xf32>,
    tpu.vector_store %arg20[%swap3A_568], %gather3A_567 {strides = array<i32>} : memref<128xf32, #tpu.memory_space<vmem>>, vector<16xf32>,
    %parallel_loop3A_570 = arith.constant 0 : i32
    %parallel_loop3A_571 = arith.constant 256 : i32
    %parallel_loop3A_572 = arith.constant 1 : i32
    scf.for %parallel_loop3A_612 = %parallel_loop3A_570 to %parallel_loop3A_571 step %parallel_loop3A_572  : i32 {
      %parallel_loop3A_613 = arith.constant 128 : i32
      %parallel_loop3A_614 = arith.muli %parallel_loop3A_612, %parallel_loop3A_613 : i32
      %parallel_loop3A_615 = arith.constant 0 : i32
      %parallel_loop3A_616 = arith.addi %parallel_loop3A_614, %parallel_loop3A_615 : i32
      %parallel_loop3A_617 = arith.index_cast %parallel_loop3A_616 : i32 to index
      %parallel_loop3A_618 = tpu.vector_load %arg7[%parallel_loop3A_617] {strides = array<i32>} : memref<65536xf32, #tpu.memory_space<vmem>>, vector<16xf32>,
      %parallel_loop3A_619 = arith.constant 0 : index
      %parallel_loop3A_620 = tpu.vector_load %arg19[%parallel_loop3A_619] {strides = array<i32>} : memref<128xf32, #tpu.memory_space<vmem>>, vector<16xf32>,
      %parallel_loop3A_621 = arith.mulf %parallel_loop3A_618, %parallel_loop3A_620 : vector<16xf32>
      %parallel_loop3A_622 = arith.constant 0 : index
      %parallel_loop3A_623 = tpu.vector_load %arg20[%parallel_loop3A_622] {strides = array<i32>} : memref<128xf32, #tpu.memory_space<vmem>>, vector<16xf32>,
      %parallel_loop3A_624 = arith.addf %parallel_loop3A_621, %parallel_loop3A_623 : vector<16xf32>
      %parallel_loop3A_625 = arith.index_cast %parallel_loop3A_616 : i32 to index
      %parallel_loop3A_626 = tpu.vector_load %arg7[%parallel_loop3A_625] {strides = array<i32>} : memref<65536xf32, #tpu.memory_space<vmem>>, vector<16xf32>,
      tpu.vector_store %arg7[%parallel_loop3A_625], %parallel_loop3A_624 {strides = array<i32>} : memref<65536xf32, #tpu.memory_space<vmem>>, vector<16xf32>,
      %parallel_loop3A_627 = arith.constant 16 : i32
      %parallel_loop3A_628 = arith.addi %parallel_loop3A_614, %parallel_loop3A_627 : i32
      %parallel_loop3A_629 = arith.index_cast %parallel_loop3A_628 : i32 to index
      %parallel_loop3A_630 = tpu.vector_load %arg7[%parallel_loop3A_629] {strides = array<i32>} : memref<65536xf32, #tpu.memory_space<vmem>>, vector<16xf32>,
      %parallel_loop3A_631 = arith.constant 16 : index
      %parallel_loop3A_632 = tpu.vector_load %arg19[%parallel_loop3A_631] {strides = array<i32>} : memref<128xf32, #tpu.memory_space<vmem>>, vector<16xf32>,
      %parallel_loop3A_633 = arith.mulf %parallel_loop3A_630, %parallel_loop3A_632 : vector<16xf32>
      %parallel_loop3A_634 = arith.constant 16 : index
      %parallel_loop3A_635 = tpu.vector_load %arg20[%parallel_loop3A_634] {strides = array<i32>} : memref<128xf32, #tpu.memory_space<vmem>>, vector<16xf32>,
      %parallel_loop3A_636 = arith.addf %parallel_loop3A_633, %parallel_loop3A_635 : vector<16xf32>
      %parallel_loop3A_637 = arith.index_cast %parallel_loop3A_628 : i32 to index
      %parallel_loop3A_638 = tpu.vector_load %arg7[%parallel_loop3A_637] {strides = array<i32>} : memref<65536xf32, #tpu.memory_space<vmem>>, vector<16xf32>,
      tpu.vector_store %arg7[%parallel_loop3A_637], %parallel_loop3A_636 {strides = array<i32>} : memref<65536xf32, #tpu.memory_space<vmem>>, vector<16xf32>,
      %parallel_loop3A_639 = arith.constant 32 : i32
      %parallel_loop3A_640 = arith.addi %parallel_loop3A_614, %parallel_loop3A_639 : i32
      %parallel_loop3A_641 = arith.index_cast %parallel_loop3A_640 : i32 to index
      %parallel_loop3A_642 = tpu.vector_load %arg7[%parallel_loop3A_641] {strides = array<i32>} : memref<65536xf32, #tpu.memory_space<vmem>>, vector<16xf32>,
      %parallel_loop3A_643 = arith.constant 32 : index
      %parallel_loop3A_644 = tpu.vector_load %arg19[%parallel_loop3A_643] {strides = array<i32>} : memref<128xf32, #tpu.memory_space<vmem>>, vector<16xf32>,
      %parallel_loop3A_645 = arith.mulf %parallel_loop3A_642, %parallel_loop3A_644 : vector<16xf32>
      %parallel_loop3A_646 = arith.constant 32 : index
      %parallel_loop3A_647 = tpu.vector_load %arg20[%parallel_loop3A_646] {strides = array<i32>} : memref<128xf32, #tpu.memory_space<vmem>>, vector<16xf32>,
      %parallel_loop3A_648 = arith.addf %parallel_loop3A_645, %parallel_loop3A_647 : vector<16xf32>
      %parallel_loop3A_649 = arith.index_cast %parallel_loop3A_640 : i32 to index
      %parallel_loop3A_650 = tpu.vector_load %arg7[%parallel_loop3A_649] {strides = array<i32>} : memref<65536xf32, #tpu.memory_space<vmem>>, vector<16xf32>,
      tpu.vector_store %arg7[%parallel_loop3A_649], %parallel_loop3A_648 {strides = array<i32>} : memref<65536xf32, #tpu.memory_space<vmem>>, vector<16xf32>,
      %parallel_loop3A_651 = arith.constant 48 : i32
      %parallel_loop3A_652 = arith.addi %parallel_loop3A_614, %parallel_loop3A_651 : i32
      %parallel_loop3A_653 = arith.index_cast %parallel_loop3A_652 : i32 to index
      %parallel_loop3A_654 = tpu.vector_load %arg7[%parallel_loop3A_653] {strides = array<i32>} : memref<65536xf32, #tpu.memory_space<vmem>>, vector<16xf32>,
      %parallel_loop3A_655 = arith.constant 48 : index
      %parallel_loop3A_656 = tpu.vector_load %arg19[%parallel_loop3A_655] {strides = array<i32>} : memref<128xf32, #tpu.memory_space<vmem>>, vector<16xf32>,
      %parallel_loop3A_657 = arith.mulf %parallel_loop3A_654, %parallel_loop3A_656 : vector<16xf32>
      %parallel_loop3A_658 = arith.constant 48 : index
      %parallel_loop3A_659 = tpu.vector_load %arg20[%parallel_loop3A_658] {strides = array<i32>} : memref<128xf32, #tpu.memory_space<vmem>>, vector<16xf32>,
      %parallel_loop3A_660 = arith.addf %parallel_loop3A_657, %parallel_loop3A_659 : vector<16xf32>
      %parallel_loop3A_661 = arith.index_cast %parallel_loop3A_652 : i32 to index
      %parallel_loop3A_662 = tpu.vector_load %arg7[%parallel_loop3A_661] {strides = array<i32>} : memref<65536xf32, #tpu.memory_space<vmem>>, vector<16xf32>,
      tpu.vector_store %arg7[%parallel_loop3A_661], %parallel_loop3A_660 {strides = array<i32>} : memref<65536xf32, #tpu.memory_space<vmem>>, vector<16xf32>,
      %parallel_loop3A_663 = arith.constant 64 : i32
      %parallel_loop3A_664 = arith.addi %parallel_loop3A_614, %parallel_loop3A_663 : i32
      %parallel_loop3A_665 = arith.index_cast %parallel_loop3A_664 : i32 to index
      %parallel_loop3A_666 = tpu.vector_load %arg7[%parallel_loop3A_665] {strides = array<i32>} : memref<65536xf32, #tpu.memory_space<vmem>>, vector<16xf32>,
      %parallel_loop3A_667 = arith.constant 64 : index
      %parallel_loop3A_668 = tpu.vector_load %arg19[%parallel_loop3A_667] {strides = array<i32>} : memref<128xf32, #tpu.memory_space<vmem>>, vector<16xf32>,
      %parallel_loop3A_669 = arith.mulf %parallel_loop3A_666, %parallel_loop3A_668 : vector<16xf32>
      %parallel_loop3A_670 = arith.constant 64 : index
      %parallel_loop3A_671 = tpu.vector_load %arg20[%parallel_loop3A_670] {strides = array<i32>} : memref<128xf32, #tpu.memory_space<vmem>>, vector<16xf32>,
      %parallel_loop3A_672 = arith.addf %parallel_loop3A_669, %parallel_loop3A_671 : vector<16xf32>
      %parallel_loop3A_673 = arith.index_cast %parallel_loop3A_664 : i32 to index
      %parallel_loop3A_674 = tpu.vector_load %arg7[%parallel_loop3A_673] {strides = array<i32>} : memref<65536xf32, #tpu.memory_space<vmem>>, vector<16xf32>,
      tpu.vector_store %arg7[%parallel_loop3A_673], %parallel_loop3A_672 {strides = array<i32>} : memref<65536xf32, #tpu.memory_space<vmem>>, vector<16xf32>,
      %parallel_loop3A_675 = arith.constant 80 : i32
      %parallel_loop3A_676 = arith.addi %parallel_loop3A_614, %parallel_loop3A_675 : i32
      %parallel_loop3A_677 = arith.index_cast %parallel_loop3A_676 : i32 to index
      %parallel_loop3A_678 = tpu.vector_load %arg7[%parallel_loop3A_677] {strides = array<i32>} : memref<65536xf32, #tpu.memory_space<vmem>>, vector<16xf32>,
      %parallel_loop3A_679 = arith.constant 80 : index
      %parallel_loop3A_680 = tpu.vector_load %arg19[%parallel_loop3A_679] {strides = array<i32>} : memref<128xf32, #tpu.memory_space<vmem>>, vector<16xf32>,
      %parallel_loop3A_681 = arith.mulf %parallel_loop3A_678, %parallel_loop3A_680 : vector<16xf32>
      %parallel_loop3A_682 = arith.constant 80 : index
      %parallel_loop3A_683 = tpu.vector_load %arg20[%parallel_loop3A_682] {strides = array<i32>} : memref<128xf32, #tpu.memory_space<vmem>>, vector<16xf32>,
      %parallel_loop3A_684 = arith.addf %parallel_loop3A_681, %parallel_loop3A_683 : vector<16xf32>
      %parallel_loop3A_685 = arith.index_cast %parallel_loop3A_676 : i32 to index
      %parallel_loop3A_686 = tpu.vector_load %arg7[%parallel_loop3A_685] {strides = array<i32>} : memref<65536xf32, #tpu.memory_space<vmem>>, vector<16xf32>,
      tpu.vector_store %arg7[%parallel_loop3A_685], %parallel_loop3A_684 {strides = array<i32>} : memref<65536xf32, #tpu.memory_space<vmem>>, vector<16xf32>,
      %parallel_loop3A_687 = arith.constant 96 : i32
      %parallel_loop3A_688 = arith.addi %parallel_loop3A_614, %parallel_loop3A_687 : i32
      %parallel_loop3A_689 = arith.index_cast %parallel_loop3A_688 : i32 to index
      %parallel_loop3A_690 = tpu.vector_load %arg7[%parallel_loop3A_689] {strides = array<i32>} : memref<65536xf32, #tpu.memory_space<vmem>>, vector<16xf32>,
      %parallel_loop3A_691 = arith.constant 96 : index
      %parallel_loop3A_692 = tpu.vector_load %arg19[%parallel_loop3A_691] {strides = array<i32>} : memref<128xf32, #tpu.memory_space<vmem>>, vector<16xf32>,
      %parallel_loop3A_693 = arith.mulf %parallel_loop3A_690, %parallel_loop3A_692 : vector<16xf32>
      %parallel_loop3A_694 = arith.constant 96 : index
      %parallel_loop3A_695 = tpu.vector_load %arg20[%parallel_loop3A_694] {strides = array<i32>} : memref<128xf32, #tpu.memory_space<vmem>>, vector<16xf32>,
      %parallel_loop3A_696 = arith.addf %parallel_loop3A_693, %parallel_loop3A_695 : vector<16xf32>
      %parallel_loop3A_697 = arith.index_cast %parallel_loop3A_688 : i32 to index
      %parallel_loop3A_698 = tpu.vector_load %arg7[%parallel_loop3A_697] {strides = array<i32>} : memref<65536xf32, #tpu.memory_space<vmem>>, vector<16xf32>,
      tpu.vector_store %arg7[%parallel_loop3A_697], %parallel_loop3A_696 {strides = array<i32>} : memref<65536xf32, #tpu.memory_space<vmem>>, vector<16xf32>,
      %parallel_loop3A_699 = arith.constant 112 : i32
      %parallel_loop3A_700 = arith.addi %parallel_loop3A_614, %parallel_loop3A_699 : i32
      %parallel_loop3A_701 = arith.index_cast %parallel_loop3A_700 : i32 to index
      %parallel_loop3A_702 = tpu.vector_load %arg7[%parallel_loop3A_701] {strides = array<i32>} : memref<65536xf32, #tpu.memory_space<vmem>>, vector<16xf32>,
      %parallel_loop3A_703 = arith.constant 112 : index
      %parallel_loop3A_704 = tpu.vector_load %arg19[%parallel_loop3A_703] {strides = array<i32>} : memref<128xf32, #tpu.memory_space<vmem>>, vector<16xf32>,
      %parallel_loop3A_705 = arith.mulf %parallel_loop3A_702, %parallel_loop3A_704 : vector<16xf32>
      %parallel_loop3A_706 = arith.constant 112 : index
      %parallel_loop3A_707 = tpu.vector_load %arg20[%parallel_loop3A_706] {strides = array<i32>} : memref<128xf32, #tpu.memory_space<vmem>>, vector<16xf32>,
      %parallel_loop3A_708 = arith.addf %parallel_loop3A_705, %parallel_loop3A_707 : vector<16xf32>
      %parallel_loop3A_709 = arith.index_cast %parallel_loop3A_700 : i32 to index
      %parallel_loop3A_710 = tpu.vector_load %arg7[%parallel_loop3A_709] {strides = array<i32>} : memref<65536xf32, #tpu.memory_space<vmem>>, vector<16xf32>,
      tpu.vector_store %arg7[%parallel_loop3A_709], %parallel_loop3A_708 {strides = array<i32>} : memref<65536xf32, #tpu.memory_space<vmem>>, vector<16xf32>,
    } {sc.loop_unroll_factor = 8 : i64, sc.parallel_access}
    %add3A_573 = arith.constant 0 : i32
    %add3A_574 = arith.addi %mul3A_2, %add3A_573 : i32
    %multiple_of3A_575 = tpu.assume_multiple %add3A_574, 32768 : i32
    %dma_start3A_576 = arith.constant 0 : i32
    %dma_start3A_577 = tpu.memref_slice %arg7[%dma_start3A_576] : memref<65536xf32, #tpu.memory_space<vmem>> -> memref<32768xf32, #tpu.memory_space<vmem>>
    %dma_start3A_578 = tpu.memref_slice %arg6[%multiple_of3A_575] : memref<2097152xf32, #tpu.memory_space<hbm>> -> memref<32768xf32, #tpu.memory_space<hbm>>
    %dma_start3A_579 = tpu.memref_slice %arg6[%multiple_of3A_575] : memref<2097152xf32, #tpu.memory_space<hbm>> -> memref<32768xf32, #tpu.memory_space<hbm>>
    %dma_start3A_580 = arith.constant 0 : i32
    %dma_start3A_581 = tpu.memref_slice %arg7[%dma_start3A_580] : memref<65536xf32, #tpu.memory_space<vmem>> -> memref<32768xf32, #tpu.memory_space<vmem>>
    tpu.enqueue_dma source(%dma_start3A_581 : memref<32768xf32, #tpu.memory_space<vmem>>) target(%dma_start3A_579 : memref<32768xf32, #tpu.memory_space<hbm>>) target_semaphore(%arg26 : memref<!tpu.dma_semaphore, #tpu.memory_space<semaphore_mem>>)
    %parallel_loop3A_582 = arith.constant 256 : i32
    %parallel_loop3A_583 = arith.constant 512 : i32
    %parallel_loop3A_584 = arith.constant 1 : i32
    scf.for %parallel_loop3A_612 = %parallel_loop3A_582 to %parallel_loop3A_583 step %parallel_loop3A_584  : i32 {
      %parallel_loop3A_613 = arith.constant 128 : i32
      %parallel_loop3A_614 = arith.muli %parallel_loop3A_612, %parallel_loop3A_613 : i32
      %parallel_loop3A_615 = arith.constant 0 : i32
      %parallel_loop3A_616 = arith.addi %parallel_loop3A_614, %parallel_loop3A_615 : i32
      %parallel_loop3A_617 = arith.index_cast %parallel_loop3A_616 : i32 to index
      %parallel_loop3A_618 = tpu.vector_load %arg7[%parallel_loop3A_617] {strides = array<i32>} : memref<65536xf32, #tpu.memory_space<vmem>>, vector<16xf32>,
      %parallel_loop3A_619 = arith.constant 0 : index
      %parallel_loop3A_620 = tpu.vector_load %arg19[%parallel_loop3A_619] {strides = array<i32>} : memref<128xf32, #tpu.memory_space<vmem>>, vector<16xf32>,
      %parallel_loop3A_621 = arith.mulf %parallel_loop3A_618, %parallel_loop3A_620 : vector<16xf32>
      %parallel_loop3A_622 = arith.constant 0 : index
      %parallel_loop3A_623 = tpu.vector_load %arg20[%parallel_loop3A_622] {strides = array<i32>} : memref<128xf32, #tpu.memory_space<vmem>>, vector<16xf32>,
      %parallel_loop3A_624 = arith.addf %parallel_loop3A_621, %parallel_loop3A_623 : vector<16xf32>
      %parallel_loop3A_625 = arith.index_cast %parallel_loop3A_616 : i32 to index
      %parallel_loop3A_626 = tpu.vector_load %arg7[%parallel_loop3A_625] {strides = array<i32>} : memref<65536xf32, #tpu.memory_space<vmem>>, vector<16xf32>,
      tpu.vector_store %arg7[%parallel_loop3A_625], %parallel_loop3A_624 {strides = array<i32>} : memref<65536xf32, #tpu.memory_space<vmem>>, vector<16xf32>,
      %parallel_loop3A_627 = arith.constant 16 : i32
      %parallel_loop3A_628 = arith.addi %parallel_loop3A_614, %parallel_loop3A_627 : i32
      %parallel_loop3A_629 = arith.index_cast %parallel_loop3A_628 : i32 to index
      %parallel_loop3A_630 = tpu.vector_load %arg7[%parallel_loop3A_629] {strides = array<i32>} : memref<65536xf32, #tpu.memory_space<vmem>>, vector<16xf32>,
      %parallel_loop3A_631 = arith.constant 16 : index
      %parallel_loop3A_632 = tpu.vector_load %arg19[%parallel_loop3A_631] {strides = array<i32>} : memref<128xf32, #tpu.memory_space<vmem>>, vector<16xf32>,
      %parallel_loop3A_633 = arith.mulf %parallel_loop3A_630, %parallel_loop3A_632 : vector<16xf32>
      %parallel_loop3A_634 = arith.constant 16 : index
      %parallel_loop3A_635 = tpu.vector_load %arg20[%parallel_loop3A_634] {strides = array<i32>} : memref<128xf32, #tpu.memory_space<vmem>>, vector<16xf32>,
      %parallel_loop3A_636 = arith.addf %parallel_loop3A_633, %parallel_loop3A_635 : vector<16xf32>
      %parallel_loop3A_637 = arith.index_cast %parallel_loop3A_628 : i32 to index
      %parallel_loop3A_638 = tpu.vector_load %arg7[%parallel_loop3A_637] {strides = array<i32>} : memref<65536xf32, #tpu.memory_space<vmem>>, vector<16xf32>,
      tpu.vector_store %arg7[%parallel_loop3A_637], %parallel_loop3A_636 {strides = array<i32>} : memref<65536xf32, #tpu.memory_space<vmem>>, vector<16xf32>,
      %parallel_loop3A_639 = arith.constant 32 : i32
      %parallel_loop3A_640 = arith.addi %parallel_loop3A_614, %parallel_loop3A_639 : i32
      %parallel_loop3A_641 = arith.index_cast %parallel_loop3A_640 : i32 to index
      %parallel_loop3A_642 = tpu.vector_load %arg7[%parallel_loop3A_641] {strides = array<i32>} : memref<65536xf32, #tpu.memory_space<vmem>>, vector<16xf32>,
      %parallel_loop3A_643 = arith.constant 32 : index
      %parallel_loop3A_644 = tpu.vector_load %arg19[%parallel_loop3A_643] {strides = array<i32>} : memref<128xf32, #tpu.memory_space<vmem>>, vector<16xf32>,
      %parallel_loop3A_645 = arith.mulf %parallel_loop3A_642, %parallel_loop3A_644 : vector<16xf32>
      %parallel_loop3A_646 = arith.constant 32 : index
      %parallel_loop3A_647 = tpu.vector_load %arg20[%parallel_loop3A_646] {strides = array<i32>} : memref<128xf32, #tpu.memory_space<vmem>>, vector<16xf32>,
      %parallel_loop3A_648 = arith.addf %parallel_loop3A_645, %parallel_loop3A_647 : vector<16xf32>
      %parallel_loop3A_649 = arith.index_cast %parallel_loop3A_640 : i32 to index
      %parallel_loop3A_650 = tpu.vector_load %arg7[%parallel_loop3A_649] {strides = array<i32>} : memref<65536xf32, #tpu.memory_space<vmem>>, vector<16xf32>,
      tpu.vector_store %arg7[%parallel_loop3A_649], %parallel_loop3A_648 {strides = array<i32>} : memref<65536xf32, #tpu.memory_space<vmem>>, vector<16xf32>,
      %parallel_loop3A_651 = arith.constant 48 : i32
      %parallel_loop3A_652 = arith.addi %parallel_loop3A_614, %parallel_loop3A_651 : i32
      %parallel_loop3A_653 = arith.index_cast %parallel_loop3A_652 : i32 to index
      %parallel_loop3A_654 = tpu.vector_load %arg7[%parallel_loop3A_653] {strides = array<i32>} : memref<65536xf32, #tpu.memory_space<vmem>>, vector<16xf32>,
      %parallel_loop3A_655 = arith.constant 48 : index
      %parallel_loop3A_656 = tpu.vector_load %arg19[%parallel_loop3A_655] {strides = array<i32>} : memref<128xf32, #tpu.memory_space<vmem>>, vector<16xf32>,
      %parallel_loop3A_657 = arith.mulf %parallel_loop3A_654, %parallel_loop3A_656 : vector<16xf32>
      %parallel_loop3A_658 = arith.constant 48 : index
      %parallel_loop3A_659 = tpu.vector_load %arg20[%parallel_loop3A_658] {strides = array<i32>} : memref<128xf32, #tpu.memory_space<vmem>>, vector<16xf32>,
      %parallel_loop3A_660 = arith.addf %parallel_loop3A_657, %parallel_loop3A_659 : vector<16xf32>
      %parallel_loop3A_661 = arith.index_cast %parallel_loop3A_652 : i32 to index
      %parallel_loop3A_662 = tpu.vector_load %arg7[%parallel_loop3A_661] {strides = array<i32>} : memref<65536xf32, #tpu.memory_space<vmem>>, vector<16xf32>,
      tpu.vector_store %arg7[%parallel_loop3A_661], %parallel_loop3A_660 {strides = array<i32>} : memref<65536xf32, #tpu.memory_space<vmem>>, vector<16xf32>,
      %parallel_loop3A_663 = arith.constant 64 : i32
      %parallel_loop3A_664 = arith.addi %parallel_loop3A_614, %parallel_loop3A_663 : i32
      %parallel_loop3A_665 = arith.index_cast %parallel_loop3A_664 : i32 to index
      %parallel_loop3A_666 = tpu.vector_load %arg7[%parallel_loop3A_665] {strides = array<i32>} : memref<65536xf32, #tpu.memory_space<vmem>>, vector<16xf32>,
      %parallel_loop3A_667 = arith.constant 64 : index
      %parallel_loop3A_668 = tpu.vector_load %arg19[%parallel_loop3A_667] {strides = array<i32>} : memref<128xf32, #tpu.memory_space<vmem>>, vector<16xf32>,
      %parallel_loop3A_669 = arith.mulf %parallel_loop3A_666, %parallel_loop3A_668 : vector<16xf32>
      %parallel_loop3A_670 = arith.constant 64 : index
      %parallel_loop3A_671 = tpu.vector_load %arg20[%parallel_loop3A_670] {strides = array<i32>} : memref<128xf32, #tpu.memory_space<vmem>>, vector<16xf32>,
      %parallel_loop3A_672 = arith.addf %parallel_loop3A_669, %parallel_loop3A_671 : vector<16xf32>
      %parallel_loop3A_673 = arith.index_cast %parallel_loop3A_664 : i32 to index
      %parallel_loop3A_674 = tpu.vector_load %arg7[%parallel_loop3A_673] {strides = array<i32>} : memref<65536xf32, #tpu.memory_space<vmem>>, vector<16xf32>,
      tpu.vector_store %arg7[%parallel_loop3A_673], %parallel_loop3A_672 {strides = array<i32>} : memref<65536xf32, #tpu.memory_space<vmem>>, vector<16xf32>,
      %parallel_loop3A_675 = arith.constant 80 : i32
      %parallel_loop3A_676 = arith.addi %parallel_loop3A_614, %parallel_loop3A_675 : i32
      %parallel_loop3A_677 = arith.index_cast %parallel_loop3A_676 : i32 to index
      %parallel_loop3A_678 = tpu.vector_load %arg7[%parallel_loop3A_677] {strides = array<i32>} : memref<65536xf32, #tpu.memory_space<vmem>>, vector<16xf32>,
      %parallel_loop3A_679 = arith.constant 80 : index
      %parallel_loop3A_680 = tpu.vector_load %arg19[%parallel_loop3A_679] {strides = array<i32>} : memref<128xf32, #tpu.memory_space<vmem>>, vector<16xf32>,
      %parallel_loop3A_681 = arith.mulf %parallel_loop3A_678, %parallel_loop3A_680 : vector<16xf32>
      %parallel_loop3A_682 = arith.constant 80 : index
      %parallel_loop3A_683 = tpu.vector_load %arg20[%parallel_loop3A_682] {strides = array<i32>} : memref<128xf32, #tpu.memory_space<vmem>>, vector<16xf32>,
      %parallel_loop3A_684 = arith.addf %parallel_loop3A_681, %parallel_loop3A_683 : vector<16xf32>
      %parallel_loop3A_685 = arith.index_cast %parallel_loop3A_676 : i32 to index
      %parallel_loop3A_686 = tpu.vector_load %arg7[%parallel_loop3A_685] {strides = array<i32>} : memref<65536xf32, #tpu.memory_space<vmem>>, vector<16xf32>,
      tpu.vector_store %arg7[%parallel_loop3A_685], %parallel_loop3A_684 {strides = array<i32>} : memref<65536xf32, #tpu.memory_space<vmem>>, vector<16xf32>,
      %parallel_loop3A_687 = arith.constant 96 : i32
      %parallel_loop3A_688 = arith.addi %parallel_loop3A_614, %parallel_loop3A_687 : i32
      %parallel_loop3A_689 = arith.index_cast %parallel_loop3A_688 : i32 to index
      %parallel_loop3A_690 = tpu.vector_load %arg7[%parallel_loop3A_689] {strides = array<i32>} : memref<65536xf32, #tpu.memory_space<vmem>>, vector<16xf32>,
      %parallel_loop3A_691 = arith.constant 96 : index
      %parallel_loop3A_692 = tpu.vector_load %arg19[%parallel_loop3A_691] {strides = array<i32>} : memref<128xf32, #tpu.memory_space<vmem>>, vector<16xf32>,
      %parallel_loop3A_693 = arith.mulf %parallel_loop3A_690, %parallel_loop3A_692 : vector<16xf32>
      %parallel_loop3A_694 = arith.constant 96 : index
      %parallel_loop3A_695 = tpu.vector_load %arg20[%parallel_loop3A_694] {strides = array<i32>} : memref<128xf32, #tpu.memory_space<vmem>>, vector<16xf32>,
      %parallel_loop3A_696 = arith.addf %parallel_loop3A_693, %parallel_loop3A_695 : vector<16xf32>
      %parallel_loop3A_697 = arith.index_cast %parallel_loop3A_688 : i32 to index
      %parallel_loop3A_698 = tpu.vector_load %arg7[%parallel_loop3A_697] {strides = array<i32>} : memref<65536xf32, #tpu.memory_space<vmem>>, vector<16xf32>,
      tpu.vector_store %arg7[%parallel_loop3A_697], %parallel_loop3A_696 {strides = array<i32>} : memref<65536xf32, #tpu.memory_space<vmem>>, vector<16xf32>,
      %parallel_loop3A_699 = arith.constant 112 : i32
      %parallel_loop3A_700 = arith.addi %parallel_loop3A_614, %parallel_loop3A_699 : i32
      %parallel_loop3A_701 = arith.index_cast %parallel_loop3A_700 : i32 to index
      %parallel_loop3A_702 = tpu.vector_load %arg7[%parallel_loop3A_701] {strides = array<i32>} : memref<65536xf32, #tpu.memory_space<vmem>>, vector<16xf32>,
      %parallel_loop3A_703 = arith.constant 112 : index
      %parallel_loop3A_704 = tpu.vector_load %arg19[%parallel_loop3A_703] {strides = array<i32>} : memref<128xf32, #tpu.memory_space<vmem>>, vector<16xf32>,
      %parallel_loop3A_705 = arith.mulf %parallel_loop3A_702, %parallel_loop3A_704 : vector<16xf32>
      %parallel_loop3A_706 = arith.constant 112 : index
      %parallel_loop3A_707 = tpu.vector_load %arg20[%parallel_loop3A_706] {strides = array<i32>} : memref<128xf32, #tpu.memory_space<vmem>>, vector<16xf32>,
      %parallel_loop3A_708 = arith.addf %parallel_loop3A_705, %parallel_loop3A_707 : vector<16xf32>
      %parallel_loop3A_709 = arith.index_cast %parallel_loop3A_700 : i32 to index
      %parallel_loop3A_710 = tpu.vector_load %arg7[%parallel_loop3A_709] {strides = array<i32>} : memref<65536xf32, #tpu.memory_space<vmem>>, vector<16xf32>,
      tpu.vector_store %arg7[%parallel_loop3A_709], %parallel_loop3A_708 {strides = array<i32>} : memref<65536xf32, #tpu.memory_space<vmem>>, vector<16xf32>,
    } {sc.loop_unroll_factor = 8 : i64, sc.parallel_access}
    %add3A_585 = arith.constant 32768 : i32
    %add3A_586 = arith.addi %mul3A_2, %add3A_585 : i32
    %multiple_of3A_587 = tpu.assume_multiple %add3A_586, 32768 : i32
    %dma_start3A_588 = arith.constant 32768 : i32
    %dma_start3A_589 = tpu.memref_slice %arg7[%dma_start3A_588] : memref<65536xf32, #tpu.memory_space<vmem>> -> memref<32768xf32, #tpu.memory_space<vmem>>
    %dma_start3A_590 = tpu.memref_slice %arg6[%multiple_of3A_587] : memref<2097152xf32, #tpu.memory_space<hbm>> -> memref<32768xf32, #tpu.memory_space<hbm>>
    %dma_start3A_591 = tpu.memref_slice %arg6[%multiple_of3A_587] : memref<2097152xf32, #tpu.memory_space<hbm>> -> memref<32768xf32, #tpu.memory_space<hbm>>
    %dma_start3A_592 = arith.constant 32768 : i32
    %dma_start3A_593 = tpu.memref_slice %arg7[%dma_start3A_592] : memref<65536xf32, #tpu.memory_space<vmem>> -> memref<32768xf32, #tpu.memory_space<vmem>>
    tpu.enqueue_dma source(%dma_start3A_593 : memref<32768xf32, #tpu.memory_space<vmem>>) target(%dma_start3A_591 : memref<32768xf32, #tpu.memory_space<hbm>>) target_semaphore(%arg26 : memref<!tpu.dma_semaphore, #tpu.memory_space<semaphore_mem>>)
    %add3A_594 = arith.constant 0 : i32
    %add3A_595 = arith.addi %mul3A_2, %add3A_594 : i32
    %multiple_of3A_596 = tpu.assume_multiple %add3A_595, 32768 : i32
    %dma_wait3A_597 = arith.constant 0 : i32
    %dma_wait3A_598 = tpu.memref_slice %arg7[%dma_wait3A_597] : memref<65536xf32, #tpu.memory_space<vmem>> -> memref<32768xf32, #tpu.memory_space<vmem>>
    %dma_wait3A_599 = tpu.memref_slice %arg6[%multiple_of3A_596] : memref<2097152xf32, #tpu.memory_space<hbm>> -> memref<32768xf32, #tpu.memory_space<hbm>>
    %dma_wait3A_600 = tpu.memref_slice %arg6[%multiple_of3A_596] : memref<2097152xf32, #tpu.memory_space<hbm>> -> memref<32768xf32, #tpu.memory_space<hbm>>
    %dma_wait3A_601 = arith.constant 0 : i32
    %dma_wait3A_602 = tpu.memref_slice %arg7[%dma_wait3A_601] : memref<65536xf32, #tpu.memory_space<vmem>> -> memref<32768xf32, #tpu.memory_space<vmem>>
    tpu.wait_dma2 semaphore(%arg26 : memref<!tpu.dma_semaphore, #tpu.memory_space<semaphore_mem>>) src(%dma_wait3A_602 : memref<32768xf32, #tpu.memory_space<vmem>>) dst(%dma_wait3A_600 : memref<32768xf32, #tpu.memory_space<hbm>>)
    %add3A_603 = arith.constant 32768 : i32
    %add3A_604 = arith.addi %mul3A_2, %add3A_603 : i32
    %multiple_of3A_605 = tpu.assume_multiple %add3A_604, 32768 : i32
    %dma_wait3A_606 = arith.constant 32768 : i32
    %dma_wait3A_607 = tpu.memref_slice %arg7[%dma_wait3A_606] : memref<65536xf32, #tpu.memory_space<vmem>> -> memref<32768xf32, #tpu.memory_space<vmem>>
    %dma_wait3A_608 = tpu.memref_slice %arg6[%multiple_of3A_605] : memref<2097152xf32, #tpu.memory_space<hbm>> -> memref<32768xf32, #tpu.memory_space<hbm>>
    %dma_wait3A_609 = tpu.memref_slice %arg6[%multiple_of3A_605] : memref<2097152xf32, #tpu.memory_space<hbm>> -> memref<32768xf32, #tpu.memory_space<hbm>>
    %dma_wait3A_610 = arith.constant 32768 : i32
    %dma_wait3A_611 = tpu.memref_slice %arg7[%dma_wait3A_610] : memref<65536xf32, #tpu.memory_space<vmem>> -> memref<32768xf32, #tpu.memory_space<vmem>>
    tpu.wait_dma2 semaphore(%arg26 : memref<!tpu.dma_semaphore, #tpu.memory_space<semaphore_mem>>) src(%dma_wait3A_611 : memref<32768xf32, #tpu.memory_space<vmem>>) dst(%dma_wait3A_609 : memref<32768xf32, #tpu.memory_space<hbm>>)
    "tpu.trace_stop"() : () -> ()
    return
  }
}

</mosaic_0001>

<sc_bundles>
// kernel: kernel.3.cloned.1.call-start
scs
__scs_entry_jumppad:
0x0: {  	(pc) =	sbr.rel $0x88, $3  }
0x1: {  	(tag) =	ssettag $0x0;
	lr =	simm.s32 $0x1  }
0x2: {  	[smem:$0x3F9D] =	sst lr;
	_ =	strace $0xD0000000  }
0x3: {  	_ = 	snop  }
0x4: {  	_ = 	snop  }
0x5: {  	_ = 	snop  }
0x6: {  	_ = 	snop  }
0x7: {  	_ = 	snop  }
__scs_overlays_trampoline_lowered:
0x8: {  	[smem:$0x3FAC] =	sst s0  }
0x9: {  	[smem:$0x3FAD] =	sst s1  }
0xa: {  	[smem:$0x3FAE] =	sst s2  }
0xb: {  	[smem:$0x3FAF] =	sst s3  }
0xc: {  	[smem:$0x3FB0] =	sst s4  }
0xd: {  	[smem:$0x3FB1] =	sst s5  }
0xe: {  	[smem:$0x3FB2] =	sst s6  }
0xf: {  	[smem:$0x3FB3] =	sst s7  }
0x10: {  	[smem:$0x3FB4] =	sst s8  }
0x11: {  	[smem:$0x3FB5] =	sst s9;
	s0 =	simm.s32 @!p0 $0x0  }
0x12: {  	s1 =	sld [smem:$0x3F9B];
	s0 =	simm.s32 @p0 $0x1  }
0x13: {  	[smem:$0x3FB6] =	sst s0;
	s0 =	simm.s32 @!p1 $0x0  }
0x14: {  	s2 =	sld [smem:$0x3F9A];
	s0 =	simm.s32 @p1 $0x1  }
0x15: {  	[smem:$0x3FB7] =	sst s0;
	s0 =	simm.s32 @!p2 $0x0  }
0x16: {  	s3 =	sld [smem:$0x3FDB];
	s0 =	simm.s32 @p2 $0x1  }
0x17: {  	s4 =	simm.s32 $0x1BF5;
	[smem:$0x3FB9] =	sst s0  }
0x18: {  	s0 =	sld [smem:$0x3F9C];
	_ =	swait.ge [sflag:s4], $0x0  }
0x19: {  	s7 =	sld [smem:$0x3F9D]  }
0x1a: {  	s8 =	sadd.s32 $0xFFFFE003, lr  }
0x1b: {  	s9 =	sadd.s32 $0xFFFFFEF7, lr;
	s5 =	simm.s32 $0xFFFFFFFF;
	p2 =	slt.u32 s8, $0xFFFFF086  }
0x1c: {  	p1 =	slt.u32 s9, $0xF7A;
	s5 =	simm.s32 @!p2 $0x0  }
0x1d: {  	s5 =	simm.s32 @p1 $0x1;
	p0 =	seq.s32 s7, s2  }
0x1e: {  	s7 =	smul.u32 @!p0 $0xF7A, s2;
	p2 =	seq.s32 @!p0 s5, $0x0  }
0x1f: {  	s9 =	smul.u32 $0xF7A, s1;
	s8 =	simm.s32 @!p0 $0x1BF5;
	p2 =	por !p2, p0  }
0x20: {  	[sflag:s8] =	ssyncset.s32 @!p0 $0xFFFFF086;
	s6 =	sadd.s32 @!p0 s3, s7;
	s7 =	simm.s32 @!p0 $0x108  }
0x21: {  	s3 =	sadd.s32 s3, s9;
	s6 =	sadd.s32 @!p0 $0x88, s6;
	s7 =	simm.s32 @p2 $0x1082  }
0x22: {  	[simem:s7], [sflag:s8] =	dma.local @!p0 [hbm:s6], $0xF7A  }
0x23: {  	s9 =	sor.u32 $0xD0000000, s2;
	s6 =	simm.s32 $0x108;
	_ =	swait.ge @!p0 [sflag:s8], $0x0  }
0x24: {  	s3 =	sadd.s32 $0x88, s3;
	s6 =	simm.s32 @!p1 $0x1082;
	[sflag:s4] =	ssyncset.s32 $0xFFFFF086  }
0x25: {  	[simem:s6], [sflag:s4] =	dma.local [hbm:s3], $0xF7A  }
0x26: {  	[smem:$0x3F9D] =	sst s1;
	(tag) =	ssettag s2;
	_ =	strace s9  }
0x27: {  	s1 =	sld [smem:$0x3FAD]  }
0x28: {  	s2 =	sld [smem:$0x3FAE]  }
0x29: {  	s4 =	sld [smem:$0x3FB0]  }
0x2a: {  	p0 =	seq.s32 s5, $0x0;
	s5 =	sld [smem:$0x3FB1]  }
0x2b: {  	s6 =	sld [smem:$0x3FB2]  }
0x2c: {  	s7 =	sld [smem:$0x3FB3]  }
0x2d: {  	s3 =	simm.s32 $0x108;
	s8 =	sld [smem:$0x3FB4]  }
0x2e: {  	s3 =	simm.s32 @!p0 $0x1082;
	s9 =	sld [smem:$0x3FB5]  }
0x2f: {  	lr =	sadd.s32 s0, s3;
	s0 =	sld [smem:$0x3FAC]  }
0x30: {  	s3 =	sld [smem:$0x3FAF]  }
0x31: {  	[smem:$0x3FB8] =	sst s10  }
0x32: {  	s10 =	sld [smem:$0x3FB6];
	_ =	sdelay $0x3  }
0x33: {  	p0 =	seq.s32 s10, $0x1;
	s10 =	sld [smem:$0x3FB8];
	_ =	sdelay $0x3  }
0x34: {  	[smem:$0x3FB8] =	sst s10  }
0x35: {  	s10 =	sld [smem:$0x3FB7];
	_ =	sdelay $0x3  }
0x36: {  	p1 =	seq.s32 s10, $0x1;
	s10 =	sld [smem:$0x3FB8];
	_ =	sdelay $0x3  }
0x37: {  	[smem:$0x3FB8] =	sst s10  }
0x38: {  	s10 =	sld [smem:$0x3FB9]  }
0x39: {  	_ = 	snop;
	(pc) =	sbr.ind lr, $3  }
0x3a: {  	_ = 	snop  }
0x3b: {  	_ = 	snop  }
0x3c: {  	p2 =	seq.s32 s10, $0x1;
	s10 =	sld [smem:$0x3FB8]  }
0x3d: {  	_ =	shalt  }
0x3e: {  	_ =	shalt  }
0x3f: {  	_ =	shalt  }
0x40: {  	_ =	shalt  }
0x41: {  	_ =	shalt  }
0x42: {  	_ =	shalt  }
0x43: {  	_ =	shalt  }
0x44: {  	_ =	shalt  }
0x45: {  	_ =	shalt  }
0x46: {  	_ =	shalt  }
0x47: {  	_ =	shalt  }
0x48: {  	_ =	shalt  }
0x49: {  	_ =	shalt  }
0x4a: {  	_ =	shalt  }
0x4b: {  	_ =	shalt  }
0x4c: {  	_ =	shalt  }
0x4d: {  	_ =	shalt  }
0x4e: {  	_ =	shalt  }
0x4f: {  	_ =	shalt  }
0x50: {  	_ =	shalt  }
0x51: {  	_ =	shalt  }
0x52: {  	_ =	shalt  }
0x53: {  	_ =	shalt  }
0x54: {  	_ =	shalt  }
0x55: {  	_ =	shalt  }
0x56: {  	_ =	shalt  }
0x57: {  	_ =	shalt  }
0x58: {  	_ =	shalt  }
0x59: {  	_ =	shalt  }
0x5a: {  	_ =	shalt  }
0x5b: {  	_ =	shalt  }
0x5c: {  	_ =	shalt  }
0x5d: {  	_ =	shalt  }
0x5e: {  	_ =	shalt  }
0x5f: {  	_ =	shalt  }
0x60: {  	_ =	shalt  }
0x61: {  	_ =	shalt  }
0x62: {  	_ =	shalt  }
0x63: {  	_ =	shalt  }
0x64: {  	_ =	shalt  }
0x65: {  	_ =	shalt  }
0x66: {  	_ =	shalt  }
0x67: {  	_ =	shalt  }
0x68: {  	_ =	shalt  }
0x69: {  	_ =	shalt  }
0x6a: {  	_ =	shalt  }
0x6b: {  	_ =	shalt  }
0x6c: {  	_ =	shalt  }
0x6d: {  	_ =	shalt  }
0x6e: {  	_ =	shalt  }
0x6f: {  	_ =	shalt  }
0x70: {  	_ =	shalt  }
0x71: {  	_ =	shalt  }
0x72: {  	_ =	shalt  }
0x73: {  	_ =	shalt  }
0x74: {  	_ =	shalt  }
0x75: {  	_ =	shalt  }
0x76: {  	_ =	shalt  }
0x77: {  	_ =	shalt  }
0x78: {  	_ =	shalt  }
0x79: {  	_ =	shalt  }
0x7a: {  	_ =	shalt  }
0x7b: {  	_ =	shalt  }
0x7c: {  	_ =	shalt  }
0x7d: {  	_ =	shalt  }
0x7e: {  	_ =	shalt  }
0x7f: {  	_ =	shalt  }
0x80: {  	_ =	shalt  }
0x81: {  	_ =	shalt  }
0x82: {  	_ =	shalt  }
0x83: {  	_ =	shalt  }
0x84: {  	_ =	shalt  }
0x85: {  	_ =	shalt  }
0x86: {  	_ =	shalt  }
0x87: {  	_ =	shalt  }
.Lfunc_end0:
.L_simem_size_0:
called_computation_lowered:
.L_overlay_start_0:
0x88: {  	s2 =	sld [smem:$0x3FD9]  }
0x89: {  	s3 =	sld [smem:$0x3FFE];
	_ =	sdelay $0x1  }
0x8a: {  	s1 =	srdreg.scid  }
0x8b: {  	s0 =	sand.u32 $0x1, s1  }
0x8c: {  	s18 =	sshll.u32 s0, $0xA;
	s2 =	sadd.s32 s3, s2  }
0x8d: {  	s2 =	sadd.s32 s2, s18  }
0x8e: {  	[smem:$0x3FC4] =	sst s2  }
0x8f: {  	_ = 	snop  }
0x90: {  	s2 =	sld [smem:$0x3FC9]  }
0x91: {  	s19 =	sld [smem:$0x3FC8]  }
0x92: {  	s4 =	sld [smem:$0x3FC7]  }
0x93: {  	s5 =	sld [smem:$0x3FC6]  }
0x94: {  	s6 =	sld [smem:$0x3FD0];
	(tm) =	ssettm $0x1  }
0x95: {  	s7 =	sld [smem:$0x3FFB];
	_ =	sdelay $0x3  }
0x96: {  	_ =	strace s7  }
0x97: {  	s7 =	sld [smem:$0x3FFC];
	_ =	sdelay $0x3  }
0x98: {  	_ =	strace s7  }
0x99: {  	s7 =	sld [smem:$0x3FFD];
	_ =	sdelay $0x3  }
0x9a: {  	_ =	strace s7  }
0x9b: {  	_ =	strace $0x8FFFFFFF  }
0x9c: {  	s20 =	sld [smem:$0x3FDB];
	_ =	sdelay $0x1  }
0x9d: {  	s8 =	simm.s32 $_scs_section_size  }
0x9e: {  	s9 =	simm.s32 $_size__tile_overlayer_lowered;
	s10 =	simm.s32 $_tile_overlayer_lowered  }
0x9f: {  	s23 =	simm.s32 $0x1BFF;
	s22 =	sshll.u32 s10, $0x1;
	s7 =	sadd.s32 s8, s20  }
0xa0: {  	s11 =	simm.s32 $0x0;
	s21 =	sshll.u32 s9, $0x1;
	s9 =	sadd.s32 s22, s7  }
0xa1: {  	[timem:s11], [sflag:s23] =	dma.local [hbm:s9], s21  }
0xa2: {  	_ =	swait.ge [sflag:s23], s21  }
0xa3: {  	s8 =	ssub.s32 $0x0, s21;
	[sflag:s23] =	ssyncset.done $0x0  }
0xa4: {  	[sflag:s23] =	ssyncadd.s32 s8;
	_ =	sdelay $0x1  }
0xa5: {  	s24 =	simm.s32 $0x1B8B  }
0xa6: {  	_ =	swait.ge [sflag:s24], $0x1  }
0xa7: {  	[sflag:s24] =	ssyncset.done $0x0  }
0xa8: {  	s25 =	simm.s32 $0x1B8E;
	[sflag:s24] =	ssyncadd.s32 $0xFFFFFFFF  }
0xa9: {  	s26 =	simm.s32 $execute0_lowered;
	[smem:$0x3FD2] =	sst s25  }
0xaa: {  	s8 =	sshll.u32 s26, $0x1;
	_ =	strace $0x80000046;
	[dreg:$0x1] =	wrdreg $0xFFFFFFFF  }
0xab: {  	s28 =	simm.s32 $_size_execute0_lowered;
	s7 =	sadd.s32 s7, s8;
	[dreg:$0x0] =	wrdreg $0x0  }
0xac: {  	s8 =	sshll.u32 s28, $0x1;
	[dreg:$0x2] =	wrdreg s7  }
0xad: {  	[dreg:$0x3] =	wrdreg s8  }
0xae: {  	[dreg:$0x4] =	wrdreg $0xC0  }
0xaf: {  	_ =	task [dreg:s11], $0x5FFFF  }
0xb0: {  	[dreg:$0x1] =	wrdreg $0xFFFFFFFF  }
0xb1: {  	[dreg:$0x0] =	wrdreg $0x60  }
0xb2: {  	[dreg:$0x2] =	wrdreg s2  }
0xb3: {  	[dreg:$0x3] =	wrdreg s19  }
0xb4: {  	[dreg:$0x4] =	wrdreg s4  }
0xb5: {  	[dreg:$0x5] =	wrdreg s5  }
0xb6: {  	[dreg:$0x6] =	wrdreg s6  }
0xb7: {  	[dreg:$0x7] =	wrdreg $0x9  }
0xb8: {  	_ =	task.clear_ibuf [dreg:s11], $0x8FFFF;
	_ =	strace $0x90000046  }
0xb9: {  	s29 =	simm.s32 $0x9;
	_ =	strace $0x8000004C  }
0xba: {  	_ =	swait.ge [sflag:s29], $0x1  }
0xbb: {  	[sflag:s29] =	ssyncadd.s32 $0xFFFFFFFF  }
0xbc: {  	_ =	strace $0x9000004C  }
0xbd: {  	_ =	sfence  }
0xbe: {  	s30 =	sld [smem:$0x0];
	_ =	sdelay $0x2  }
0xbf: {  	s31 =	sshll.u32 s1, $0xD;
	s1 =	sshrl.u32 s1, $0x2  }
0xc0: {  	s3 =	sand.u32 $0x4000, s31;
	s1 =	sadd.s32 s1, s30  }
0xc1: {  	s0 =	sor.u32 s3, s0;
	s1 =	sshll.u32 s1, $0x11  }
0xc2: {  	s0 =	sor.u32 s1, s0  }
0xc3: {  	s0 =	sadd.s32 $0x8F2B, s0  }
0xc4: {  	[sflag:s0] =	ssyncadd.remote.s32 $0x1  }
0xc5: {  	_ =	sfence.sel $0xFFFF  }
0xc6: {  	[dreg:$0x0] =	wrdreg $0xFFFFFFFF;
	(pc) =	sbr.abs _section_cstart, $3  }
0xc7: {  	[dreg:$0x1] =	wrdreg $0xFFFFFFFF  }
0xc8: {  	_ =	task.clear_ibuf [dreg:s11], $0x2FFFF;
	_ =	strace $0x9FFFFFFF  }
0xc9: {  	(tm) =	ssettm $0x7FFFFFFF  }
tec
execute0_lowered:
.L_overlay_start_1:
0x0: {  	(tag) =	ssettag $0x1  }
0x1: {  	s1 =	rddreg [dreg:$0x0]  }
0x2: {  	s0 =	rddreg [dreg:$0x4];
	s2 =	srdreg.scid  }
0x3: {  	s3 =	stileid.u32;
	s6 =	simm.s32 $0x0;
	s12 =	simm.s32 $0x18280  }
0x4: {  	s13 =	simm.s32 $0x18300;
	s14 =	simm.s32 $0x10;
	s15 =	simm.s32 $0x18000  }
0x5: {  	s16 =	simm.s32 $0x18100;
	s17 =	simm.s32 $0x18080;
	s18 =	simm.s32 $0x18180  }
0x6: {  	s19 =	simm.s32 $0x1;
	s20 =	simm.s32 $0x2;
	s21 =	simm.s32 $0x10000  }
0x7: {  	vm0 =	vcmask $0x300;
	v1 =	vimm.s32 $0x30D3FF;
	s22 =	simm.s32 $0x12000;
	s23 =	simm.s32 $0x4;
	s24 =	simm.s32 $0x3  }
0x8: {  	vm14 =	vcmask $0x704;
	vm15 =	vcmask $0xB08;
	s25 =	simm.s32 $0x5;
	s28 =	simm.s32 $0x6;
	s2 =	sand.u32 $0x1, s2;
	v1 =	vsel vm0, $0xFFFFF, v1  }
0x9: {  	v8 =	vimm.f32 $0.0e+00;
	s29 =	simm.s32 $0x0;
	s3 =	sshll.u32 s3, $0x11;
	s4 =	sshll.u32 s2, $0x10;
	v3 =	vsel vm14, $0x1FFFFF, v1;
	v1 =	vlaneseq.u32  }
0xa: {  	v9 =	vimm.f32 $1.000000000e+00;
	[smem:$0x7FF] =	sst s6;
	s2 =	ssub.s32 $0x2, s2;
	s3 =	sor.u32 s4, s3;
	v4 =	vmul.u32 $0x10000, v1;
	v5 =	vmul.u32 $0x1000, v1  }
0xb: {  	s30 =	sshrl.u32 s2, $0x1;
	v6 =	vmul.u32 $0x100, v1;
	v3 =	vsel vm15, $0x2FFFFF, v3;
	v7 =	vmul.u32 $0x10, v1;
	s5 =	sshrl.u32 s3, $0x3;
	s31 =	sadd.s32 $0x10000, s3  }
0xc: {  	s8 =	sadd.s32 $0x61800, s1;
	s2 =	ssub.s32 s2, s30;
	v0 =	vmov s3;
	s7 =	sadd.s32 s0, s5;
	v2 =	vmov s31;
	v4 =	vor.u32 $0xFFFF, v4  }
0xd: {  	_ =	strace $0x80000047;
	s10 =	smax.u32 s2, $0x1;
	v5 =	vor.u32 $0xFFF, v5;
	v6 =	vor.u32 $0xFF, v6;
	v7 =	vor.u32 $0xF, v7;
	s9 =	sadd.s32 $0x1000, s7  }
.LBB2_1:
0xe: {  	s0 =	rddreg [dreg:$0x1];
	s2 =	simm.s32 $0x18200  }
0xf: {  	[tilespmem:s2], [sflag:$0x5] =	stream.linear.gather [hbm4b:s0+s6], $0x80, $0x38;
	[tilespmem:$0x18480] =	vst v63  }
0x10: {  	s11 =	rddreg [dreg:$0x2]  }
0x11: {  	[tilespmem:s12], [sflag:$0x5] =	stream.linear.gather [hbm4b:s11+s6], $0x80, $0x38;
	[tilespmem:$0x18480] =	vst v63  }
0x12: {  	s26 =	rddreg [dreg:$0x3]  }
0x13: {  	[tilespmem:s13], [sflag:$0x5] =	stream.linear.gather [hbm4b:s26+s6], $0x80, $0x38;
	[tilespmem:$0x18480] =	vst v63  }
0x14: {  	_ =	strace $0x80000048;
	[tilespmem:$0x18000] =	vst v3  }
0x15: {  	[tilespmem:$0x18080] =	vst v3  }
0x16: {  	[tilespmem:s16], [sflag:$0x1] =	stream.indirect.gather [hbm4b:s1+s14], $0x1, s15, s14, $0x2000b8;
	[tilespmem:$0x18480] =	vst v63  }
0x17: {  	_ = 	snop  }
0x18: {  	[tilespmem:s18], [sflag:$0x2] =	stream.indirect.gather [hbm4b:s1+s14], $0x1, s17, s14, $0x2000b8;
	[tilespmem:$0x18480] =	vst v63  }
0x19: {  	_ =	swait.ge [sflag:s19], $0x10  }
0x1a: {  	[sflag:s19] =	ssyncset.done $0x0  }
0x1b: {  	[sflag:s19] =	ssyncadd.s32 $0xFFFFFFF0  }
0x1c: {  	_ =	swait.ge [sflag:s20], $0x10  }
0x1d: {  	[sflag:s20] =	ssyncset.done $0x0  }
0x1e: {  	[sflag:s20] =	ssyncadd.s32 $0xFFFFFFF0  }
0x1f: {  	v10 =	vld [tilespmem:$0x18100]  }
0x20: {  	v11 =	vld [tilespmem:$0x18180];
	_ =	sdelay $0x3  }
0x21: {  	vm0 =	vlt.s32 v10, v0  }
0x22: {  	vm7 =	vlt.s32 v11, v2;
	v10 =	vmpcnt.ones.xlane vm0  }
0x23: {  	v11 =	vmpcnt.ones.xlane vm7  }
0x24: {  	v10 =	vxor.u32 $0x80000000, v10  }
0x25: {  	(xrf0) =	vmax.scan.msk.u32 $0xffff, v10;
	v10 =	vxor.u32 $0x80000000, v11  }
0x26: {  	(xrf0) =	vmax.scan.msk.u32 $0xffff, v10;
	_ =	sdelay $0x4  }
0x27: {  	v10, _, _ =	vpop (xrf0)  }
0x28: {  	(v2sf) =	vpush v10, $0xF;
	v10, _, _ =	vpop (xrf0)  }
0x29: {  	(v2sf) =	vpush v10, $0xF;
	_ =	sdelay $0xd  }
0x2a: {  	s2 =	spop (v2sf)  }
0x2b: {  	s0 =	sshll.u32 s2, $0x14;
	s3 =	spop (v2sf)  }
0x2c: {  	p0 =	slt.s32 s0, $0x30D400;
	s2 =	sshll.u32 s3, $0x14  }
0x2d: {  	s0 =	simm.s32 @!p0 $0x30D400;
	p0 =	slt.s32 s2, $0x30D400  }
0x2e: {  	s2 =	simm.s32 @!p0 $0x30D400;
	v10 =	vadd.s32 s0, v4  }
0x2f: {  	vm8 =	vlt.s32 v10, $0x30D3FF;
	v11 =	vadd.s32 s2, v4  }
0x30: {  	v10 =	vnsel vm8, $0x30D3FF, v10;
	vm9 =	vlt.s32 v11, $0x30D3FF  }
0x31: {  	[tilespmem:$0x18000] =	vst v10;
	v10 =	vnsel vm9, $0x30D3FF, v11  }
0x32: {  	[tilespmem:$0x18080] =	vst v10  }
0x33: {  	[tilespmem:s16], [sflag:$0x1] =	stream.indirect.gather [hbm4b:s1+s14], $0x1, s15, s14, $0x2000b8;
	[tilespmem:$0x18480] =	vst v63  }
0x34: {  	_ = 	snop  }
0x35: {  	[tilespmem:s18], [sflag:$0x2] =	stream.indirect.gather [hbm4b:s1+s14], $0x1, s17, s14, $0x2000b8;
	[tilespmem:$0x18480] =	vst v63  }
0x36: {  	_ =	swait.ge [sflag:s19], $0x10  }
0x37: {  	[sflag:s19] =	ssyncset.done $0x0  }
0x38: {  	[sflag:s19] =	ssyncadd.s32 $0xFFFFFFF0  }
0x39: {  	_ =	swait.ge [sflag:s20], $0x10  }
0x3a: {  	[sflag:s20] =	ssyncset.done $0x0  }
0x3b: {  	[sflag:s20] =	ssyncadd.s32 $0xFFFFFFF0  }
0x3c: {  	v10 =	vld [tilespmem:$0x18100]  }
0x3d: {  	v11 =	vld [tilespmem:$0x18180];
	_ =	sdelay $0x3  }
0x3e: {  	vm10 =	vlt.s32 v10, v0  }
0x3f: {  	vm11 =	vlt.s32 v11, v2;
	v10 =	vmpcnt.ones.xlane vm10  }
0x40: {  	v11 =	vmpcnt.ones.xlane vm11  }
0x41: {  	v10 =	vxor.u32 $0x80000000, v10  }
0x42: {  	(xrf0) =	vmax.scan.msk.u32 $0xffff, v10;
	v10 =	vxor.u32 $0x80000000, v11  }
0x43: {  	(xrf0) =	vmax.scan.msk.u32 $0xffff, v10;
	_ =	sdelay $0x4  }
0x44: {  	v10, _, _ =	vpop (xrf0)  }
0x45: {  	(v2sf) =	vpush v10, $0xF;
	v10, _, _ =	vpop (xrf0)  }
0x46: {  	(v2sf) =	vpush v10, $0xF;
	_ =	sdelay $0xd  }
0x47: {  	s3 =	spop (v2sf)  }
0x48: {  	s3 =	sshll.u32 s3, $0x10;
	s4 =	spop (v2sf)  }
0x49: {  	s0 =	sadd.s32 s0, s3;
	s4 =	sshll.u32 s4, $0x10  }
0x4a: {  	p0 =	slt.s32 s0, $0x30D400;
	s2 =	sadd.s32 s2, s4  }
0x4b: {  	s0 =	simm.s32 @!p0 $0x30D400;
	p0 =	slt.s32 s2, $0x30D400  }
0x4c: {  	s2 =	simm.s32 @!p0 $0x30D400;
	v10 =	vadd.s32 s0, v5  }
0x4d: {  	vm12 =	vlt.s32 v10, $0x30D3FF;
	v11 =	vadd.s32 s2, v5  }
0x4e: {  	v10 =	vnsel vm12, $0x30D3FF, v10;
	vm13 =	vlt.s32 v11, $0x30D3FF  }
0x4f: {  	[tilespmem:$0x18000] =	vst v10;
	v10 =	vnsel vm13, $0x30D3FF, v11  }
0x50: {  	[tilespmem:$0x18080] =	vst v10  }
0x51: {  	[tilespmem:s16], [sflag:$0x1] =	stream.indirect.gather [hbm4b:s1+s14], $0x1, s15, s14, $0x2000b8;
	[tilespmem:$0x18480] =	vst v63  }
0x52: {  	_ = 	snop  }
0x53: {  	[tilespmem:s18], [sflag:$0x2] =	stream.indirect.gather [hbm4b:s1+s14], $0x1, s17, s14, $0x2000b8;
	[tilespmem:$0x18480] =	vst v63  }
0x54: {  	_ =	swait.ge [sflag:s19], $0x10  }
0x55: {  	[sflag:s19] =	ssyncset.done $0x0  }
0x56: {  	[sflag:s19] =	ssyncadd.s32 $0xFFFFFFF0  }
0x57: {  	_ =	swait.ge [sflag:s20], $0x10  }
0x58: {  	[sflag:s20] =	ssyncset.done $0x0  }
0x59: {  	[sflag:s20] =	ssyncadd.s32 $0xFFFFFFF0  }
0x5a: {  	v10 =	vld [tilespmem:$0x18100];
	_ =	sdelay $0x1  }
0x5b: {  	v11 =	vld [tilespmem:$0x18180];
	_ =	sdelay $0x2  }
0x5c: {  	vm14 =	vlt.s32 v10, v0  }
0x5d: {  	v10 =	vmpcnt.ones.xlane vm14  }
0x5e: {  	vm15 =	vlt.s32 v11, v2  }
0x5f: {  	v11 =	vmpcnt.ones.xlane vm15;
	v10 =	vxor.u32 $0x80000000, v10  }
0x60: {  	(xrf0) =	vmax.scan.msk.u32 $0xffff, v10  }
0x61: {  	v10 =	vxor.u32 $0x80000000, v11  }
0x62: {  	(xrf0) =	vmax.scan.msk.u32 $0xffff, v10;
	_ =	sdelay $0x3  }
0x63: {  	v10, _, _ =	vpop (xrf0)  }
0x64: {  	(v2sf) =	vpush v10, $0xF  }
0x65: {  	v10, _, _ =	vpop (xrf0)  }
0x66: {  	(v2sf) =	vpush v10, $0xF;
	_ =	sdelay $0xc  }
0x67: {  	s5 =	spop (v2sf)  }
0x68: {  	s3 =	sshll.u32 s5, $0xC  }
0x69: {  	s11 =	spop (v2sf);
	s0 =	sadd.s32 s0, s3  }
0x6a: {  	s3 =	sshll.u32 s11, $0xC;
	p0 =	slt.s32 s0, $0x30D400  }
0x6b: {  	s4 =	smov.u32 s0;
	p1 =	slt.s32 s0, $0x30C400;
	s2 =	sadd.s32 s2, s3  }
0x6c: {  	s0 =	simm.s32 @!p1 $0x30C400;
	p1 =	slt.s32 s2, $0x30D400;
	p2 =	slt.s32 s2, $0x30C400  }
0x6d: {  	s3 =	smov.u32 s2;
	s5 =	sshrl.u32 s0, $0x3;
	s2 =	simm.s32 @!p2 $0x30C400  }
0x6e: {  	s4 =	simm.s32 @!p0 $0x30D400;
	s5 =	sadd.s32 s1, s5;
	s26 =	sshrl.u32 s2, $0x3  }
0x6f: {  	[tilespmem:s21], [sflag:$0x1] =	stream.linear.gather [hbm4b:s5+s6], $0x1000, $0x200038;
	[tilespmem:$0x18480] =	vst v63  }
0x70: {  	s3 =	simm.s32 @!p1 $0x30D400;
	v10 =	vadd.s32 s4, v6;
	s5 =	sadd.s32 s1, s26  }
0x71: {  	vm4 =	vlt.s32 v10, $0x30D3FF;
	v11 =	vadd.s32 s3, v6;
	[tilespmem:s22], [sflag:$0x2] =	stream.linear.gather [hbm4b:s5+s6], $0x1000, $0x200038;
	[tilespmem:$0x18480] =	vst v63  }
0x72: {  	v12 =	vmov s0;
	v10 =	vnsel vm4, $0x30D3FF, v10;
	vm5 =	vlt.s32 v11, $0x30D3FF;
	_ =	swait.ge [sflag:s19], $0x1000  }
0x73: {  	v13 =	vmov s2;
	v10 =	vsub.s32 v10, v12;
	v11 =	vnsel vm5, $0x30D3FF, v11;
	[sflag:s19] =	ssyncset.done $0x0  }
0x74: {  	v11 =	vsub.s32 v11, v13;
	[sflag:s19] =	ssyncadd.s32 $0xFFFFF000  }
0x75: {  	_ =	swait.ge [sflag:s20], $0x1000  }
0x76: {  	[sflag:s20] =	ssyncset.done $0x0  }
0x77: {  	[sflag:s20] =	ssyncadd.s32 $0xFFFFF000  }
0x78: {  	v10 =	vld.idx.msk [tilespmem:v10+s21+$0x0], $0xffff  }
0x79: {  	v11 =	vld.idx.msk [tilespmem:v11+s22+$0x0], $0xffff;
	_ =	sdelay $0x3  }
0x7a: {  	vm6 =	vlt.s32 v10, v0  }
0x7b: {  	vm7 =	vlt.s32 v11, v2;
	v10 =	vmpcnt.ones.xlane vm6  }
0x7c: {  	v11 =	vmpcnt.ones.xlane vm7  }
0x7d: {  	v10 =	vxor.u32 $0x80000000, v10  }
0x7e: {  	(xrf0) =	vmax.scan.msk.u32 $0xffff, v10;
	v10 =	vxor.u32 $0x80000000, v11  }
0x7f: {  	(xrf0) =	vmax.scan.msk.u32 $0xffff, v10;
	_ =	sdelay $0x4  }
0x80: {  	v10, _, _ =	vpop (xrf0)  }
0x81: {  	(v2sf) =	vpush v10, $0xF;
	v10, _, _ =	vpop (xrf0)  }
0x82: {  	(v2sf) =	vpush v10, $0xF;
	_ =	sdelay $0xd  }
0x83: {  	s2 =	spop (v2sf)  }
0x84: {  	s0 =	sshll.u32 s2, $0x8;
	s5 =	spop (v2sf)  }
0x85: {  	s0 =	sadd.s32 s4, s0;
	s2 =	sshll.u32 s5, $0x8  }
0x86: {  	p0 =	slt.s32 s0, $0x30D400;
	s2 =	sadd.s32 s3, s2  }
0x87: {  	s0 =	simm.s32 @!p0 $0x30D400;
	p0 =	slt.s32 s2, $0x30D400  }
0x88: {  	s2 =	simm.s32 @!p0 $0x30D400;
	v10 =	vadd.s32 s0, v7  }
0x89: {  	vm8 =	vlt.s32 v10, $0x30D3FF;
	v11 =	vadd.s32 s2, v7  }
0x8a: {  	v10 =	vnsel vm8, $0x30D3FF, v10;
	vm9 =	vlt.s32 v11, $0x30D3FF  }
0x8b: {  	v10 =	vsub.s32 v10, v12;
	v11 =	vnsel vm9, $0x30D3FF, v11  }
0x8c: {  	v11 =	vsub.s32 v11, v13;
	_ =	sdelay $0x3  }
0x8d: {  	v10 =	vld.idx.msk [tilespmem:v10+s21+$0x0], $0xffff  }
0x8e: {  	v11 =	vld.idx.msk [tilespmem:v11+s22+$0x0], $0xffff;
	_ =	sdelay $0x3  }
0x8f: {  	vm10 =	vlt.s32 v10, v0  }
0x90: {  	v10 =	vmpcnt.ones.xlane vm10;
	vm11 =	vlt.s32 v11, v2  }
0x91: {  	v11 =	vmpcnt.ones.xlane vm11  }
0x92: {  	v10 =	vxor.u32 $0x80000000, v10  }
0x93: {  	(xrf0) =	vmax.scan.msk.u32 $0xffff, v10;
	v10 =	vxor.u32 $0x80000000, v11  }
0x94: {  	(xrf0) =	vmax.scan.msk.u32 $0xffff, v10;
	_ =	sdelay $0x4  }
0x95: {  	v10, _, _ =	vpop (xrf0)  }
0x96: {  	(v2sf) =	vpush v10, $0xF;
	v10, _, _ =	vpop (xrf0)  }
0x97: {  	(v2sf) =	vpush v10, $0xF;
	_ =	sdelay $0xd  }
0x98: {  	s11 =	spop (v2sf)  }
0x99: {  	s3 =	sshll.u32 s11, $0x4;
	s26 =	spop (v2sf)  }
0x9a: {  	s0 =	sadd.s32 s0, s3;
	s5 =	sshll.u32 s26, $0x4  }
0x9b: {  	p0 =	slt.s32 s0, $0x30D400;
	s2 =	sadd.s32 s2, s5  }
0x9c: {  	s0 =	simm.s32 @!p0 $0x30D400;
	p0 =	slt.s32 s2, $0x30D400  }
0x9d: {  	s2 =	simm.s32 @!p0 $0x30D400;
	v10 =	vadd.s32 s0, v1  }
0x9e: {  	vm12 =	vlt.s32 v10, $0x30D3FF;
	v11 =	vadd.s32 s2, v1  }
0x9f: {  	v10 =	vnsel vm12, $0x30D3FF, v10;
	vm13 =	vlt.s32 v11, $0x30D3FF  }
0xa0: {  	v10 =	vsub.s32 v10, v12;
	v11 =	vnsel vm13, $0x30D3FF, v11  }
0xa1: {  	v11 =	vsub.s32 v11, v13;
	_ =	sdelay $0x3  }
0xa2: {  	v10 =	vld.idx.msk [tilespmem:v10+s21+$0x0], $0xffff  }
0xa3: {  	v11 =	vld.idx.msk [tilespmem:v11+s22+$0x0], $0xffff;
	_ =	sdelay $0x3  }
0xa4: {  	vm14 =	vlt.s32 v10, v0  }
0xa5: {  	v10 =	vmpcnt.ones.xlane vm14;
	vm15 =	vlt.s32 v11, v2  }
0xa6: {  	v11 =	vmpcnt.ones.xlane vm15  }
0xa7: {  	v10 =	vxor.u32 $0x80000000, v10  }
0xa8: {  	(xrf0) =	vmax.scan.msk.u32 $0xffff, v10;
	v10 =	vxor.u32 $0x80000000, v11  }
0xa9: {  	(xrf0) =	vmax.scan.msk.u32 $0xffff, v10;
	_ =	sdelay $0x4  }
0xaa: {  	v10, _, _ =	vpop (xrf0)  }
0xab: {  	(v2sf) =	vpush v10, $0xF;
	v10, _, _ =	vpop (xrf0)  }
0xac: {  	(v2sf) =	vpush v10, $0xF;
	_ =	sdelay $0xd  }
0xad: {  	s11 =	spop (v2sf)  }
0xae: {  	s26 =	spop (v2sf)  }
0xaf: {  	s2 =	sadd.s32 s26, s2  }
0xb0: {  	s0 =	sadd.s32 s11, s0;
	s2 =	sadd.s32 $0x80000000, s2  }
0xb1: {  	s3 =	sadd.s32 $0x80000000, s0;
	p0 =	slt.s32 s2, $0x30D400  }
0xb2: {  	s2 =	simm.s32 @!p0 $0x30D400;
	p0 =	slt.s32 s3, $0x30D400  }
0xb3: {  	s3 =	simm.s32 @!p0 $0x30D400;
	s2 =	sadd.s32 $0x1FFF, s2  }
0xb4: {  	s31 =	sshra.s32 s3, $0xD;
	s30 =	sshra.s32 s2, $0xD  }
0xb5: {  	s0 =	ssub.s32 s30, s31  }
0xb6: {  	p0 =	slt.s32 s0, $0x3  }
.Ltmp0:
0xb7: {  	_ = 	snop;
	(pc) =	sbr.rel @p0 .LBB2_4-.Ltmp0, $3  }
0xb8: {  	_ =	sdelay $0x1  }
0xb9: {  	_ =	strace $0x90000048  }
0xba: {  	_ =	strace $0x80000049  }
.Ltmp1:
0xbb: {  	s4 =	sand.u32 $0xFFFFE000, s3;
	(pc) =	sbr.rel .LBB2_3-.Ltmp1, $4  }
0xbc: {  	s4 =	sadd.s32 $0x2000, s4  }
0xbd: {  	s4 =	sshrl.u32 s4, $0x3  }
0xbe: {  	s4 =	sadd.s32 s1, s4  }
0xbf: {  	[tilespmem:s21], [sflag:$0x1] =	stream.linear.gather [hbm4b:s4+s6], $0x2000, $0x200038;
	[tilespmem:$0x18480] =	vst v63  }
.LBB2_4:
0xc0: {  	p0 =	slt.s32 s0, $0x1  }
.Ltmp2:
0xc1: {  	_ = 	snop;
	(pc) =	sbr.rel @p0 .LBB2_5-.Ltmp2, $1  }
0xc2: {  	_ =	sdelay $0x3  }
.LBB2_3:
0xc3: {  	p0 =	sne.s32 s31, $0x186  }
0xc4: {  	s3 =	sshrl.u32 @p0 s3, $0x3  }
0xc5: {  	s3 =	sand.u32 @p0 $0x1FFFFC00, s3  }
0xc6: {  	s4 =	simm.s32 @p0 $0x0;
	s5 =	simm.s32 @p0 $0x16000;
	s3 =	sadd.s32 @p0 s1, s3  }
0xc7: {  	[tilespmem:s5], [sflag:$0x4] =	stream.linear.gather @p0 [hbm4b:s3+s4], $0x2000, $0x200038;
	[tilespmem:$0x18480] =	vst v63  }
0xc8: {  	p2 =	slt.u32 s0, $0x2;
	s3 =	simm.s32 @!p0 $0x0;
	s4 =	simm.s32 @!p0 $0x16000  }
0xc9: {  	[tilespmem:s4], [sflag:$0x4] =	stream.linear.gather @!p0 [hbm4b:s8+s3], $0x1400, $0x200038;
	[tilespmem:$0x18480] =	vst v63  }
0xca: {  	p0 =	sne.s32 @!p2 s30, $0x187  }
0xcb: {  	p1 =	por !p0, p2  }
0xcc: {  	s2 =	sand.u32 @!p1 $0xFFFFE000, s2  }
0xcd: {  	s2 =	sadd.s32 @!p1 $0xFFFFE000, s2  }
0xce: {  	p0 =	por p0, p2;
	s3 =	simm.s32 @!p1 $0x0;
	s2 =	sshrl.u32 @!p1 s2, $0x3  }
0xcf: {  	s4 =	simm.s32 @!p1 $0x14000;
	p3 =	por @!p1 $0x1, $0x1;
	s2 =	sadd.s32 @!p1 s1, s2  }
0xd0: {  	[tilespmem:s4], [sflag:$0x3] =	stream.linear.gather @!p1 [hbm4b:s2+s3], $0x2000, $0x200038;
	[tilespmem:$0x18480] =	vst v63  }
0xd1: {  	p4 =	por @!p0 $0x1, $0x1;
	s2 =	simm.s32 @!p0 $0x0;
	s3 =	simm.s32 @!p0 $0x14000  }
0xd2: {  	[tilespmem:s3], [sflag:$0x3] =	stream.linear.gather @!p0 [hbm4b:s8+s2], $0x1400, $0x200038;
	[tilespmem:$0x18480] =	vst v63  }
0xd3: {  	p4 =	por @!p1 p3, p3;
	p1 =	por $0x1, $0x1;
	p0 =	por $0x0, $0x0  }
0xd4: {  	p1 =	por @!p2 p4, p4;
	p0 =	por @!p2 p4, p4  }
.LBB2_6:
0xd5: {  	s2 =	simm.s32 $0x40  }
0xd6: {  	[tilespmem:s2+$0xFFFFFFC0] =	vst v8  }
0xd7: {  	[tilespmem:s2+$0x30] =	vst v8  }
0xd8: {  	[tilespmem:s2+$0x20] =	vst v8  }
0xd9: {  	[tilespmem:s2+$0x10] =	vst v8  }
0xda: {  	p2 =	sgt.s32 s0, $0x2;
	[tilespmem:s2+$0x0] =	vst v8  }
0xdb: {  	s0 =	simm.s32 @!p2 $0x2;
	[tilespmem:s2+$0xFFFFFFF0] =	vst v8  }
0xdc: {  	s3 =	simm.s32 $0x0;
	[tilespmem:s2+$0xFFFFFFE0] =	vst v8;
	s0 =	sadd.s32 $0xFFFFFFFF, s0  }
.LBB2_7:
0xdd: {  	s3 =	sadd.s32 $0x8, s3;
	[tilespmem:s2+$0xFFFFFFD0] =	vst v8;
	s2 =	sadd.s32 $0x80, s2  }
0xde: {  	[tilespmem:s2+$0xFFFFFFC0] =	vst v8;
	p2 =	slt.u32 s3, $0xFF8  }
0xdf: {  	[tilespmem:s2+$0x30] =	vst v8  }
.Ltmp3:
0xe0: {  	[tilespmem:s2+$0x20] =	vst v8;
	(pc) =	sbr.rel @p2 .LBB2_7-.Ltmp3, $4  }
0xe1: {  	[tilespmem:s2+$0x10] =	vst v8  }
0xe2: {  	[tilespmem:s2+$0x0] =	vst v8  }
0xe3: {  	[tilespmem:s2+$0xFFFFFFF0] =	vst v8  }
0xe4: {  	[tilespmem:s2+$0xFFFFFFE0] =	vst v8  }
.Ltmp4:
0xe5: {  	(pc) =	sbr.rel @!p1 .LBB2_16-.Ltmp4, $4  }
0xe6: {  	_ = 	snop  }
0xe7: {  	[tilespmem:s2+$0xFFFFFFD0] =	vst v8  }
0xe8: {  	_ =	strace $0x90000049  }
0xe9: {  	_ =	strace $0x8000004A  }
0xea: {  	p1 =	sne.s32 s31, $0x186  }
.Ltmp5:
0xeb: {  	_ = 	snop;
	(pc) =	sbr.rel @p1 .LBB2_13-.Ltmp5, $1  }
0xec: {  	_ =	sdelay $0x3  }
0xed: {  	_ =	swait.ge [sflag:s23], $0x1400  }
0xee: {  	[sflag:s23] =	ssyncset.done $0x0  }
0xef: {  	s3 =	simm.s32 $0x16040;
	[sflag:s23] =	ssyncadd.s32 $0xFFFFEC00  }
0xf0: {  	v11 =	vld [tilespmem:s3+$0xFFFFFFC0]  }
0xf1: {  	v14 =	vld [tilespmem:s3+$0x0]  }
0xf2: {  	v13 =	vld [tilespmem:s3+$0x30]  }
0xf3: {  	v10 =	vld [tilespmem:s3+$0xFFFFFFD0]  }
0xf4: {  	v15 =	vld [tilespmem:s3+$0xFFFFFFF0]  }
0xf5: {  	vm0 =	vge.s32 v11, v0;
	vm1 =	vlt.s32 v11, v2  }
0xf6: {  	v11 =	vsub.s32 v11, v0;
	vm4 =	vge.s32 v14, v0;
	vm1 =	vmand vm0, vm1  }
0xf7: {  	vm5 =	vlt.s32 v14, v2;
	vm3 =	vlt.s32 v13, v2;
	v16 =	vnsel vm1, $0x0, v11;
	v11 =	vld [tilespmem:s3+$0xFFFFFFE0]  }
0xf8: {  	v12 =	vld [tilespmem:s3+$0x10];
	vm2 =	vlt.s32 v10, v2;
	vm6 =	vge.s32 v13, v0;
	vm0 =	vge.s32 v10, v0  }
0xf9: {  	vm7 =	vlt.s32 v15, v2;
	vm0 =	vmand vm0, vm2;
	vm2 =	vge.s32 v15, v0  }
0xfa: {  	v17 =	vsub.s32 v13, v0;
	v13 =	vsub.s32 v15, v0;
	vm2 =	vmand vm2, vm7  }
0xfb: {  	v14 =	vsub.s32 v14, v0;
	vm3 =	vmand vm6, vm3;
	v15 =	vld [tilespmem:s3+$0x20];
	v13 =	vnsel vm2, $0x0, v13  }
0xfc: {  	s2 =	simm.s32 $0x0;
	s3 =	simm.s32 $0x160C0;
	[tilespmem:v16+s6+$0x0] =	vst.idx.add.f32.msk vm1, v9;
	vm1 =	vmand vm4, vm5;
	vm4 =	vge.s32 v11, v0;
	v16 =	vnsel vm3, $0x0, v17  }
.LBB2_11:
0xfd: {  	v17 =	vld [tilespmem:s3+$0x30];
	s2 =	sadd.s32 $0x8, s2;
	vm5 =	vlt.s32 v11, v2;
	vm6 =	vge.s32 v12, v0;
	vm7 =	vlt.s32 v12, v2  }
0xfe: {  	v12 =	vsub.s32 v12, v0;
	v18 =	vld [tilespmem:s3+$0xFFFFFFC0];
	p1 =	slt.u32 s2, $0x138;
	vm4 =	vmand vm4, vm5;
	vm6 =	vmand vm6, vm7  }
0xff: {  	v14 =	vnsel vm1, $0x0, v14;
	v19 =	vld [tilespmem:s3+$0x0];
	v12 =	vnsel vm6, $0x0, v12  }
0x100: {  	v10 =	vsub.s32 v10, v0;
	v20 =	vld [tilespmem:s3+$0xFFFFFFF0]  }
0x101: {  	v21 =	vnsel vm0, $0x0, v10;
	vm5 =	vge.s32 v15, v0;
	vm7 =	vlt.s32 v15, v2;
	[tilespmem:v16+s6+$0x0] =	vst.idx.add.f32.msk vm3, v9  }
0x102: {  	v11 =	vsub.s32 v11, v0;
	v15 =	vsub.s32 v15, v0;
	v10 =	vld [tilespmem:s3+$0xFFFFFFD0];
	vm5 =	vmand vm5, vm7  }
0x103: {  	vm3 =	vge.s32 v18, v0;
	vm7 =	vlt.s32 v18, v2;
	[tilespmem:v13+s6+$0x0] =	vst.idx.add.f32.msk vm2, v9;
	v13 =	vnsel vm5, $0x0, v15  }
0x104: {  	v16 =	vnsel vm4, $0x0, v11;
	v15 =	vsub.s32 v18, v0;
	vm7 =	vmand vm3, vm7;
	[tilespmem:v12+s6+$0x0] =	vst.idx.add.f32.msk vm6, v9  }
0x105: {  	vm6 =	vge.s32 v19, v0;
	vm8 =	vlt.s32 v19, v2;
	v15 =	vnsel vm7, $0x0, v15;
	v12 =	vld [tilespmem:s3+$0x10]  }
0x106: {  	vm3 =	vlt.s32 v17, v2;
	[tilespmem:v21+s6+$0x0] =	vst.idx.add.f32.msk vm0, v9  }
0x107: {  	vm9 =	vge.s32 v17, v0;
	vm0 =	vge.s32 v10, v0;
	vm2 =	vlt.s32 v10, v2;
	v11 =	vld [tilespmem:s3+$0xFFFFFFE0]  }
.Ltmp6:
0x108: {  	v17 =	vsub.s32 v17, v0;
	vm0 =	vmand vm0, vm2;
	vm2 =	vge.s32 v20, v0;
	[tilespmem:v14+s6+$0x0] =	vst.idx.add.f32.msk vm1, v9;
	(pc) =	sbr.rel @p1 .LBB2_11-.Ltmp6, $4  }
0x109: {  	vm1 =	vlt.s32 v20, v2;
	v14 =	vsub.s32 v19, v0;
	[tilespmem:v16+s6+$0x0] =	vst.idx.add.f32.msk vm4, v9  }
0x10a: {  	vm3 =	vmand vm9, vm3;
	vm2 =	vmand vm2, vm1;
	[tilespmem:v13+s6+$0x0] =	vst.idx.add.f32.msk vm5, v9  }
0x10b: {  	vm1 =	vmand vm6, vm8;
	v13 =	vsub.s32 v20, v0;
	[tilespmem:v15+s6+$0x0] =	vst.idx.add.f32.msk vm7, v9  }
0x10c: {  	v16 =	vnsel vm3, $0x0, v17;
	v13 =	vnsel vm2, $0x0, v13;
	vm4 =	vge.s32 v11, v0;
	v15 =	vld [tilespmem:s3+$0x20];
	s3 =	sadd.s32 $0x80, s3  }
0x10d: {  	vm5 =	vge.s32 v12, v0  }
0x10e: {  	vm6 =	vlt.s32 v12, v2;
	v61 =	vsub.s32 v12, v0;
	vm13 =	vlt.s32 v11, v2  }
0x10f: {  	v10 =	vsub.s32 v10, v0;
	v14 =	vnsel vm1, $0x0, v14;
	v11 =	vsub.s32 v11, v0  }
0x110: {  	vm5 =	vmand vm5, vm6;
	vm4 =	vmand vm4, vm13;
	v10 =	vnsel vm0, $0x0, v10  }
0x111: {  	v12 =	vnsel vm5, $0x0, v61;
	vm14 =	vge.s32 v15, v0;
	vm7 =	vlt.s32 v15, v2  }
0x112: {  	[tilespmem:v16+s6+$0x0] =	vst.idx.add.f32.msk vm3, v9;
	v11 =	vnsel vm4, $0x0, v11;
	v62 =	vsub.s32 v15, v0;
	vm15 =	vmand vm14, vm7  }
0x113: {  	[tilespmem:v13+s6+$0x0] =	vst.idx.add.f32.msk vm2, v9;
	v63 =	vnsel vm15, $0x0, v62  }
.Ltmp7:
0x114: {  	[tilespmem:v14+s6+$0x0] =	vst.idx.add.f32.msk vm1, v9;
	(pc) =	sbr.rel .LBB2_16-.Ltmp7, $4  }
0x115: {  	[tilespmem:v10+s6+$0x0] =	vst.idx.add.f32.msk vm0, v9  }
0x116: {  	[tilespmem:v12+s6+$0x0] =	vst.idx.add.f32.msk vm5, v9  }
0x117: {  	[tilespmem:v11+s6+$0x0] =	vst.idx.add.f32.msk vm4, v9  }
0x118: {  	[tilespmem:v63+s6+$0x0] =	vst.idx.add.f32.msk vm15, v9  }
.LBB2_13:
0x119: {  	_ =	swait.ge [sflag:s23], $0x2000  }
0x11a: {  	[sflag:s23] =	ssyncset.done $0x0  }
0x11b: {  	s3 =	simm.s32 $0x16040;
	[sflag:s23] =	ssyncadd.s32 $0xFFFFE000  }
0x11c: {  	v11 =	vld [tilespmem:s3+$0xFFFFFFC0]  }
0x11d: {  	v14 =	vld [tilespmem:s3+$0x0]  }
0x11e: {  	v13 =	vld [tilespmem:s3+$0x30]  }
0x11f: {  	v10 =	vld [tilespmem:s3+$0xFFFFFFD0]  }
0x120: {  	v15 =	vld [tilespmem:s3+$0xFFFFFFF0]  }
0x121: {  	vm0 =	vge.s32 v11, v0;
	vm1 =	vlt.s32 v11, v2  }
0x122: {  	v11 =	vsub.s32 v11, v0;
	vm4 =	vge.s32 v14, v0;
	vm1 =	vmand vm0, vm1  }
0x123: {  	vm5 =	vlt.s32 v14, v2;
	vm3 =	vlt.s32 v13, v2;
	v16 =	vnsel vm1, $0x0, v11;
	v11 =	vld [tilespmem:s3+$0xFFFFFFE0]  }
0x124: {  	v12 =	vld [tilespmem:s3+$0x10];
	vm2 =	vlt.s32 v10, v2;
	vm6 =	vge.s32 v13, v0;
	vm0 =	vge.s32 v10, v0  }
0x125: {  	vm7 =	vlt.s32 v15, v2;
	vm0 =	vmand vm0, vm2;
	vm2 =	vge.s32 v15, v0  }
0x126: {  	v17 =	vsub.s32 v13, v0;
	v13 =	vsub.s32 v15, v0;
	vm2 =	vmand vm2, vm7  }
0x127: {  	v14 =	vsub.s32 v14, v0;
	vm3 =	vmand vm6, vm3;
	v15 =	vld [tilespmem:s3+$0x20];
	v13 =	vnsel vm2, $0x0, v13  }
0x128: {  	s2 =	simm.s32 $0x0;
	s3 =	simm.s32 $0x160C0;
	[tilespmem:v16+s6+$0x0] =	vst.idx.add.f32.msk vm1, v9;
	vm1 =	vmand vm4, vm5;
	vm4 =	vge.s32 v11, v0;
	v16 =	vnsel vm3, $0x0, v17  }
.LBB2_14:
0x129: {  	v17 =	vld [tilespmem:s3+$0x30];
	s2 =	sadd.s32 $0x8, s2;
	vm5 =	vlt.s32 v11, v2;
	vm6 =	vge.s32 v12, v0;
	vm7 =	vlt.s32 v12, v2  }
0x12a: {  	v12 =	vsub.s32 v12, v0;
	v18 =	vld [tilespmem:s3+$0xFFFFFFC0];
	p1 =	slt.u32 s2, $0x1F8;
	vm4 =	vmand vm4, vm5;
	vm6 =	vmand vm6, vm7  }
0x12b: {  	v14 =	vnsel vm1, $0x0, v14;
	v19 =	vld [tilespmem:s3+$0x0];
	v12 =	vnsel vm6, $0x0, v12  }
0x12c: {  	v10 =	vsub.s32 v10, v0;
	v20 =	vld [tilespmem:s3+$0xFFFFFFF0]  }
0x12d: {  	v21 =	vnsel vm0, $0x0, v10;
	vm5 =	vge.s32 v15, v0;
	vm7 =	vlt.s32 v15, v2;
	[tilespmem:v16+s6+$0x0] =	vst.idx.add.f32.msk vm3, v9  }
0x12e: {  	v11 =	vsub.s32 v11, v0;
	v15 =	vsub.s32 v15, v0;
	v10 =	vld [tilespmem:s3+$0xFFFFFFD0];
	vm5 =	vmand vm5, vm7  }
0x12f: {  	vm3 =	vge.s32 v18, v0;
	vm7 =	vlt.s32 v18, v2;
	[tilespmem:v13+s6+$0x0] =	vst.idx.add.f32.msk vm2, v9;
	v13 =	vnsel vm5, $0x0, v15  }
0x130: {  	v16 =	vnsel vm4, $0x0, v11;
	v15 =	vsub.s32 v18, v0;
	vm7 =	vmand vm3, vm7;
	[tilespmem:v12+s6+$0x0] =	vst.idx.add.f32.msk vm6, v9  }
0x131: {  	vm6 =	vge.s32 v19, v0;
	vm8 =	vlt.s32 v19, v2;
	v15 =	vnsel vm7, $0x0, v15;
	v12 =	vld [tilespmem:s3+$0x10]  }
0x132: {  	vm3 =	vlt.s32 v17, v2;
	[tilespmem:v21+s6+$0x0] =	vst.idx.add.f32.msk vm0, v9  }
0x133: {  	vm9 =	vge.s32 v17, v0;
	vm0 =	vge.s32 v10, v0;
	vm2 =	vlt.s32 v10, v2;
	v11 =	vld [tilespmem:s3+$0xFFFFFFE0]  }
.Ltmp8:
0x134: {  	v17 =	vsub.s32 v17, v0;
	vm0 =	vmand vm0, vm2;
	vm2 =	vge.s32 v20, v0;
	[tilespmem:v14+s6+$0x0] =	vst.idx.add.f32.msk vm1, v9;
	(pc) =	sbr.rel @p1 .LBB2_14-.Ltmp8, $4  }
0x135: {  	vm1 =	vlt.s32 v20, v2;
	v14 =	vsub.s32 v19, v0;
	[tilespmem:v16+s6+$0x0] =	vst.idx.add.f32.msk vm4, v9  }
0x136: {  	vm3 =	vmand vm9, vm3;
	vm2 =	vmand vm2, vm1;
	[tilespmem:v13+s6+$0x0] =	vst.idx.add.f32.msk vm5, v9  }
0x137: {  	vm1 =	vmand vm6, vm8;
	v13 =	vsub.s32 v20, v0;
	[tilespmem:v15+s6+$0x0] =	vst.idx.add.f32.msk vm7, v9  }
0x138: {  	v16 =	vnsel vm3, $0x0, v17;
	v13 =	vnsel vm2, $0x0, v13;
	vm4 =	vge.s32 v11, v0;
	v15 =	vld [tilespmem:s3+$0x20];
	s3 =	sadd.s32 $0x80, s3  }
0x139: {  	vm5 =	vge.s32 v12, v0  }
0x13a: {  	vm6 =	vlt.s32 v12, v2;
	v61 =	vsub.s32 v12, v0;
	vm13 =	vlt.s32 v11, v2  }
0x13b: {  	v10 =	vsub.s32 v10, v0;
	v14 =	vnsel vm1, $0x0, v14;
	v11 =	vsub.s32 v11, v0  }
0x13c: {  	vm5 =	vmand vm5, vm6;
	vm4 =	vmand vm4, vm13;
	v10 =	vnsel vm0, $0x0, v10  }
0x13d: {  	v12 =	vnsel vm5, $0x0, v61;
	vm14 =	vge.s32 v15, v0;
	vm7 =	vlt.s32 v15, v2  }
0x13e: {  	[tilespmem:v16+s6+$0x0] =	vst.idx.add.f32.msk vm3, v9;
	v11 =	vnsel vm4, $0x0, v11;
	v62 =	vsub.s32 v15, v0;
	vm15 =	vmand vm14, vm7  }
0x13f: {  	[tilespmem:v13+s6+$0x0] =	vst.idx.add.f32.msk vm2, v9;
	v63 =	vnsel vm15, $0x0, v62  }
0x140: {  	[tilespmem:v14+s6+$0x0] =	vst.idx.add.f32.msk vm1, v9  }
0x141: {  	[tilespmem:v10+s6+$0x0] =	vst.idx.add.f32.msk vm0, v9  }
0x142: {  	[tilespmem:v12+s6+$0x0] =	vst.idx.add.f32.msk vm5, v9  }
0x143: {  	[tilespmem:v11+s6+$0x0] =	vst.idx.add.f32.msk vm4, v9  }
0x144: {  	[tilespmem:v63+s6+$0x0] =	vst.idx.add.f32.msk vm15, v9  }
.LBB2_16:
0x145: {  	s4 =	sshrl.u32 s0, $0x1  }
0x146: {  	p1 =	seq.s32 s4, $0x0  }
.Ltmp9:
0x147: {  	_ = 	snop;
	(pc) =	sbr.rel @!p1 .LBB2_17-.Ltmp9, $2  }
0x148: {  	_ =	sdelay $0x2  }
0x149: {  	s2 =	simm.s32 $0x0  }
.LBB2_24:
.Ltmp10:
0x14a: {  	(pc) =	sbr.rel @!p0 .LBB2_32-.Ltmp10, $1  }
0x14b: {  	_ =	sdelay $0x3  }
0x14c: {  	p0 =	sne.s32 s30, $0x187  }
.Ltmp11:
0x14d: {  	_ = 	snop;
	(pc) =	sbr.rel @p0 .LBB2_29-.Ltmp11, $1  }
0x14e: {  	_ =	sdelay $0x3  }
0x14f: {  	_ =	swait.ge [sflag:s24], $0x1400  }
0x150: {  	[sflag:s24] =	ssyncset.done $0x0  }
0x151: {  	s2 =	simm.s32 $0x14040;
	[sflag:s24] =	ssyncadd.s32 $0xFFFFEC00  }
0x152: {  	v11 =	vld [tilespmem:s2+$0xFFFFFFC0]  }
0x153: {  	v14 =	vld [tilespmem:s2+$0x0]  }
0x154: {  	v13 =	vld [tilespmem:s2+$0x30]  }
0x155: {  	v10 =	vld [tilespmem:s2+$0xFFFFFFD0]  }
0x156: {  	v15 =	vld [tilespmem:s2+$0xFFFFFFF0]  }
0x157: {  	vm0 =	vge.s32 v11, v0;
	vm1 =	vlt.s32 v11, v2  }
0x158: {  	v11 =	vsub.s32 v11, v0;
	vm4 =	vge.s32 v14, v0;
	vm1 =	vmand vm0, vm1  }
0x159: {  	vm5 =	vlt.s32 v14, v2;
	vm3 =	vlt.s32 v13, v2;
	v16 =	vnsel vm1, $0x0, v11;
	v11 =	vld [tilespmem:s2+$0xFFFFFFE0]  }
0x15a: {  	v12 =	vld [tilespmem:s2+$0x10];
	vm2 =	vlt.s32 v10, v2;
	vm6 =	vge.s32 v13, v0;
	vm0 =	vge.s32 v10, v0  }
0x15b: {  	vm7 =	vlt.s32 v15, v2;
	vm0 =	vmand vm0, vm2;
	vm2 =	vge.s32 v15, v0  }
0x15c: {  	v17 =	vsub.s32 v13, v0;
	v13 =	vsub.s32 v15, v0;
	vm2 =	vmand vm2, vm7  }
0x15d: {  	v14 =	vsub.s32 v14, v0;
	vm3 =	vmand vm6, vm3;
	v15 =	vld [tilespmem:s2+$0x20];
	v13 =	vnsel vm2, $0x0, v13  }
0x15e: {  	s0 =	simm.s32 $0x0;
	s2 =	simm.s32 $0x140C0;
	[tilespmem:v16+s6+$0x0] =	vst.idx.add.f32.msk vm1, v9;
	vm1 =	vmand vm4, vm5;
	vm4 =	vge.s32 v11, v0;
	v16 =	vnsel vm3, $0x0, v17  }
.LBB2_27:
0x15f: {  	v17 =	vld [tilespmem:s2+$0x30];
	s0 =	sadd.s32 $0x8, s0;
	vm5 =	vlt.s32 v11, v2;
	vm6 =	vge.s32 v12, v0;
	vm7 =	vlt.s32 v12, v2  }
0x160: {  	v12 =	vsub.s32 v12, v0;
	v18 =	vld [tilespmem:s2+$0xFFFFFFC0];
	p0 =	slt.u32 s0, $0x138;
	vm4 =	vmand vm4, vm5;
	vm6 =	vmand vm6, vm7  }
0x161: {  	v14 =	vnsel vm1, $0x0, v14;
	v19 =	vld [tilespmem:s2+$0x0];
	v12 =	vnsel vm6, $0x0, v12  }
0x162: {  	v10 =	vsub.s32 v10, v0;
	v20 =	vld [tilespmem:s2+$0xFFFFFFF0]  }
0x163: {  	v21 =	vnsel vm0, $0x0, v10;
	vm5 =	vge.s32 v15, v0;
	vm7 =	vlt.s32 v15, v2;
	[tilespmem:v16+s6+$0x0] =	vst.idx.add.f32.msk vm3, v9  }
0x164: {  	v11 =	vsub.s32 v11, v0;
	v15 =	vsub.s32 v15, v0;
	v10 =	vld [tilespmem:s2+$0xFFFFFFD0];
	vm5 =	vmand vm5, vm7  }
0x165: {  	vm3 =	vge.s32 v18, v0;
	vm7 =	vlt.s32 v18, v2;
	[tilespmem:v13+s6+$0x0] =	vst.idx.add.f32.msk vm2, v9;
	v13 =	vnsel vm5, $0x0, v15  }
0x166: {  	v16 =	vnsel vm4, $0x0, v11;
	v15 =	vsub.s32 v18, v0;
	vm7 =	vmand vm3, vm7;
	[tilespmem:v12+s6+$0x0] =	vst.idx.add.f32.msk vm6, v9  }
0x167: {  	vm6 =	vge.s32 v19, v0;
	vm8 =	vlt.s32 v19, v2;
	v15 =	vnsel vm7, $0x0, v15;
	v12 =	vld [tilespmem:s2+$0x10]  }
0x168: {  	vm3 =	vlt.s32 v17, v2;
	[tilespmem:v21+s6+$0x0] =	vst.idx.add.f32.msk vm0, v9  }
0x169: {  	vm9 =	vge.s32 v17, v0;
	vm0 =	vge.s32 v10, v0;
	vm2 =	vlt.s32 v10, v2;
	v11 =	vld [tilespmem:s2+$0xFFFFFFE0]  }
.Ltmp12:
0x16a: {  	v17 =	vsub.s32 v17, v0;
	vm0 =	vmand vm0, vm2;
	vm2 =	vge.s32 v20, v0;
	[tilespmem:v14+s6+$0x0] =	vst.idx.add.f32.msk vm1, v9;
	(pc) =	sbr.rel @p0 .LBB2_27-.Ltmp12, $4  }
0x16b: {  	vm1 =	vlt.s32 v20, v2;
	v14 =	vsub.s32 v19, v0;
	[tilespmem:v16+s6+$0x0] =	vst.idx.add.f32.msk vm4, v9  }
0x16c: {  	vm3 =	vmand vm9, vm3;
	vm2 =	vmand vm2, vm1;
	[tilespmem:v13+s6+$0x0] =	vst.idx.add.f32.msk vm5, v9  }
0x16d: {  	vm1 =	vmand vm6, vm8;
	v13 =	vsub.s32 v20, v0;
	[tilespmem:v15+s6+$0x0] =	vst.idx.add.f32.msk vm7, v9  }
0x16e: {  	v16 =	vnsel vm3, $0x0, v17;
	v13 =	vnsel vm2, $0x0, v13;
	vm4 =	vge.s32 v11, v0;
	v15 =	vld [tilespmem:s2+$0x20];
	s2 =	sadd.s32 $0x80, s2  }
0x16f: {  	vm5 =	vge.s32 v12, v0  }
0x170: {  	vm6 =	vlt.s32 v12, v2;
	v61 =	vsub.s32 v12, v0;
	vm13 =	vlt.s32 v11, v2  }
0x171: {  	v10 =	vsub.s32 v10, v0;
	v14 =	vnsel vm1, $0x0, v14;
	v11 =	vsub.s32 v11, v0  }
0x172: {  	vm5 =	vmand vm5, vm6;
	vm4 =	vmand vm4, vm13;
	v10 =	vnsel vm0, $0x0, v10  }
0x173: {  	v12 =	vnsel vm5, $0x0, v61;
	vm14 =	vge.s32 v15, v0;
	vm7 =	vlt.s32 v15, v2  }
0x174: {  	[tilespmem:v16+s6+$0x0] =	vst.idx.add.f32.msk vm3, v9;
	v11 =	vnsel vm4, $0x0, v11;
	v62 =	vsub.s32 v15, v0;
	vm15 =	vmand vm14, vm7  }
0x175: {  	[tilespmem:v13+s6+$0x0] =	vst.idx.add.f32.msk vm2, v9;
	v63 =	vnsel vm15, $0x0, v62  }
.Ltmp13:
0x176: {  	[tilespmem:v14+s6+$0x0] =	vst.idx.add.f32.msk vm1, v9;
	(pc) =	sbr.rel .LBB2_32-.Ltmp13, $4  }
0x177: {  	[tilespmem:v10+s6+$0x0] =	vst.idx.add.f32.msk vm0, v9  }
0x178: {  	[tilespmem:v12+s6+$0x0] =	vst.idx.add.f32.msk vm5, v9  }
0x179: {  	[tilespmem:v11+s6+$0x0] =	vst.idx.add.f32.msk vm4, v9  }
0x17a: {  	[tilespmem:v63+s6+$0x0] =	vst.idx.add.f32.msk vm15, v9  }
.LBB2_23:
0x17b: {  	s2 =	sadd.s32 $0x1, s2  }
0x17c: {  	p1 =	sne.s32 s2, s4  }
.Ltmp14:
0x17d: {  	_ = 	snop;
	(pc) =	sbr.rel @!p1 .LBB2_24-.Ltmp14, $1  }
0x17e: {  	_ =	sdelay $0x3  }
.LBB2_17:
0x17f: {  	s3 =	sshll.u32 s2, $0x1  }
0x180: {  	s5 =	sadd.s32 $0x2, s3  }
0x181: {  	p1 =	sge.u32 s5, s0  }
0x182: {  	s5 =	sadd.s32 @!p1 s31, s5  }
0x183: {  	s5 =	sshll.u32 @!p1 s5, $0xA  }
0x184: {  	s5 =	sand.u32 @!p1 $0x1FFFFC00, s5  }
0x185: {  	s11 =	simm.s32 @!p1 $0x0;
	s26 =	simm.s32 @!p1 $0x12000;
	s5 =	sadd.s32 @!p1 s1, s5  }
0x186: {  	[tilespmem:s26], [sflag:$0x2] =	stream.linear.gather @!p1 [hbm4b:s5+s11], $0x2000, $0x200038;
	[tilespmem:$0x18480] =	vst v63  }
0x187: {  	_ =	swait.ge [sflag:s19], $0x2000  }
0x188: {  	[sflag:s19] =	ssyncset.done $0x0  }
0x189: {  	s26 =	simm.s32 $0x10040;
	[sflag:s19] =	ssyncadd.s32 $0xFFFFE000  }
0x18a: {  	v12 =	vld [tilespmem:s26+$0x30]  }
0x18b: {  	v13 =	vld [tilespmem:s26+$0x20]  }
0x18c: {  	v15 =	vld [tilespmem:s26+$0x10];
	_ =	sdelay $0x2  }
0x18d: {  	v10 =	vld [tilespmem:s26+$0x0]  }
0x18e: {  	v11 =	vld [tilespmem:s26+$0xFFFFFFD0];
	v14 =	vsub.s32 v12, v0  }
0x18f: {  	v12 =	vand.u32 $0x7F, v12;
	v16 =	vsub.s32 v13, v0;
	v19 =	vsub.s32 v15, v0  }
0x190: {  	v18 =	vld [tilespmem:s26+$0xFFFFFFE0];
	v13 =	vand.u32 $0x7F, v13;
	v14 =	vand.u32 $0xFFFFFF80, v14;
	v16 =	vand.u32 $0xFFFFFF80, v16  }
0x191: {  	v20 =	vand.u32 $0x7F, v15;
	v14 =	vor.u32 v12, v14;
	v15 =	vor.u32 v13, v16;
	v13 =	vld [tilespmem:s26+$0xFFFFFFF0]  }
0x192: {  	v17 =	vand.u32 $0x7F, v10;
	v10 =	vsub.s32 v10, v0  }
0x193: {  	v10 =	vand.u32 $0xFFFFFF80, v10;
	v12 =	vsub.s32 v11, v0  }
0x194: {  	v10 =	vor.u32 v17, v10;
	v16 =	vand.u32 $0xFFFFFF80, v12;
	v12 =	vand.u32 $0xFFFFFF80, v19  }
0x195: {  	s5 =	simm.s32 $0x0;
	s11 =	simm.s32 $0x100C0;
	v17 =	vld [tilespmem:s26+$0xFFFFFFC0];
	v19 =	vsub.s32 v18, v0;
	v18 =	vand.u32 $0x7F, v18;
	v12 =	vor.u32 v20, v12  }
.LBB2_18:
0x196: {  	s5 =	sadd.s32 $0x8, s5;
	v19 =	vand.u32 $0xFFFFFF80, v19;
	v20 =	vsub.s32 v13, v0;
	[tilespmem:v14+s6+$0x0] =	vst.idx.add.f32.msk $0xffff, v9  }
0x197: {  	v13 =	vand.u32 $0x7F, v13;
	v21 =	vld [tilespmem:s11+$0x10];
	p2 =	slt.u32 s5, $0x1F8;
	v14 =	vor.u32 v18, v19;
	v18 =	vand.u32 $0xFFFFFF80, v20  }
0x198: {  	v18 =	vor.u32 v13, v18;
	[tilespmem:v15+s6+$0x0] =	vst.idx.add.f32.msk $0xffff, v9  }
0x199: {  	v11 =	vand.u32 $0x7F, v11;
	v15 =	vld [tilespmem:s11+$0x0]  }
0x19a: {  	v16 =	vor.u32 v11, v16;
	v19 =	vld [tilespmem:s11+$0x30];
	v13 =	vsub.s32 v17, v0  }
0x19b: {  	v20 =	vld [tilespmem:s11+$0x20];
	v11 =	vand.u32 $0xFFFFFF80, v13;
	v13 =	vand.u32 $0x7F, v17  }
0x19c: {  	v17 =	vor.u32 v13, v11;
	[tilespmem:v14+s6+$0x0] =	vst.idx.add.f32.msk $0xffff, v9  }
0x19d: {  	v11 =	vld [tilespmem:s11+$0xFFFFFFD0]  }
0x19e: {  	v13 =	vld [tilespmem:s11+$0xFFFFFFF0]  }
0x19f: {  	v14 =	vsub.s32 v19, v0;
	v19 =	vand.u32 $0x7F, v19;
	[tilespmem:v16+s6+$0x0] =	vst.idx.add.f32.msk $0xffff, v9  }
0x1a0: {  	v23 =	vand.u32 $0x7F, v15;
	v22 =	vld [tilespmem:s11+$0xFFFFFFE0];
	v16 =	vsub.s32 v20, v0;
	v14 =	vand.u32 $0xFFFFFF80, v14  }
.Ltmp15:
0x1a1: {  	v24 =	vsub.s32 v21, v0;
	v16 =	vand.u32 $0xFFFFFF80, v16;
	v14 =	vor.u32 v19, v14;
	[tilespmem:v17+s6+$0x0] =	vst.idx.add.f32.msk $0xffff, v9;
	(pc) =	sbr.rel @p2 .LBB2_18-.Ltmp15, $4  }
0x1a2: {  	v15 =	vsub.s32 v15, v0;
	v19 =	vand.u32 $0x7F, v20;
	v17 =	vsub.s32 v11, v0;
	[tilespmem:v12+s6+$0x0] =	vst.idx.add.f32.msk $0xffff, v9  }
0x1a3: {  	v20 =	vand.u32 $0x7F, v21;
	v12 =	vand.u32 $0xFFFFFF80, v15;
	v15 =	vor.u32 v19, v16;
	[tilespmem:v18+s6+$0x0] =	vst.idx.add.f32.msk $0xffff, v9  }
0x1a4: {  	v21 =	vand.u32 $0xFFFFFF80, v24;
	v16 =	vand.u32 $0xFFFFFF80, v17;
	[tilespmem:v10+s6+$0x0] =	vst.idx.add.f32.msk $0xffff, v9;
	v10 =	vor.u32 v23, v12  }
0x1a5: {  	v12 =	vor.u32 v20, v21;
	v17 =	vld [tilespmem:s11+$0xFFFFFFC0];
	v19 =	vsub.s32 v22, v0;
	v18 =	vand.u32 $0x7F, v22;
	s11 =	sadd.s32 $0x80, s11  }
0x1a6: {  	_ =	sdelay $0x1  }
0x1a7: {  	v19 =	vand.u32 $0xFFFFFF80, v19;
	v11 =	vand.u32 $0x7F, v11  }
0x1a8: {  	v61 =	vsub.s32 v13, v0;
	v63 =	vand.u32 $0x7F, v13;
	v18 =	vor.u32 v18, v19  }
0x1a9: {  	[tilespmem:v14+s6+$0x0] =	vst.idx.add.f32.msk $0xffff, v9;
	v11 =	vor.u32 v11, v16;
	v62 =	vand.u32 $0xFFFFFF80, v61;
	v58 =	vsub.s32 v17, v0  }
0x1aa: {  	[tilespmem:v15+s6+$0x0] =	vst.idx.add.f32.msk $0xffff, v9;
	v13 =	vor.u32 v63, v62;
	v60 =	vand.u32 $0x7F, v17;
	v59 =	vand.u32 $0xFFFFFF80, v58  }
0x1ab: {  	[tilespmem:v12+s6+$0x0] =	vst.idx.add.f32.msk $0xffff, v9;
	v16 =	vor.u32 v60, v59  }
.Ltmp16:
0x1ac: {  	[tilespmem:v10+s6+$0x0] =	vst.idx.add.f32.msk $0xffff, v9;
	(pc) =	sbr.rel @p1 .LBB2_23-.Ltmp16, $4  }
0x1ad: {  	[tilespmem:v18+s6+$0x0] =	vst.idx.add.f32.msk $0xffff, v9  }
0x1ae: {  	[tilespmem:v11+s6+$0x0] =	vst.idx.add.f32.msk $0xffff, v9  }
0x1af: {  	[tilespmem:v13+s6+$0x0] =	vst.idx.add.f32.msk $0xffff, v9  }
0x1b0: {  	[tilespmem:v16+s6+$0x0] =	vst.idx.add.f32.msk $0xffff, v9  }
0x1b1: {  	s3 =	sadd.s32 $0x3, s3  }
0x1b2: {  	p1 =	sge.u32 s3, s0  }
0x1b3: {  	s3 =	sadd.s32 @!p1 s31, s3  }
0x1b4: {  	s3 =	sshll.u32 @!p1 s3, $0xA  }
0x1b5: {  	s3 =	sand.u32 @!p1 $0x1FFFFC00, s3  }
0x1b6: {  	s5 =	simm.s32 @!p1 $0x0;
	s11 =	simm.s32 @!p1 $0x10000;
	s3 =	sadd.s32 @!p1 s1, s3  }
0x1b7: {  	[tilespmem:s11], [sflag:$0x1] =	stream.linear.gather @!p1 [hbm4b:s3+s5], $0x2000, $0x200038;
	[tilespmem:$0x18480] =	vst v63  }
0x1b8: {  	_ =	swait.ge [sflag:s20], $0x2000  }
0x1b9: {  	[sflag:s20] =	ssyncset.done $0x0  }
0x1ba: {  	s26 =	simm.s32 $0x12040;
	[sflag:s20] =	ssyncadd.s32 $0xFFFFE000  }
0x1bb: {  	v12 =	vld [tilespmem:s26+$0x30]  }
0x1bc: {  	v13 =	vld [tilespmem:s26+$0x20]  }
0x1bd: {  	v15 =	vld [tilespmem:s26+$0x10];
	_ =	sdelay $0x2  }
0x1be: {  	v10 =	vld [tilespmem:s26+$0x0]  }
0x1bf: {  	v11 =	vld [tilespmem:s26+$0xFFFFFFD0];
	v14 =	vsub.s32 v12, v0  }
0x1c0: {  	v12 =	vand.u32 $0x7F, v12;
	v16 =	vsub.s32 v13, v0;
	v19 =	vsub.s32 v15, v0  }
0x1c1: {  	v18 =	vld [tilespmem:s26+$0xFFFFFFE0];
	v13 =	vand.u32 $0x7F, v13;
	v14 =	vand.u32 $0xFFFFFF80, v14;
	v16 =	vand.u32 $0xFFFFFF80, v16  }
0x1c2: {  	v20 =	vand.u32 $0x7F, v15;
	v14 =	vor.u32 v12, v14;
	v15 =	vor.u32 v13, v16;
	v13 =	vld [tilespmem:s26+$0xFFFFFFF0]  }
0x1c3: {  	v17 =	vand.u32 $0x7F, v10;
	v10 =	vsub.s32 v10, v0  }
0x1c4: {  	v10 =	vand.u32 $0xFFFFFF80, v10;
	v12 =	vsub.s32 v11, v0  }
0x1c5: {  	v10 =	vor.u32 v17, v10;
	v16 =	vand.u32 $0xFFFFFF80, v12;
	v12 =	vand.u32 $0xFFFFFF80, v19  }
0x1c6: {  	s3 =	simm.s32 $0x0;
	s5 =	simm.s32 $0x120C0;
	v17 =	vld [tilespmem:s26+$0xFFFFFFC0];
	v19 =	vsub.s32 v18, v0;
	v18 =	vand.u32 $0x7F, v18;
	v12 =	vor.u32 v20, v12  }
.LBB2_21:
0x1c7: {  	s3 =	sadd.s32 $0x8, s3;
	v19 =	vand.u32 $0xFFFFFF80, v19;
	v20 =	vsub.s32 v13, v0;
	[tilespmem:v14+s6+$0x0] =	vst.idx.add.f32.msk $0xffff, v9  }
0x1c8: {  	v13 =	vand.u32 $0x7F, v13;
	v21 =	vld [tilespmem:s5+$0x10];
	p1 =	slt.u32 s3, $0x1F8;
	v14 =	vor.u32 v18, v19;
	v18 =	vand.u32 $0xFFFFFF80, v20  }
0x1c9: {  	v18 =	vor.u32 v13, v18;
	[tilespmem:v15+s6+$0x0] =	vst.idx.add.f32.msk $0xffff, v9  }
0x1ca: {  	v11 =	vand.u32 $0x7F, v11;
	v15 =	vld [tilespmem:s5+$0x0]  }
0x1cb: {  	v16 =	vor.u32 v11, v16;
	v19 =	vld [tilespmem:s5+$0x30];
	v13 =	vsub.s32 v17, v0  }
0x1cc: {  	v20 =	vld [tilespmem:s5+$0x20];
	v11 =	vand.u32 $0xFFFFFF80, v13;
	v13 =	vand.u32 $0x7F, v17  }
0x1cd: {  	v17 =	vor.u32 v13, v11;
	[tilespmem:v14+s6+$0x0] =	vst.idx.add.f32.msk $0xffff, v9  }
0x1ce: {  	v11 =	vld [tilespmem:s5+$0xFFFFFFD0]  }
0x1cf: {  	v13 =	vld [tilespmem:s5+$0xFFFFFFF0]  }
0x1d0: {  	v14 =	vsub.s32 v19, v0;
	v19 =	vand.u32 $0x7F, v19;
	[tilespmem:v16+s6+$0x0] =	vst.idx.add.f32.msk $0xffff, v9  }
0x1d1: {  	v23 =	vand.u32 $0x7F, v15;
	v22 =	vld [tilespmem:s5+$0xFFFFFFE0];
	v16 =	vsub.s32 v20, v0;
	v14 =	vand.u32 $0xFFFFFF80, v14  }
.Ltmp17:
0x1d2: {  	v24 =	vsub.s32 v21, v0;
	v16 =	vand.u32 $0xFFFFFF80, v16;
	v14 =	vor.u32 v19, v14;
	[tilespmem:v17+s6+$0x0] =	vst.idx.add.f32.msk $0xffff, v9;
	(pc) =	sbr.rel @p1 .LBB2_21-.Ltmp17, $4  }
0x1d3: {  	v15 =	vsub.s32 v15, v0;
	v19 =	vand.u32 $0x7F, v20;
	v17 =	vsub.s32 v11, v0;
	[tilespmem:v12+s6+$0x0] =	vst.idx.add.f32.msk $0xffff, v9  }
0x1d4: {  	v20 =	vand.u32 $0x7F, v21;
	v12 =	vand.u32 $0xFFFFFF80, v15;
	v15 =	vor.u32 v19, v16;
	[tilespmem:v18+s6+$0x0] =	vst.idx.add.f32.msk $0xffff, v9  }
0x1d5: {  	v21 =	vand.u32 $0xFFFFFF80, v24;
	v16 =	vand.u32 $0xFFFFFF80, v17;
	[tilespmem:v10+s6+$0x0] =	vst.idx.add.f32.msk $0xffff, v9;
	v10 =	vor.u32 v23, v12  }
0x1d6: {  	v12 =	vor.u32 v20, v21;
	v17 =	vld [tilespmem:s5+$0xFFFFFFC0];
	v19 =	vsub.s32 v22, v0;
	v18 =	vand.u32 $0x7F, v22;
	s5 =	sadd.s32 $0x80, s5  }
0x1d7: {  	_ =	sdelay $0x1  }
0x1d8: {  	v19 =	vand.u32 $0xFFFFFF80, v19;
	v11 =	vand.u32 $0x7F, v11  }
0x1d9: {  	v61 =	vsub.s32 v13, v0;
	v63 =	vand.u32 $0x7F, v13;
	v18 =	vor.u32 v18, v19  }
0x1da: {  	[tilespmem:v14+s6+$0x0] =	vst.idx.add.f32.msk $0xffff, v9;
	v11 =	vor.u32 v11, v16;
	v62 =	vand.u32 $0xFFFFFF80, v61;
	v58 =	vsub.s32 v17, v0  }
0x1db: {  	[tilespmem:v15+s6+$0x0] =	vst.idx.add.f32.msk $0xffff, v9;
	v13 =	vor.u32 v63, v62;
	v60 =	vand.u32 $0x7F, v17;
	v59 =	vand.u32 $0xFFFFFF80, v58  }
0x1dc: {  	[tilespmem:v12+s6+$0x0] =	vst.idx.add.f32.msk $0xffff, v9;
	v16 =	vor.u32 v60, v59  }
.Ltmp18:
0x1dd: {  	[tilespmem:v10+s6+$0x0] =	vst.idx.add.f32.msk $0xffff, v9;
	(pc) =	sbr.rel .LBB2_23-.Ltmp18, $4  }
0x1de: {  	[tilespmem:v18+s6+$0x0] =	vst.idx.add.f32.msk $0xffff, v9  }
0x1df: {  	[tilespmem:v11+s6+$0x0] =	vst.idx.add.f32.msk $0xffff, v9  }
0x1e0: {  	[tilespmem:v13+s6+$0x0] =	vst.idx.add.f32.msk $0xffff, v9  }
0x1e1: {  	[tilespmem:v16+s6+$0x0] =	vst.idx.add.f32.msk $0xffff, v9  }
.LBB2_29:
0x1e2: {  	_ =	swait.ge [sflag:s24], $0x2000  }
0x1e3: {  	[sflag:s24] =	ssyncset.done $0x0  }
0x1e4: {  	s2 =	simm.s32 $0x14040;
	[sflag:s24] =	ssyncadd.s32 $0xFFFFE000  }
0x1e5: {  	v11 =	vld [tilespmem:s2+$0xFFFFFFC0]  }
0x1e6: {  	v14 =	vld [tilespmem:s2+$0x0]  }
0x1e7: {  	v13 =	vld [tilespmem:s2+$0x30]  }
0x1e8: {  	v10 =	vld [tilespmem:s2+$0xFFFFFFD0]  }
0x1e9: {  	v15 =	vld [tilespmem:s2+$0xFFFFFFF0]  }
0x1ea: {  	vm0 =	vge.s32 v11, v0;
	vm1 =	vlt.s32 v11, v2  }
0x1eb: {  	v11 =	vsub.s32 v11, v0;
	vm4 =	vge.s32 v14, v0;
	vm1 =	vmand vm0, vm1  }
0x1ec: {  	vm5 =	vlt.s32 v14, v2;
	vm3 =	vlt.s32 v13, v2;
	v16 =	vnsel vm1, $0x0, v11;
	v11 =	vld [tilespmem:s2+$0xFFFFFFE0]  }
0x1ed: {  	v12 =	vld [tilespmem:s2+$0x10];
	vm2 =	vlt.s32 v10, v2;
	vm6 =	vge.s32 v13, v0;
	vm0 =	vge.s32 v10, v0  }
0x1ee: {  	vm7 =	vlt.s32 v15, v2;
	vm0 =	vmand vm0, vm2;
	vm2 =	vge.s32 v15, v0  }
0x1ef: {  	v17 =	vsub.s32 v13, v0;
	v13 =	vsub.s32 v15, v0;
	vm2 =	vmand vm2, vm7  }
0x1f0: {  	v14 =	vsub.s32 v14, v0;
	vm3 =	vmand vm6, vm3;
	v15 =	vld [tilespmem:s2+$0x20];
	v13 =	vnsel vm2, $0x0, v13  }
0x1f1: {  	s0 =	simm.s32 $0x0;
	s2 =	simm.s32 $0x140C0;
	[tilespmem:v16+s6+$0x0] =	vst.idx.add.f32.msk vm1, v9;
	vm1 =	vmand vm4, vm5;
	vm4 =	vge.s32 v11, v0;
	v16 =	vnsel vm3, $0x0, v17  }
.LBB2_30:
0x1f2: {  	v17 =	vld [tilespmem:s2+$0x30];
	s0 =	sadd.s32 $0x8, s0;
	vm5 =	vlt.s32 v11, v2;
	vm6 =	vge.s32 v12, v0;
	vm7 =	vlt.s32 v12, v2  }
0x1f3: {  	v12 =	vsub.s32 v12, v0;
	v18 =	vld [tilespmem:s2+$0xFFFFFFC0];
	p0 =	slt.u32 s0, $0x1F8;
	vm4 =	vmand vm4, vm5;
	vm6 =	vmand vm6, vm7  }
0x1f4: {  	v14 =	vnsel vm1, $0x0, v14;
	v19 =	vld [tilespmem:s2+$0x0];
	v12 =	vnsel vm6, $0x0, v12  }
0x1f5: {  	v10 =	vsub.s32 v10, v0;
	v20 =	vld [tilespmem:s2+$0xFFFFFFF0]  }
0x1f6: {  	v21 =	vnsel vm0, $0x0, v10;
	vm5 =	vge.s32 v15, v0;
	vm7 =	vlt.s32 v15, v2;
	[tilespmem:v16+s6+$0x0] =	vst.idx.add.f32.msk vm3, v9  }
0x1f7: {  	v11 =	vsub.s32 v11, v0;
	v15 =	vsub.s32 v15, v0;
	v10 =	vld [tilespmem:s2+$0xFFFFFFD0];
	vm5 =	vmand vm5, vm7  }
0x1f8: {  	vm3 =	vge.s32 v18, v0;
	vm7 =	vlt.s32 v18, v2;
	[tilespmem:v13+s6+$0x0] =	vst.idx.add.f32.msk vm2, v9;
	v13 =	vnsel vm5, $0x0, v15  }
0x1f9: {  	v16 =	vnsel vm4, $0x0, v11;
	v15 =	vsub.s32 v18, v0;
	vm7 =	vmand vm3, vm7;
	[tilespmem:v12+s6+$0x0] =	vst.idx.add.f32.msk vm6, v9  }
0x1fa: {  	vm6 =	vge.s32 v19, v0;
	vm8 =	vlt.s32 v19, v2;
	v15 =	vnsel vm7, $0x0, v15;
	v12 =	vld [tilespmem:s2+$0x10]  }
0x1fb: {  	vm3 =	vlt.s32 v17, v2;
	[tilespmem:v21+s6+$0x0] =	vst.idx.add.f32.msk vm0, v9  }
0x1fc: {  	vm9 =	vge.s32 v17, v0;
	vm0 =	vge.s32 v10, v0;
	vm2 =	vlt.s32 v10, v2;
	v11 =	vld [tilespmem:s2+$0xFFFFFFE0]  }
.Ltmp19:
0x1fd: {  	v17 =	vsub.s32 v17, v0;
	vm0 =	vmand vm0, vm2;
	vm2 =	vge.s32 v20, v0;
	[tilespmem:v14+s6+$0x0] =	vst.idx.add.f32.msk vm1, v9;
	(pc) =	sbr.rel @p0 .LBB2_30-.Ltmp19, $4  }
0x1fe: {  	vm1 =	vlt.s32 v20, v2;
	v14 =	vsub.s32 v19, v0;
	[tilespmem:v16+s6+$0x0] =	vst.idx.add.f32.msk vm4, v9  }
0x1ff: {  	vm3 =	vmand vm9, vm3;
	vm2 =	vmand vm2, vm1;
	[tilespmem:v13+s6+$0x0] =	vst.idx.add.f32.msk vm5, v9  }
0x200: {  	vm1 =	vmand vm6, vm8;
	v13 =	vsub.s32 v20, v0;
	[tilespmem:v15+s6+$0x0] =	vst.idx.add.f32.msk vm7, v9  }
0x201: {  	v16 =	vnsel vm3, $0x0, v17;
	v13 =	vnsel vm2, $0x0, v13;
	vm4 =	vge.s32 v11, v0;
	v15 =	vld [tilespmem:s2+$0x20];
	s2 =	sadd.s32 $0x80, s2  }
0x202: {  	vm5 =	vge.s32 v12, v0  }
0x203: {  	vm6 =	vlt.s32 v12, v2;
	v61 =	vsub.s32 v12, v0;
	vm13 =	vlt.s32 v11, v2  }
0x204: {  	v10 =	vsub.s32 v10, v0;
	v14 =	vnsel vm1, $0x0, v14;
	v11 =	vsub.s32 v11, v0  }
0x205: {  	vm5 =	vmand vm5, vm6;
	vm4 =	vmand vm4, vm13;
	v10 =	vnsel vm0, $0x0, v10  }
0x206: {  	v12 =	vnsel vm5, $0x0, v61;
	vm14 =	vge.s32 v15, v0;
	vm7 =	vlt.s32 v15, v2  }
0x207: {  	[tilespmem:v16+s6+$0x0] =	vst.idx.add.f32.msk vm3, v9;
	v11 =	vnsel vm4, $0x0, v11;
	v62 =	vsub.s32 v15, v0;
	vm15 =	vmand vm14, vm7  }
0x208: {  	[tilespmem:v13+s6+$0x0] =	vst.idx.add.f32.msk vm2, v9;
	v63 =	vnsel vm15, $0x0, v62  }
0x209: {  	[tilespmem:v14+s6+$0x0] =	vst.idx.add.f32.msk vm1, v9  }
0x20a: {  	[tilespmem:v10+s6+$0x0] =	vst.idx.add.f32.msk vm0, v9  }
0x20b: {  	[tilespmem:v12+s6+$0x0] =	vst.idx.add.f32.msk vm5, v9  }
0x20c: {  	[tilespmem:v11+s6+$0x0] =	vst.idx.add.f32.msk vm4, v9  }
0x20d: {  	[tilespmem:v63+s6+$0x0] =	vst.idx.add.f32.msk vm15, v9  }
.LBB2_32:
0x20e: {  	_ =	strace $0x9000004A  }
0x20f: {  	_ =	strace $0x8000004B  }
0x210: {  	_ =	swait.ge [sflag:s25], $0x80  }
0x211: {  	[sflag:s25] =	ssyncset.done $0x0  }
0x212: {  	[sflag:s25] =	ssyncadd.s32 $0xFFFFFF80  }
0x213: {  	_ =	swait.ge [sflag:s25], $0x80  }
0x214: {  	[sflag:s25] =	ssyncset.done $0x0  }
0x215: {  	[sflag:s25] =	ssyncadd.s32 $0xFFFFFF80  }
0x216: {  	_ =	swait.ge [sflag:s25], $0x80  }
0x217: {  	[sflag:s25] =	ssyncset.done $0x0  }
0x218: {  	[sflag:s25] =	ssyncadd.s32 $0xFFFFFF80  }
0x219: {  	v10 =	vld [tilespmem:$0x18200];
	_ =	sdelay $0x7  }
0x21a: {  	v11 =	vld.idx.msk [tilespmem:v10+s12+$0x0], $0xffff;
	_ =	sdelay $0x3  }
0x21b: {  	v12 =	vld [tilespmem:$0x18210]  }
0x21c: {  	[tilespmem:$0x18380] =	vst v11  }
0x21d: {  	v10 =	vld.idx.msk [tilespmem:v10+s13+$0x0], $0xffff;
	_ =	sdelay $0x4  }
0x21e: {  	[tilespmem:$0x18400] =	vst v10  }
0x21f: {  	v10 =	vld.idx.msk [tilespmem:v12+s12+$0x0], $0xffff;
	_ =	sdelay $0x3  }
0x220: {  	v11 =	vld [tilespmem:$0x18220]  }
0x221: {  	[tilespmem:$0x18390] =	vst v10  }
0x222: {  	v10 =	vld.idx.msk [tilespmem:v12+s13+$0x0], $0xffff;
	_ =	sdelay $0x4  }
0x223: {  	[tilespmem:$0x18410] =	vst v10  }
0x224: {  	v10 =	vld.idx.msk [tilespmem:v11+s12+$0x0], $0xffff;
	_ =	sdelay $0x3  }
0x225: {  	v12 =	vld [tilespmem:$0x18230]  }
0x226: {  	[tilespmem:$0x183A0] =	vst v10  }
0x227: {  	v10 =	vld.idx.msk [tilespmem:v11+s13+$0x0], $0xffff;
	_ =	sdelay $0x4  }
0x228: {  	[tilespmem:$0x18420] =	vst v10  }
0x229: {  	v10 =	vld.idx.msk [tilespmem:v12+s12+$0x0], $0xffff;
	_ =	sdelay $0x3  }
0x22a: {  	v11 =	vld [tilespmem:$0x18240]  }
0x22b: {  	[tilespmem:$0x183B0] =	vst v10  }
0x22c: {  	v10 =	vld.idx.msk [tilespmem:v12+s13+$0x0], $0xffff;
	_ =	sdelay $0x4  }
0x22d: {  	[tilespmem:$0x18430] =	vst v10  }
0x22e: {  	v10 =	vld.idx.msk [tilespmem:v11+s12+$0x0], $0xffff;
	_ =	sdelay $0x3  }
0x22f: {  	v12 =	vld [tilespmem:$0x18250]  }
0x230: {  	[tilespmem:$0x183C0] =	vst v10  }
0x231: {  	v10 =	vld.idx.msk [tilespmem:v11+s13+$0x0], $0xffff;
	_ =	sdelay $0x4  }
0x232: {  	[tilespmem:$0x18440] =	vst v10  }
0x233: {  	v10 =	vld.idx.msk [tilespmem:v12+s12+$0x0], $0xffff;
	_ =	sdelay $0x3  }
0x234: {  	v11 =	vld [tilespmem:$0x18260]  }
0x235: {  	[tilespmem:$0x183D0] =	vst v10  }
0x236: {  	v10 =	vld.idx.msk [tilespmem:v12+s13+$0x0], $0xffff;
	_ =	sdelay $0x4  }
0x237: {  	[tilespmem:$0x18450] =	vst v10  }
0x238: {  	v10 =	vld.idx.msk [tilespmem:v11+s12+$0x0], $0xffff;
	_ =	sdelay $0x3  }
0x239: {  	v12 =	vld [tilespmem:$0x18270]  }
0x23a: {  	[tilespmem:$0x183E0] =	vst v10  }
0x23b: {  	v10 =	vld.idx.msk [tilespmem:v11+s13+$0x0], $0xffff;
	_ =	sdelay $0x4  }
0x23c: {  	[tilespmem:$0x18460] =	vst v10  }
0x23d: {  	v10 =	vld.idx.msk [tilespmem:v12+s12+$0x0], $0xffff;
	_ =	sdelay $0x4  }
0x23e: {  	[tilespmem:$0x183F0] =	vst v10  }
0x23f: {  	v10 =	vld.idx.msk [tilespmem:v12+s13+$0x0], $0xffff;
	_ =	sdelay $0x3  }
0x240: {  	v12 =	vld [tilespmem:$0x18400]  }
0x241: {  	s30 =	simm.s32 $0x200;
	[tilespmem:$0x18470] =	vst v10;
	v10 =	vld [tilespmem:$0x18380]  }
0x242: {  	v11 =	vld [tilespmem:s30+$0x180]  }
0x243: {  	v13 =	vld [tilespmem:s30+$0xFFFFFE80]  }
0x244: {  	v14 =	vld [tilespmem:s30+$0xFFFFFF00]  }
0x245: {  	v16 =	vld [tilespmem:s30+$0xFFFFFF80]  }
0x246: {  	v18 =	vld [tilespmem:s30+$0x0]  }
0x247: {  	v19 =	vld [tilespmem:s30+$0x80]  }
0x248: {  	v20 =	vld [tilespmem:s30+$0xFFFFFE00]  }
0x249: {  	v22 =	vld [tilespmem:s30+$0xFFFFFF90]  }
0x24a: {  	v24 =	vld [tilespmem:s30+$0x10]  }
0x24b: {  	v25 =	vld [tilespmem:s30+$0x90]  }
0x24c: {  	v26 =	vld [tilespmem:s30+$0x110]  }
0x24d: {  	v59 =	vld [tilespmem:s30+$0xA0]  }
0x24e: {  	v60 =	vld [tilespmem:s30+$0x120]  }
0x24f: {  	v33 =	vld [tilespmem:s30+$0x30]  }
0x250: {  	v34 =	vld [tilespmem:s30+$0xB0]  }
0x251: {  	v36 =	vld [tilespmem:s30+$0x130]  }
0x252: {  	v39 =	vld [tilespmem:s30+$0x40]  }
0x253: {  	v40 =	vld [tilespmem:s30+$0xC0]  }
0x254: {  	v42 =	vld [tilespmem:s30+$0x140]  }
0x255: {  	v45 =	vld [tilespmem:s30+$0x50]  }
0x256: {  	v46 =	vld [tilespmem:s30+$0xD0];
	v11 =	vmul.f32 v11, v10  }
0x257: {  	v48 =	vld [tilespmem:s30+$0x150]  }
0x258: {  	v51 =	vld [tilespmem:s30+$0x60];
	v11 =	vadd.f32 v11, v12  }
0x259: {  	v52 =	vld [tilespmem:s30+$0xE0];
	v13 =	vmul.f32 v13, v10  }
0x25a: {  	v14 =	vmul.f32 v14, v10;
	[tilespmem:s30+$0x180] =	vst v11;
	v11 =	vld [tilespmem:s30+$0x190]  }
0x25b: {  	v13 =	vadd.f32 v13, v12;
	v15 =	vld [tilespmem:$0x18390]  }
0x25c: {  	v54 =	vld [tilespmem:s30+$0x160];
	v14 =	vadd.f32 v14, v12  }
0x25d: {  	v16 =	vmul.f32 v16, v10;
	[tilespmem:s30+$0xFFFFFE80] =	vst v13;
	v17 =	vld [tilespmem:$0x18410]  }
0x25e: {  	[tilespmem:s30+$0xFFFFFF00] =	vst v14;
	v14 =	vmul.f32 v18, v10;
	v18 =	vld [tilespmem:s30+$0x1A0]  }
0x25f: {  	v16 =	vadd.f32 v16, v12;
	v13 =	vld [tilespmem:$0x18390]  }
0x260: {  	v11 =	vmul.f32 v15, v11;
	v15 =	vld [tilespmem:s30+$0x100]  }
0x261: {  	[tilespmem:s30+$0xFFFFFF80] =	vst v16;
	v27 =	vld [tilespmem:$0x18410]  }
0x262: {  	v28 =	vld [tilespmem:$0x18410];
	v11 =	vadd.f32 v17, v11  }
0x263: {  	v58 =	vld [tilespmem:s30+$0xFFFFFFF0]  }
0x264: {  	v17 =	vld [tilespmem:$0x18390];
	[tilespmem:s30+$0x190] =	vst v11  }
0x265: {  	v14 =	vadd.f32 v14, v12;
	v11 =	vmul.f32 v19, v10;
	v15 =	vmul.f32 v15, v10;
	v16 =	vld [tilespmem:$0x183A0]  }
0x266: {  	v19 =	vld [tilespmem:$0x18390]  }
0x267: {  	[tilespmem:s30+$0x0] =	vst v14;
	v10 =	vmul.f32 v10, v20;
	v11 =	vadd.f32 v11, v12;
	v14 =	vadd.f32 v15, v12;
	v15 =	vld [tilespmem:$0x18420]  }
0x268: {  	v20 =	vld [tilespmem:s30+$0xFFFFFF10]  }
0x269: {  	v10 =	vadd.f32 v12, v10;
	v12 =	vld [tilespmem:$0x18390];
	[tilespmem:s30+$0x80] =	vst v11  }
0x26a: {  	v11 =	vld [tilespmem:$0x18390];
	[tilespmem:s30+$0x100] =	vst v14;
	v14 =	vmul.f32 v16, v18  }
0x26b: {  	v19 =	vmul.f32 v19, v22;
	v22 =	vld [tilespmem:s30+$0xFFFFFFA0]  }
0x26c: {  	[tilespmem:s30+$0xFFFFFE00] =	vst v10;
	v10 =	vld [tilespmem:$0x18390];
	v14 =	vadd.f32 v15, v14  }
0x26d: {  	v15 =	vld [tilespmem:s30+$0xFFFFFE90]  }
0x26e: {  	[tilespmem:s30+$0x1A0] =	vst v14;
	v14 =	vld [tilespmem:s30+$0x1B0]  }
0x26f: {  	v21 =	vld [tilespmem:$0x183B0]  }
0x270: {  	v16 =	vld [tilespmem:$0x18390]  }
0x271: {  	v23 =	vld [tilespmem:$0x18430]  }
0x272: {  	v13 =	vmul.f32 v13, v15;
	v15 =	vld [tilespmem:$0x18410]  }
0x273: {  	v18 =	vld [tilespmem:s30+$0xFFFFFE10]  }
0x274: {  	v57 =	vld [tilespmem:s30+$0xFFFFFE70];
	v13 =	vadd.f32 v27, v13;
	v14 =	vmul.f32 v21, v14  }
0x275: {  	v12 =	vmul.f32 v12, v24;
	v21 =	vld [tilespmem:$0x18410]  }
0x276: {  	[tilespmem:s30+$0xFFFFFE90] =	vst v13;
	v13 =	vadd.f32 v28, v19;
	v14 =	vadd.f32 v23, v14;
	v23 =	vld [tilespmem:$0x18410]  }
0x277: {  	v12 =	vadd.f32 v15, v12;
	v15 =	vld [tilespmem:$0x183A0]  }
0x278: {  	v63 =	vld [tilespmem:$0x18420];
	[tilespmem:s30+$0xFFFFFF90] =	vst v13  }
0x279: {  	[tilespmem:s30+$0x1B0] =	vst v14;
	v14 =	vld [tilespmem:s30+$0x1C0]  }
0x27a: {  	[tilespmem:s30+$0x10] =	vst v12;
	v12 =	vld [tilespmem:$0x183A0]  }
0x27b: {  	v16 =	vmul.f32 v16, v18;
	v30 =	vld [tilespmem:$0x18420]  }
0x27c: {  	v18 =	vld [tilespmem:$0x183C0]  }
0x27d: {  	v17 =	vmul.f32 v17, v20;
	v16 =	vadd.f32 v21, v16;
	v20 =	vld [tilespmem:$0x18440]  }
0x27e: {  	v21 =	vld [tilespmem:$0x18410]  }
0x27f: {  	[tilespmem:s30+$0xFFFFFE10] =	vst v16;
	v16 =	vld [tilespmem:$0x18410]  }
0x280: {  	v17 =	vadd.f32 v23, v17;
	v23 =	vld [tilespmem:s30+$0x20]  }
0x281: {  	v19 =	vld [tilespmem:$0x183A0]  }
0x282: {  	v62 =	vld [tilespmem:$0x18420]  }
0x283: {  	[tilespmem:s30+$0xFFFFFF10] =	vst v17;
	v17 =	vld [tilespmem:$0x183A0];
	v14 =	vmul.f32 v18, v14  }
0x284: {  	v11 =	vmul.f32 v11, v25;
	v12 =	vmul.f32 v12, v22;
	v22 =	vld [tilespmem:s30+$0xFFFFFF30]  }
0x285: {  	v13 =	vld [tilespmem:$0x183A0];
	v14 =	vadd.f32 v20, v14  }
0x286: {  	v10 =	vmul.f32 v10, v26;
	v11 =	vadd.f32 v21, v11;
	v21 =	vld [tilespmem:s30+$0xFFFFFEA0]  }
0x287: {  	[tilespmem:s30+$0x1C0] =	vst v14;
	v14 =	vld [tilespmem:s30+$0x1D0]  }
0x288: {  	v10 =	vadd.f32 v16, v10;
	[tilespmem:s30+$0x90] =	vst v11;
	v11 =	vld [tilespmem:$0x183D0]  }
0x289: {  	v29 =	vld [tilespmem:$0x18420]  }
0x28a: {  	[tilespmem:s30+$0x110] =	vst v10;
	v10 =	vld [tilespmem:$0x18450]  }
0x28b: {  	v16 =	vld [tilespmem:$0x183A0]  }
0x28c: {  	v20 =	vld [tilespmem:s30+$0xFFFFFE20]  }
0x28d: {  	v18 =	vld [tilespmem:$0x183A0];
	v11 =	vmul.f32 v11, v14  }
0x28e: {  	v14 =	vld [tilespmem:s30+$0xFFFFFF20]  }
0x28f: {  	v15 =	vmul.f32 v15, v21;
	v21 =	vld [tilespmem:$0x18420];
	v10 =	vadd.f32 v10, v11  }
0x290: {  	v16 =	vmul.f32 v16, v59;
	v59 =	vld [tilespmem:s30+$0x70]  }
0x291: {  	[tilespmem:s30+$0x1D0] =	vst v10;
	v10 =	vld [tilespmem:s30+$0x1E0]  }
0x292: {  	v11 =	vld [tilespmem:$0x183E0]  }
0x293: {  	v18 =	vmul.f32 v18, v60;
	v60 =	vld [tilespmem:s30+$0xF0];
	v13 =	vmul.f32 v13, v14;
	v14 =	vadd.f32 v63, v15  }
0x294: {  	v61 =	vld [tilespmem:$0x18460]  }
0x295: {  	v15 =	vmul.f32 v17, v23;
	v23 =	vld [tilespmem:s30+$0xFFFFFFB0];
	[tilespmem:s30+$0xFFFFFEA0] =	vst v14  }
0x296: {  	v14 =	vadd.f32 v30, v12;
	v37 =	vld [tilespmem:$0x18430]  }
0x297: {  	v10 =	vmul.f32 v11, v10;
	v11 =	vmul.f32 v19, v20;
	v19 =	vld [tilespmem:$0x18420]  }
0x298: {  	[tilespmem:s30+$0xFFFFFFA0] =	vst v14;
	v20 =	vld [tilespmem:$0x18420]  }
0x299: {  	v38 =	vld [tilespmem:$0x18430];
	v10 =	vadd.f32 v61, v10  }
0x29a: {  	v11 =	vadd.f32 v62, v11;
	v61 =	vld [tilespmem:s30+$0x170]  }
0x29b: {  	[tilespmem:s30+$0x1E0] =	vst v10;
	v10 =	vld [tilespmem:s30+$0x1F0]  }
0x29c: {  	[tilespmem:s30+$0xFFFFFE20] =	vst v11;
	v11 =	vld [tilespmem:$0x183F0]  }
0x29d: {  	v13 =	vadd.f32 v29, v13;
	v17 =	vld [tilespmem:$0x183B0]  }
0x29e: {  	v12 =	vld [tilespmem:$0x18470]  }
0x29f: {  	[tilespmem:s30+$0xFFFFFF20] =	vst v13;
	v13 =	vadd.f32 v19, v15;
	v15 =	vld [tilespmem:$0x183B0]  }
0x2a0: {  	v14 =	vadd.f32 v20, v16;
	v16 =	vld [tilespmem:$0x183B0]  }
0x2a1: {  	v20 =	vld [tilespmem:s30+$0xFFFFFE30]  }
0x2a2: {  	v35 =	vld [tilespmem:$0x18430]  }
0x2a3: {  	[tilespmem:s30+$0x20] =	vst v13;
	v13 =	vadd.f32 v21, v18;
	v18 =	vld [tilespmem:$0x183B0]  }
0x2a4: {  	v21 =	vld [tilespmem:s30+$0xFFFFFEB0]  }
0x2a5: {  	[tilespmem:s30+$0xA0] =	vst v14;
	v14 =	vld [tilespmem:$0x183B0]  }
0x2a6: {  	[tilespmem:s30+$0x120] =	vst v13;
	v13 =	vld [tilespmem:$0x183B0]  }
0x2a7: {  	v19 =	vld [tilespmem:$0x183B0]  }
0x2a8: {  	v17 =	vmul.f32 v17, v20;
	v20 =	vld [tilespmem:$0x18430]  }
0x2a9: {  	v16 =	vmul.f32 v16, v22;
	v22 =	vld [tilespmem:$0x18430]  }
0x2aa: {  	v15 =	vmul.f32 v15, v21;
	v21 =	vld [tilespmem:$0x18430];
	v17 =	vadd.f32 v35, v17  }
0x2ab: {  	v18 =	vmul.f32 v18, v23;
	v23 =	vld [tilespmem:$0x18430]  }
0x2ac: {  	[tilespmem:s30+$0xFFFFFE30] =	vst v17;
	v17 =	vld [tilespmem:s30+$0xFFFFFE40]  }
0x2ad: {  	v15 =	vadd.f32 v37, v15;
	v13 =	vmul.f32 v13, v34;
	v16 =	vadd.f32 v20, v16;
	v20 =	vld [tilespmem:$0x183C0]  }
0x2ae: {  	v41 =	vld [tilespmem:$0x18440]  }
0x2af: {  	v14 =	vmul.f32 v14, v33;
	[tilespmem:s30+$0xFFFFFEB0] =	vst v15;
	v13 =	vadd.f32 v22, v13;
	v22 =	vld [tilespmem:s30+$0xFFFFFF40]  }
0x2b0: {  	v15 =	vadd.f32 v38, v18;
	v18 =	vmul.f32 v19, v36;
	v19 =	vld [tilespmem:$0x183C0]  }
0x2b1: {  	v14 =	vadd.f32 v21, v14;
	v21 =	vld [tilespmem:s30+$0xFFFFFEC0]  }
0x2b2: {  	[tilespmem:s30+$0xFFFFFF30] =	vst v16;
	v43 =	vld [tilespmem:$0x18440]  }
0x2b3: {  	v16 =	vld [tilespmem:$0x183C0];
	[tilespmem:s30+$0xFFFFFFB0] =	vst v15  }
0x2b4: {  	[tilespmem:s30+$0xB0] =	vst v13;
	v15 =	vld [tilespmem:$0x183C0]  }
0x2b5: {  	v13 =	vld [tilespmem:$0x183C0]  }
0x2b6: {  	[tilespmem:s30+$0x30] =	vst v14;
	v14 =	vadd.f32 v23, v18;
	v23 =	vld [tilespmem:s30+$0xFFFFFFC0]  }
0x2b7: {  	v44 =	vld [tilespmem:$0x18440]  }
0x2b8: {  	v18 =	vld [tilespmem:$0x183C0]  }
0x2b9: {  	v17 =	vmul.f32 v20, v17;
	v20 =	vld [tilespmem:$0x18440];
	[tilespmem:s30+$0x130] =	vst v14  }
0x2ba: {  	v14 =	vld [tilespmem:$0x183C0]  }
0x2bb: {  	v19 =	vmul.f32 v19, v21;
	v21 =	vld [tilespmem:$0x18440]  }
0x2bc: {  	v17 =	vadd.f32 v41, v17;
	v16 =	vmul.f32 v16, v22;
	v22 =	vld [tilespmem:$0x18440]  }
0x2bd: {  	v15 =	vmul.f32 v15, v23;
	v23 =	vld [tilespmem:$0x18440]  }
0x2be: {  	v19 =	vadd.f32 v43, v19;
	[tilespmem:s30+$0xFFFFFE40] =	vst v17;
	v17 =	vmul.f32 v18, v39;
	v18 =	vld [tilespmem:s30+$0xFFFFFE50]  }
0x2bf: {  	v16 =	vadd.f32 v20, v16;
	v20 =	vld [tilespmem:$0x183D0]  }
0x2c0: {  	v47 =	vld [tilespmem:$0x18450];
	[tilespmem:s30+$0xFFFFFEC0] =	vst v19  }
0x2c1: {  	v19 =	vld [tilespmem:$0x183D0]  }
0x2c2: {  	[tilespmem:s30+$0xFFFFFF40] =	vst v16;
	v16 =	vadd.f32 v21, v17;
	v21 =	vld [tilespmem:s30+$0xFFFFFED0]  }
0x2c3: {  	v13 =	vmul.f32 v13, v40;
	v15 =	vadd.f32 v44, v15;
	v49 =	vld [tilespmem:$0x18450]  }
0x2c4: {  	v17 =	vld [tilespmem:$0x183D0]  }
0x2c5: {  	v14 =	vmul.f32 v14, v42;
	[tilespmem:s30+$0xFFFFFFC0] =	vst v15;
	v13 =	vadd.f32 v22, v13;
	v22 =	vld [tilespmem:s30+$0xFFFFFF50]  }
0x2c6: {  	v15 =	vld [tilespmem:$0x183D0]  }
0x2c7: {  	v14 =	vadd.f32 v23, v14;
	v23 =	vld [tilespmem:s30+$0xFFFFFFD0]  }
0x2c8: {  	[tilespmem:s30+$0x40] =	vst v16;
	v50 =	vld [tilespmem:$0x18450]  }
0x2c9: {  	v16 =	vld [tilespmem:$0x183D0]  }
0x2ca: {  	[tilespmem:s30+$0xC0] =	vst v13;
	v18 =	vmul.f32 v20, v18;
	v20 =	vld [tilespmem:$0x18450]  }
0x2cb: {  	v13 =	vld [tilespmem:$0x183D0];
	[tilespmem:s30+$0x140] =	vst v14  }
0x2cc: {  	v14 =	vld [tilespmem:$0x183D0]  }
0x2cd: {  	v19 =	vmul.f32 v19, v21;
	v21 =	vld [tilespmem:$0x18450]  }
0x2ce: {  	v18 =	vadd.f32 v47, v18;
	v17 =	vmul.f32 v17, v22;
	v22 =	vld [tilespmem:$0x18450]  }
0x2cf: {  	v15 =	vmul.f32 v15, v23;
	v23 =	vld [tilespmem:$0x18450]  }
0x2d0: {  	v19 =	vadd.f32 v49, v19;
	[tilespmem:s30+$0xFFFFFE50] =	vst v18;
	v18 =	vld [tilespmem:s30+$0xFFFFFE60]  }
0x2d1: {  	v17 =	vadd.f32 v20, v17;
	v20 =	vld [tilespmem:$0x183E0]  }
0x2d2: {  	v16 =	vmul.f32 v16, v45;
	v53 =	vld [tilespmem:$0x18460];
	[tilespmem:s30+$0xFFFFFED0] =	vst v19  }
0x2d3: {  	v19 =	vld [tilespmem:$0x183E0]  }
0x2d4: {  	v16 =	vadd.f32 v21, v16;
	v21 =	vld [tilespmem:s30+$0xFFFFFEE0]  }
0x2d5: {  	v13 =	vmul.f32 v13, v46;
	v15 =	vadd.f32 v50, v15;
	[tilespmem:s30+$0xFFFFFF50] =	vst v17;
	v55 =	vld [tilespmem:$0x18460]  }
0x2d6: {  	v17 =	vld [tilespmem:$0x183E0]  }
0x2d7: {  	v14 =	vmul.f32 v14, v48;
	[tilespmem:s30+$0xFFFFFFD0] =	vst v15;
	v13 =	vadd.f32 v22, v13;
	v22 =	vld [tilespmem:s30+$0xFFFFFF60]  }
0x2d8: {  	v15 =	vld [tilespmem:$0x183E0]  }
0x2d9: {  	v14 =	vadd.f32 v23, v14;
	v23 =	vld [tilespmem:s30+$0xFFFFFFE0]  }
0x2da: {  	[tilespmem:s30+$0x50] =	vst v16;
	v56 =	vld [tilespmem:$0x18460]  }
0x2db: {  	v16 =	vld [tilespmem:$0x183E0]  }
0x2dc: {  	[tilespmem:s30+$0xD0] =	vst v13;
	v18 =	vmul.f32 v20, v18;
	v20 =	vld [tilespmem:$0x18460]  }
0x2dd: {  	v13 =	vld [tilespmem:$0x183E0];
	[tilespmem:s30+$0x150] =	vst v14  }
0x2de: {  	v14 =	vld [tilespmem:$0x183E0]  }
0x2df: {  	v19 =	vmul.f32 v19, v21;
	v18 =	vadd.f32 v53, v18;
	v21 =	vld [tilespmem:$0x18460]  }
0x2e0: {  	v17 =	vmul.f32 v17, v22;
	v22 =	vld [tilespmem:$0x18460]  }
0x2e1: {  	v15 =	vmul.f32 v15, v23;
	v19 =	vadd.f32 v55, v19;
	v23 =	vld [tilespmem:$0x18460];
	[tilespmem:s30+$0xFFFFFE60] =	vst v18  }
0x2e2: {  	v17 =	vadd.f32 v20, v17;
	v20 =	vld [tilespmem:$0x183F0]  }
0x2e3: {  	v62 =	vld [tilespmem:$0x18470];
	[tilespmem:s30+$0xFFFFFEE0] =	vst v19  }
0x2e4: {  	v16 =	vmul.f32 v16, v51;
	v15 =	vadd.f32 v56, v15;
	v19 =	vld [tilespmem:$0x183F0]  }
0x2e5: {  	[tilespmem:s30+$0xFFFFFF60] =	vst v17;
	v63 =	vld [tilespmem:$0x18470]  }
0x2e6: {  	v13 =	vmul.f32 v13, v52;
	v14 =	vmul.f32 v14, v54;
	v16 =	vadd.f32 v21, v16;
	v17 =	vld [tilespmem:$0x183F0];
	[tilespmem:s30+$0xFFFFFFE0] =	vst v15  }
0x2e7: {  	v15 =	vld [tilespmem:$0x183F0]  }
0x2e8: {  	v13 =	vadd.f32 v22, v13;
	[tilespmem:s30+$0x60] =	vst v16;
	v14 =	vadd.f32 v23, v14;
	v23 =	vld [tilespmem:s30+$0xFFFFFF70]  }
0x2e9: {  	v16 =	vld [tilespmem:$0x183F0]  }
0x2ea: {  	[tilespmem:s30+$0xE0] =	vst v13;
	v13 =	vld [tilespmem:s30+$0xFFFFFEF0]  }
0x2eb: {  	v21 =	vld [tilespmem:$0x183F0];
	[tilespmem:s30+$0x160] =	vst v14  }
0x2ec: {  	v22 =	vld [tilespmem:$0x183F0]  }
0x2ed: {  	v10 =	vmul.f32 v11, v10;
	v18 =	vld [tilespmem:$0x18470]  }
0x2ee: {  	v20 =	vmul.f32 v20, v57;
	v14 =	vld [tilespmem:$0x18470];
	v17 =	vmul.f32 v17, v23  }
0x2ef: {  	v11 =	vadd.f32 v12, v10;
	v19 =	vmul.f32 v19, v13;
	v13 =	vmul.f32 v15, v58;
	v15 =	vld [tilespmem:$0x18470]  }
0x2f0: {  	v12 =	vmul.f32 v16, v59;
	v16 =	vld [tilespmem:$0x18470];
	v10 =	vmul.f32 v21, v60;
	v21 =	vadd.f32 v62, v20  }
0x2f1: {  	s0 =	simm.s32 $0x0;
	s31 =	simm.s32 $0x200;
	[tilespmem:s30+$0x1F0] =	vst v11;
	v11 =	vmul.f32 v22, v61;
	v20 =	vadd.f32 v63, v19;
	v19 =	vld [tilespmem:$0x18470]  }
.LBB2_33:
0x2f2: {  	v22 =	vld [tilespmem:$0x18380];
	[tilespmem:s30+$0xFFFFFE70] =	vst v21;
	v17 =	vadd.f32 v18, v17;
	s31 =	sadd.s32 $0x400, s31  }
0x2f3: {  	s0 =	sadd.s32 $0x8, s0;
	v18 =	vld [tilespmem:s31+$0x180];
	[tilespmem:s30+$0xFFFFFEF0] =	vst v20;
	v13 =	vadd.f32 v14, v13  }
0x2f4: {  	p0 =	slt.u32 s0, $0xF8;
	v14 =	vld [tilespmem:s31+$0xFFFFFE80];
	[tilespmem:s30+$0xFFFFFF70] =	vst v17;
	v12 =	vadd.f32 v15, v12  }
0x2f5: {  	v15 =	vld [tilespmem:$0x18400];
	[tilespmem:s30+$0xFFFFFFF0] =	vst v13;
	v10 =	vadd.f32 v16, v10  }
0x2f6: {  	v13 =	vld [tilespmem:s31+$0xFFFFFF00];
	[tilespmem:s30+$0x70] =	vst v12;
	v11 =	vadd.f32 v19, v11  }
0x2f7: {  	v12 =	vld [tilespmem:s31+$0xFFFFFF80];
	[tilespmem:s30+$0xF0] =	vst v10  }
0x2f8: {  	v10 =	vld [tilespmem:s31+$0x0];
	v16 =	vmul.f32 v18, v22;
	[tilespmem:s30+$0x170] =	vst v11;
	s30 =	smov.u32 s31  }
0x2f9: {  	v11 =	vmul.f32 v14, v22;
	v14 =	vld [tilespmem:s31+$0x80]  }
0x2fa: {  	v17 =	vld [tilespmem:s31+$0x100];
	v16 =	vadd.f32 v16, v15  }
0x2fb: {  	v18 =	vld [tilespmem:s31+$0xFFFFFE00];
	v11 =	vadd.f32 v11, v15;
	v13 =	vmul.f32 v13, v22  }
0x2fc: {  	v12 =	vmul.f32 v12, v22;
	[tilespmem:s31+$0x180] =	vst v16;
	v16 =	vld [tilespmem:s31+$0x190]  }
0x2fd: {  	[tilespmem:s31+$0xFFFFFE80] =	vst v11;
	v11 =	vadd.f32 v13, v15;
	v10 =	vmul.f32 v10, v22;
	v13 =	vld [tilespmem:$0x18390]  }
0x2fe: {  	v19 =	vld [tilespmem:$0x18390];
	v12 =	vadd.f32 v12, v15;
	v14 =	vmul.f32 v14, v22  }
0x2ff: {  	[tilespmem:s31+$0xFFFFFF00] =	vst v11;
	v10 =	vadd.f32 v10, v15;
	v11 =	vmul.f32 v17, v22;
	v17 =	vld [tilespmem:$0x18410]  }
0x300: {  	v18 =	vmul.f32 v22, v18;
	v20 =	vld [tilespmem:$0x18390];
	[tilespmem:s31+$0xFFFFFF80] =	vst v12;
	v12 =	vadd.f32 v14, v15  }
0x301: {  	v14 =	vld [tilespmem:$0x18390];
	[tilespmem:s31+$0x0] =	vst v10;
	v10 =	vadd.f32 v11, v15  }
0x302: {  	v11 =	vadd.f32 v15, v18;
	v15 =	vld [tilespmem:$0x18390];
	[tilespmem:s31+$0x80] =	vst v12;
	v12 =	vmul.f32 v13, v16  }
0x303: {  	v13 =	vld [tilespmem:$0x18390];
	[tilespmem:s31+$0x100] =	vst v10  }
0x304: {  	[tilespmem:s31+$0xFFFFFE00] =	vst v11;
	v10 =	vld [tilespmem:$0x18390];
	v11 =	vadd.f32 v17, v12  }
0x305: {  	v12 =	vld [tilespmem:$0x18390]  }
0x306: {  	[tilespmem:s31+$0x190] =	vst v11;
	v11 =	vld [tilespmem:s31+$0x1A0]  }
0x307: {  	v16 =	vld [tilespmem:$0x183A0]  }
0x308: {  	v17 =	vld [tilespmem:s31+$0xFFFFFE10]  }
0x309: {  	v18 =	vld [tilespmem:$0x18420]  }
0x30a: {  	v21 =	vld [tilespmem:s31+$0xFFFFFE90]  }
0x30b: {  	v22 =	vld [tilespmem:s31+$0xFFFFFF10]  }
0x30c: {  	v23 =	vld [tilespmem:s31+$0xFFFFFF90];
	v11 =	vmul.f32 v16, v11  }
0x30d: {  	v12 =	vmul.f32 v12, v17;
	v16 =	vld [tilespmem:s31+$0x10]  }
0x30e: {  	v17 =	vld [tilespmem:s31+$0x90];
	v11 =	vadd.f32 v18, v11  }
0x30f: {  	v18 =	vmul.f32 v19, v21;
	v19 =	vld [tilespmem:s31+$0x110]  }
0x310: {  	v20 =	vmul.f32 v20, v22;
	[tilespmem:s31+$0x1A0] =	vst v11;
	v11 =	vld [tilespmem:s31+$0x1B0]  }
0x311: {  	v14 =	vmul.f32 v14, v23;
	v21 =	vld [tilespmem:$0x183B0]  }
0x312: {  	v22 =	vld [tilespmem:$0x18410];
	v15 =	vmul.f32 v15, v16  }
0x313: {  	v13 =	vmul.f32 v13, v17;
	v16 =	vld [tilespmem:$0x18430]  }
0x314: {  	v17 =	vld [tilespmem:$0x18410];
	v10 =	vmul.f32 v10, v19  }
0x315: {  	v19 =	vld [tilespmem:$0x18410]  }
0x316: {  	v23 =	vld [tilespmem:$0x18410];
	v11 =	vmul.f32 v21, v11  }
0x317: {  	v12 =	vadd.f32 v22, v12;
	v21 =	vld [tilespmem:$0x18410]  }
0x318: {  	v22 =	vld [tilespmem:$0x18410];
	v11 =	vadd.f32 v16, v11  }
0x319: {  	[tilespmem:s31+$0xFFFFFE10] =	vst v12;
	v12 =	vadd.f32 v17, v18;
	v16 =	vld [tilespmem:$0x18410]  }
0x31a: {  	v17 =	vadd.f32 v19, v20;
	[tilespmem:s31+$0x1B0] =	vst v11;
	v11 =	vld [tilespmem:s31+$0x1C0]  }
0x31b: {  	[tilespmem:s31+$0xFFFFFE90] =	vst v12;
	v12 =	vadd.f32 v23, v14;
	v14 =	vld [tilespmem:$0x183C0]  }
0x31c: {  	v18 =	vld [tilespmem:$0x183A0];
	[tilespmem:s31+$0xFFFFFF10] =	vst v17;
	v15 =	vadd.f32 v21, v15  }
0x31d: {  	[tilespmem:s31+$0xFFFFFF90] =	vst v12;
	v12 =	vadd.f32 v22, v13;
	v13 =	vld [tilespmem:$0x18440]  }
0x31e: {  	v17 =	vld [tilespmem:$0x183A0];
	[tilespmem:s31+$0x10] =	vst v15;
	v10 =	vadd.f32 v16, v10  }
0x31f: {  	v15 =	vld [tilespmem:$0x183A0];
	[tilespmem:s31+$0x90] =	vst v12  }
0x320: {  	v12 =	vld [tilespmem:$0x183A0];
	[tilespmem:s31+$0x110] =	vst v10;
	v10 =	vmul.f32 v14, v11  }
0x321: {  	v11 =	vld [tilespmem:$0x183A0]  }
0x322: {  	v14 =	vld [tilespmem:$0x183A0];
	v10 =	vadd.f32 v13, v10  }
0x323: {  	v13 =	vld [tilespmem:$0x183A0]  }
0x324: {  	[tilespmem:s31+$0x1C0] =	vst v10;
	v10 =	vld [tilespmem:s31+$0x1D0]  }
0x325: {  	v16 =	vld [tilespmem:$0x183D0]  }
0x326: {  	v19 =	vld [tilespmem:s31+$0xFFFFFE20]  }
0x327: {  	v20 =	vld [tilespmem:$0x18450]  }
0x328: {  	v21 =	vld [tilespmem:s31+$0xFFFFFEA0]  }
0x329: {  	v22 =	vld [tilespmem:s31+$0xFFFFFF20]  }
0x32a: {  	v23 =	vld [tilespmem:s31+$0xFFFFFFA0];
	v10 =	vmul.f32 v16, v10  }
0x32b: {  	v16 =	vmul.f32 v18, v19;
	v18 =	vld [tilespmem:s31+$0x20]  }
0x32c: {  	v19 =	vld [tilespmem:s31+$0xA0];
	v10 =	vadd.f32 v20, v10  }
0x32d: {  	v17 =	vmul.f32 v17, v21;
	v20 =	vld [tilespmem:s31+$0x120]  }
0x32e: {  	v15 =	vmul.f32 v15, v22;
	[tilespmem:s31+$0x1D0] =	vst v10;
	v10 =	vld [tilespmem:s31+$0x1E0]  }
0x32f: {  	v12 =	vmul.f32 v12, v23;
	v21 =	vld [tilespmem:$0x183E0]  }
0x330: {  	v22 =	vld [tilespmem:$0x18420];
	v11 =	vmul.f32 v11, v18  }
0x331: {  	v14 =	vmul.f32 v14, v19;
	v18 =	vld [tilespmem:$0x18460]  }
0x332: {  	v19 =	vld [tilespmem:$0x18420];
	v13 =	vmul.f32 v13, v20  }
0x333: {  	v20 =	vld [tilespmem:$0x18420]  }
0x334: {  	v23 =	vld [tilespmem:$0x18420];
	v10 =	vmul.f32 v21, v10  }
0x335: {  	v16 =	vadd.f32 v22, v16;
	v21 =	vld [tilespmem:$0x18420]  }
0x336: {  	v22 =	vld [tilespmem:$0x18420];
	v10 =	vadd.f32 v18, v10  }
0x337: {  	[tilespmem:s31+$0xFFFFFE20] =	vst v16;
	v16 =	vadd.f32 v19, v17;
	v17 =	vld [tilespmem:$0x18420]  }
0x338: {  	v15 =	vadd.f32 v20, v15;
	[tilespmem:s31+$0x1E0] =	vst v10;
	v10 =	vld [tilespmem:s31+$0x1F0]  }
0x339: {  	[tilespmem:s31+$0xFFFFFEA0] =	vst v16;
	v12 =	vadd.f32 v23, v12;
	v16 =	vld [tilespmem:$0x183F0]  }
0x33a: {  	v18 =	vld [tilespmem:$0x183B0];
	[tilespmem:s31+$0xFFFFFF20] =	vst v15;
	v11 =	vadd.f32 v21, v11  }
0x33b: {  	[tilespmem:s31+$0xFFFFFFA0] =	vst v12;
	v12 =	vadd.f32 v22, v14;
	v14 =	vld [tilespmem:$0x18470]  }
0x33c: {  	v15 =	vld [tilespmem:$0x183B0];
	[tilespmem:s31+$0x20] =	vst v11;
	v11 =	vadd.f32 v17, v13  }
0x33d: {  	v13 =	vld [tilespmem:$0x183B0];
	[tilespmem:s31+$0xA0] =	vst v12  }
0x33e: {  	v12 =	vld [tilespmem:$0x183B0];
	[tilespmem:s31+$0x120] =	vst v11;
	v10 =	vmul.f32 v16, v10  }
0x33f: {  	v11 =	vld [tilespmem:$0x183B0]  }
0x340: {  	v16 =	vld [tilespmem:$0x183B0];
	v10 =	vadd.f32 v14, v10  }
0x341: {  	v14 =	vld [tilespmem:$0x183B0]  }
0x342: {  	v17 =	vld [tilespmem:s31+$0xFFFFFE30];
	[tilespmem:s31+$0x1F0] =	vst v10  }
0x343: {  	v10 =	vld [tilespmem:s31+$0xFFFFFEB0]  }
0x344: {  	v19 =	vld [tilespmem:s31+$0xFFFFFF30]  }
0x345: {  	v20 =	vld [tilespmem:s31+$0xFFFFFFB0]  }
0x346: {  	v21 =	vld [tilespmem:s31+$0x30]  }
0x347: {  	v17 =	vmul.f32 v18, v17;
	v18 =	vld [tilespmem:s31+$0xB0]  }
0x348: {  	v10 =	vmul.f32 v15, v10;
	v15 =	vld [tilespmem:s31+$0x130]  }
0x349: {  	v22 =	vld [tilespmem:$0x18430];
	v13 =	vmul.f32 v13, v19  }
0x34a: {  	v19 =	vld [tilespmem:$0x18430];
	v12 =	vmul.f32 v12, v20  }
0x34b: {  	v20 =	vld [tilespmem:$0x18430];
	v11 =	vmul.f32 v11, v21  }
0x34c: {  	v21 =	vld [tilespmem:$0x18430];
	v16 =	vmul.f32 v16, v18  }
0x34d: {  	v18 =	vld [tilespmem:$0x18430];
	v14 =	vmul.f32 v14, v15  }
0x34e: {  	v15 =	vadd.f32 v22, v17;
	v17 =	vld [tilespmem:$0x18430]  }
0x34f: {  	v10 =	vadd.f32 v19, v10;
	v19 =	vld [tilespmem:$0x18430]  }
0x350: {  	[tilespmem:s31+$0xFFFFFE30] =	vst v15;
	v15 =	vld [tilespmem:s31+$0xFFFFFE40];
	v13 =	vadd.f32 v20, v13  }
0x351: {  	v20 =	vld [tilespmem:$0x183C0];
	[tilespmem:s31+$0xFFFFFEB0] =	vst v10;
	v10 =	vadd.f32 v21, v12  }
0x352: {  	v12 =	vld [tilespmem:$0x183C0];
	[tilespmem:s31+$0xFFFFFF30] =	vst v13;
	v11 =	vadd.f32 v18, v11  }
0x353: {  	v13 =	vld [tilespmem:$0x183C0];
	[tilespmem:s31+$0xFFFFFFB0] =	vst v10;
	v10 =	vadd.f32 v17, v16  }
0x354: {  	v16 =	vld [tilespmem:$0x183C0];
	[tilespmem:s31+$0x30] =	vst v11;
	v11 =	vadd.f32 v19, v14  }
0x355: {  	v14 =	vld [tilespmem:$0x183C0];
	[tilespmem:s31+$0xB0] =	vst v10  }
0x356: {  	v10 =	vmul.f32 v20, v15;
	v15 =	vld [tilespmem:$0x183C0];
	[tilespmem:s31+$0x130] =	vst v11  }
0x357: {  	v11 =	vld [tilespmem:$0x183C0]  }
0x358: {  	v17 =	vld [tilespmem:s31+$0xFFFFFEC0]  }
0x359: {  	v18 =	vld [tilespmem:s31+$0xFFFFFF40]  }
0x35a: {  	v19 =	vld [tilespmem:s31+$0xFFFFFFC0]  }
0x35b: {  	v20 =	vld [tilespmem:s31+$0x40]  }
0x35c: {  	v21 =	vld [tilespmem:s31+$0xC0]  }
0x35d: {  	v12 =	vmul.f32 v12, v17;
	v17 =	vld [tilespmem:s31+$0x140]  }
0x35e: {  	v22 =	vld [tilespmem:$0x18440];
	v13 =	vmul.f32 v13, v18  }
0x35f: {  	v18 =	vld [tilespmem:$0x18440];
	v16 =	vmul.f32 v16, v19  }
0x360: {  	v19 =	vld [tilespmem:$0x18440];
	v14 =	vmul.f32 v14, v20  }
0x361: {  	v20 =	vld [tilespmem:$0x18440];
	v15 =	vmul.f32 v15, v21  }
0x362: {  	v21 =	vld [tilespmem:$0x18440];
	v11 =	vmul.f32 v11, v17  }
0x363: {  	v10 =	vadd.f32 v22, v10;
	v17 =	vld [tilespmem:$0x18440]  }
0x364: {  	v12 =	vadd.f32 v18, v12;
	v18 =	vld [tilespmem:$0x18440]  }
0x365: {  	[tilespmem:s31+$0xFFFFFE40] =	vst v10;
	v10 =	vld [tilespmem:s31+$0xFFFFFE50];
	v13 =	vadd.f32 v19, v13  }
0x366: {  	v19 =	vld [tilespmem:$0x183D0];
	[tilespmem:s31+$0xFFFFFEC0] =	vst v12;
	v12 =	vadd.f32 v20, v16  }
0x367: {  	v16 =	vld [tilespmem:$0x183D0];
	[tilespmem:s31+$0xFFFFFF40] =	vst v13;
	v13 =	vadd.f32 v21, v14  }
0x368: {  	v14 =	vld [tilespmem:$0x183D0];
	[tilespmem:s31+$0xFFFFFFC0] =	vst v12;
	v12 =	vadd.f32 v17, v15  }
0x369: {  	v15 =	vld [tilespmem:$0x183D0];
	[tilespmem:s31+$0x40] =	vst v13;
	v11 =	vadd.f32 v18, v11  }
0x36a: {  	v13 =	vld [tilespmem:$0x183D0];
	[tilespmem:s31+$0xC0] =	vst v12  }
0x36b: {  	v10 =	vmul.f32 v19, v10;
	v12 =	vld [tilespmem:$0x183D0];
	[tilespmem:s31+$0x140] =	vst v11  }
0x36c: {  	v11 =	vld [tilespmem:$0x183D0]  }
0x36d: {  	v17 =	vld [tilespmem:s31+$0xFFFFFED0]  }
0x36e: {  	v18 =	vld [tilespmem:s31+$0xFFFFFF50]  }
0x36f: {  	v19 =	vld [tilespmem:s31+$0xFFFFFFD0]  }
0x370: {  	v20 =	vld [tilespmem:s31+$0x50]  }
0x371: {  	v21 =	vld [tilespmem:s31+$0xD0]  }
0x372: {  	v16 =	vmul.f32 v16, v17;
	v17 =	vld [tilespmem:s31+$0x150]  }
0x373: {  	v22 =	vld [tilespmem:$0x18450];
	v14 =	vmul.f32 v14, v18  }
0x374: {  	v18 =	vld [tilespmem:$0x18450];
	v15 =	vmul.f32 v15, v19  }
0x375: {  	v19 =	vld [tilespmem:$0x18450];
	v13 =	vmul.f32 v13, v20  }
0x376: {  	v20 =	vld [tilespmem:$0x18450];
	v12 =	vmul.f32 v12, v21  }
0x377: {  	v21 =	vld [tilespmem:$0x18450];
	v11 =	vmul.f32 v11, v17  }
0x378: {  	v10 =	vadd.f32 v22, v10;
	v17 =	vld [tilespmem:$0x18450]  }
0x379: {  	v16 =	vadd.f32 v18, v16;
	v18 =	vld [tilespmem:$0x18450]  }
0x37a: {  	[tilespmem:s31+$0xFFFFFE50] =	vst v10;
	v10 =	vld [tilespmem:s31+$0xFFFFFE60];
	v14 =	vadd.f32 v19, v14  }
0x37b: {  	v19 =	vld [tilespmem:$0x183E0];
	[tilespmem:s31+$0xFFFFFED0] =	vst v16;
	v15 =	vadd.f32 v20, v15  }
0x37c: {  	v16 =	vld [tilespmem:$0x183E0];
	[tilespmem:s31+$0xFFFFFF50] =	vst v14;
	v13 =	vadd.f32 v21, v13  }
0x37d: {  	v14 =	vld [tilespmem:$0x183E0];
	[tilespmem:s31+$0xFFFFFFD0] =	vst v15;
	v12 =	vadd.f32 v17, v12  }
0x37e: {  	v15 =	vld [tilespmem:$0x183E0];
	[tilespmem:s31+$0x50] =	vst v13;
	v11 =	vadd.f32 v18, v11  }
0x37f: {  	v13 =	vld [tilespmem:$0x183E0];
	[tilespmem:s31+$0xD0] =	vst v12  }
0x380: {  	v10 =	vmul.f32 v19, v10;
	v12 =	vld [tilespmem:$0x183E0];
	[tilespmem:s31+$0x150] =	vst v11  }
0x381: {  	v11 =	vld [tilespmem:$0x183E0]  }
0x382: {  	v17 =	vld [tilespmem:s31+$0xFFFFFEE0]  }
0x383: {  	v18 =	vld [tilespmem:s31+$0xFFFFFF60]  }
0x384: {  	v19 =	vld [tilespmem:s31+$0xFFFFFFE0]  }
0x385: {  	v20 =	vld [tilespmem:s31+$0x60]  }
0x386: {  	v21 =	vld [tilespmem:s31+$0xE0]  }
0x387: {  	v16 =	vmul.f32 v16, v17;
	v17 =	vld [tilespmem:s31+$0x160]  }
0x388: {  	v22 =	vld [tilespmem:$0x18460];
	v14 =	vmul.f32 v14, v18  }
0x389: {  	v18 =	vld [tilespmem:$0x18460];
	v15 =	vmul.f32 v15, v19  }
0x38a: {  	v19 =	vld [tilespmem:$0x18460];
	v13 =	vmul.f32 v13, v20  }
0x38b: {  	v20 =	vld [tilespmem:$0x18460];
	v12 =	vmul.f32 v12, v21  }
0x38c: {  	v21 =	vld [tilespmem:$0x18460];
	v11 =	vmul.f32 v11, v17  }
0x38d: {  	v10 =	vadd.f32 v22, v10;
	v17 =	vld [tilespmem:$0x18460]  }
0x38e: {  	v16 =	vadd.f32 v18, v16;
	v18 =	vld [tilespmem:$0x18460]  }
0x38f: {  	[tilespmem:s31+$0xFFFFFE60] =	vst v10;
	v10 =	vld [tilespmem:s31+$0xFFFFFE70];
	v14 =	vadd.f32 v19, v14  }
0x390: {  	v19 =	vld [tilespmem:$0x183F0];
	[tilespmem:s31+$0xFFFFFEE0] =	vst v16;
	v15 =	vadd.f32 v20, v15  }
0x391: {  	v16 =	vld [tilespmem:$0x183F0];
	[tilespmem:s31+$0xFFFFFF60] =	vst v14;
	v13 =	vadd.f32 v21, v13  }
0x392: {  	v14 =	vld [tilespmem:$0x183F0];
	[tilespmem:s31+$0xFFFFFFE0] =	vst v15;
	v12 =	vadd.f32 v17, v12  }
0x393: {  	v15 =	vld [tilespmem:$0x183F0];
	[tilespmem:s31+$0x60] =	vst v13;
	v11 =	vadd.f32 v18, v11  }
0x394: {  	v20 =	vld [tilespmem:$0x183F0];
	[tilespmem:s31+$0xE0] =	vst v12  }
0x395: {  	v19 =	vmul.f32 v19, v10;
	v10 =	vld [tilespmem:$0x183F0];
	[tilespmem:s31+$0x160] =	vst v11  }
0x396: {  	v11 =	vld [tilespmem:$0x183F0]  }
0x397: {  	v12 =	vld [tilespmem:s31+$0xFFFFFEF0]  }
0x398: {  	v13 =	vld [tilespmem:s31+$0xFFFFFF70]  }
0x399: {  	v18 =	vld [tilespmem:s31+$0xFFFFFFF0]  }
0x39a: {  	v21 =	vld [tilespmem:s31+$0x70]  }
0x39b: {  	v22 =	vld [tilespmem:s31+$0xF0]  }
0x39c: {  	v23 =	vmul.f32 v16, v12;
	v16 =	vld [tilespmem:s31+$0x170]  }
0x39d: {  	v24 =	vld [tilespmem:$0x18470];
	v17 =	vmul.f32 v14, v13  }
0x39e: {  	v25 =	vld [tilespmem:$0x18470];
	v13 =	vmul.f32 v15, v18  }
.Ltmp20:
0x39f: {  	v18 =	vld [tilespmem:$0x18470];
	v12 =	vmul.f32 v20, v21;
	(pc) =	sbr.rel @p0 .LBB2_33-.Ltmp20, $4  }
0x3a0: {  	v14 =	vld [tilespmem:$0x18470];
	v10 =	vmul.f32 v10, v22  }
0x3a1: {  	v15 =	vld [tilespmem:$0x18470];
	v11 =	vmul.f32 v11, v16  }
0x3a2: {  	v21 =	vadd.f32 v24, v19;
	v16 =	vld [tilespmem:$0x18470]  }
0x3a3: {  	v20 =	vadd.f32 v25, v23;
	v19 =	vld [tilespmem:$0x18470]  }
0x3a4: {  	[tilespmem:s30+$0xFFFFFE70] =	vst v21;
	v17 =	vadd.f32 v18, v17  }
0x3a5: {  	[tilespmem:s30+$0xFFFFFEF0] =	vst v20;
	v13 =	vadd.f32 v14, v13  }
0x3a6: {  	[tilespmem:s30+$0xFFFFFF70] =	vst v17;
	v12 =	vadd.f32 v15, v12  }
0x3a7: {  	[tilespmem:s30+$0xFFFFFFF0] =	vst v13;
	v10 =	vadd.f32 v16, v10  }
0x3a8: {  	[tilespmem:s30+$0x70] =	vst v12;
	v11 =	vadd.f32 v19, v11  }
0x3a9: {  	[tilespmem:s30+$0xF0] =	vst v10  }
0x3aa: {  	[tilespmem:s30+$0x170] =	vst v11  }
0x3ab: {  	[hbm4b:s7+s6] =	stream.linear.scatter [tilespmem:s6], [sflag:$0x6], $0x8000, $0x200038;
	[tilespmem:$0x18480] =	vst v63  }
0x3ac: {  	s30 =	simm.s32 $0x83F0;
	v10 =	vld [tilespmem:$0x18380]  }
0x3ad: {  	v11 =	vld [tilespmem:s30+$0xFFFFFF90]  }
0x3ae: {  	v12 =	vld [tilespmem:$0x18400]  }
0x3af: {  	v13 =	vld [tilespmem:s30+$0xFFFFFC90]  }
0x3b0: {  	v14 =	vld [tilespmem:s30+$0xFFFFFD10]  }
0x3b1: {  	v16 =	vld [tilespmem:s30+$0xFFFFFD90]  }
0x3b2: {  	v18 =	vld [tilespmem:s30+$0xFFFFFE10]  }
0x3b3: {  	v19 =	vld [tilespmem:s30+$0xFFFFFE90]  }
0x3b4: {  	v20 =	vld [tilespmem:s30+$0xFFFFFC10]  }
0x3b5: {  	v22 =	vld [tilespmem:s30+$0xFFFFFDA0]  }
0x3b6: {  	v24 =	vld [tilespmem:s30+$0xFFFFFE20]  }
0x3b7: {  	v25 =	vld [tilespmem:s30+$0xFFFFFEA0]  }
0x3b8: {  	v26 =	vld [tilespmem:s30+$0xFFFFFF20]  }
0x3b9: {  	v59 =	vld [tilespmem:s30+$0xFFFFFEB0]  }
0x3ba: {  	v60 =	vld [tilespmem:s30+$0xFFFFFF30]  }
0x3bb: {  	v33 =	vld [tilespmem:s30+$0xFFFFFE40]  }
0x3bc: {  	v34 =	vld [tilespmem:s30+$0xFFFFFEC0]  }
0x3bd: {  	v36 =	vld [tilespmem:s30+$0xFFFFFF40]  }
0x3be: {  	v39 =	vld [tilespmem:s30+$0xFFFFFE50]  }
0x3bf: {  	v40 =	vld [tilespmem:s30+$0xFFFFFED0]  }
0x3c0: {  	v42 =	vld [tilespmem:s30+$0xFFFFFF50]  }
0x3c1: {  	v45 =	vld [tilespmem:s30+$0xFFFFFE60]  }
0x3c2: {  	v46 =	vld [tilespmem:s30+$0xFFFFFEE0];
	v11 =	vmul.f32 v11, v10  }
0x3c3: {  	v48 =	vld [tilespmem:s30+$0xFFFFFF60]  }
0x3c4: {  	v51 =	vld [tilespmem:s30+$0xFFFFFE70];
	v11 =	vadd.f32 v11, v12  }
0x3c5: {  	v52 =	vld [tilespmem:s30+$0xFFFFFEF0];
	v13 =	vmul.f32 v13, v10  }
0x3c6: {  	v14 =	vmul.f32 v14, v10;
	[tilespmem:s30+$0xFFFFFF90] =	vst v11;
	v11 =	vld [tilespmem:s30+$0xFFFFFFA0]  }
0x3c7: {  	v13 =	vadd.f32 v13, v12;
	v15 =	vld [tilespmem:$0x18390]  }
0x3c8: {  	v54 =	vld [tilespmem:s30+$0xFFFFFF70];
	v14 =	vadd.f32 v14, v12  }
0x3c9: {  	v16 =	vmul.f32 v16, v10;
	[tilespmem:s30+$0xFFFFFC90] =	vst v13;
	v17 =	vld [tilespmem:$0x18410]  }
0x3ca: {  	[tilespmem:s30+$0xFFFFFD10] =	vst v14;
	v14 =	vmul.f32 v18, v10;
	v18 =	vld [tilespmem:s30+$0xFFFFFFB0]  }
0x3cb: {  	v16 =	vadd.f32 v16, v12;
	v13 =	vld [tilespmem:$0x18390]  }
0x3cc: {  	v11 =	vmul.f32 v15, v11;
	v15 =	vld [tilespmem:s30+$0xFFFFFF10]  }
0x3cd: {  	[tilespmem:s30+$0xFFFFFD90] =	vst v16;
	v27 =	vld [tilespmem:$0x18410]  }
0x3ce: {  	v28 =	vld [tilespmem:$0x18410];
	v11 =	vadd.f32 v17, v11  }
0x3cf: {  	v58 =	vld [tilespmem:s30+$0xFFFFFE00]  }
0x3d0: {  	v17 =	vld [tilespmem:$0x18390];
	[tilespmem:s30+$0xFFFFFFA0] =	vst v11  }
0x3d1: {  	v14 =	vadd.f32 v14, v12;
	v11 =	vmul.f32 v19, v10;
	v15 =	vmul.f32 v15, v10;
	v16 =	vld [tilespmem:$0x183A0]  }
0x3d2: {  	v19 =	vld [tilespmem:$0x18390]  }
0x3d3: {  	[tilespmem:s30+$0xFFFFFE10] =	vst v14;
	v10 =	vmul.f32 v10, v20;
	v11 =	vadd.f32 v11, v12;
	v14 =	vadd.f32 v15, v12;
	v15 =	vld [tilespmem:$0x18420]  }
0x3d4: {  	v20 =	vld [tilespmem:s30+$0xFFFFFD20]  }
0x3d5: {  	v10 =	vadd.f32 v12, v10;
	v12 =	vld [tilespmem:$0x18390];
	[tilespmem:s30+$0xFFFFFE90] =	vst v11  }
0x3d6: {  	v11 =	vld [tilespmem:$0x18390];
	[tilespmem:s30+$0xFFFFFF10] =	vst v14;
	v14 =	vmul.f32 v16, v18  }
0x3d7: {  	v19 =	vmul.f32 v19, v22;
	v22 =	vld [tilespmem:s30+$0xFFFFFDB0]  }
0x3d8: {  	[tilespmem:s30+$0xFFFFFC10] =	vst v10;
	v10 =	vld [tilespmem:$0x18390];
	v14 =	vadd.f32 v15, v14  }
0x3d9: {  	v15 =	vld [tilespmem:s30+$0xFFFFFCA0]  }
0x3da: {  	[tilespmem:s30+$0xFFFFFFB0] =	vst v14;
	v14 =	vld [tilespmem:s30+$0xFFFFFFC0]  }
0x3db: {  	v21 =	vld [tilespmem:$0x183B0]  }
0x3dc: {  	v16 =	vld [tilespmem:$0x18390]  }
0x3dd: {  	v23 =	vld [tilespmem:$0x18430]  }
0x3de: {  	v13 =	vmul.f32 v13, v15;
	v15 =	vld [tilespmem:$0x18410]  }
0x3df: {  	v18 =	vld [tilespmem:s30+$0xFFFFFC20]  }
0x3e0: {  	v57 =	vld [tilespmem:s30+$0xFFFFFC80];
	v13 =	vadd.f32 v27, v13;
	v14 =	vmul.f32 v21, v14  }
0x3e1: {  	v12 =	vmul.f32 v12, v24;
	v21 =	vld [tilespmem:$0x18410]  }
0x3e2: {  	[tilespmem:s30+$0xFFFFFCA0] =	vst v13;
	v13 =	vadd.f32 v28, v19;
	v14 =	vadd.f32 v23, v14;
	v23 =	vld [tilespmem:$0x18410]  }
0x3e3: {  	v12 =	vadd.f32 v15, v12;
	v15 =	vld [tilespmem:$0x183A0]  }
0x3e4: {  	v63 =	vld [tilespmem:$0x18420];
	[tilespmem:s30+$0xFFFFFDA0] =	vst v13  }
0x3e5: {  	[tilespmem:s30+$0xFFFFFFC0] =	vst v14;
	v14 =	vld [tilespmem:s30+$0xFFFFFFD0]  }
0x3e6: {  	[tilespmem:s30+$0xFFFFFE20] =	vst v12;
	v12 =	vld [tilespmem:$0x183A0]  }
0x3e7: {  	v16 =	vmul.f32 v16, v18;
	v30 =	vld [tilespmem:$0x18420]  }
0x3e8: {  	v18 =	vld [tilespmem:$0x183C0]  }
0x3e9: {  	v17 =	vmul.f32 v17, v20;
	v16 =	vadd.f32 v21, v16;
	v20 =	vld [tilespmem:$0x18440]  }
0x3ea: {  	v21 =	vld [tilespmem:$0x18410]  }
0x3eb: {  	[tilespmem:s30+$0xFFFFFC20] =	vst v16;
	v16 =	vld [tilespmem:$0x18410]  }
0x3ec: {  	v17 =	vadd.f32 v23, v17;
	v23 =	vld [tilespmem:s30+$0xFFFFFE30]  }
0x3ed: {  	v19 =	vld [tilespmem:$0x183A0]  }
0x3ee: {  	v62 =	vld [tilespmem:$0x18420]  }
0x3ef: {  	[tilespmem:s30+$0xFFFFFD20] =	vst v17;
	v17 =	vld [tilespmem:$0x183A0];
	v14 =	vmul.f32 v18, v14  }
0x3f0: {  	v11 =	vmul.f32 v11, v25;
	v12 =	vmul.f32 v12, v22;
	v22 =	vld [tilespmem:s30+$0xFFFFFD40]  }
0x3f1: {  	v13 =	vld [tilespmem:$0x183A0];
	v14 =	vadd.f32 v20, v14  }
0x3f2: {  	v10 =	vmul.f32 v10, v26;
	v11 =	vadd.f32 v21, v11;
	v21 =	vld [tilespmem:s30+$0xFFFFFCB0]  }
0x3f3: {  	[tilespmem:s30+$0xFFFFFFD0] =	vst v14;
	v14 =	vld [tilespmem:s30+$0xFFFFFFE0]  }
0x3f4: {  	v10 =	vadd.f32 v16, v10;
	[tilespmem:s30+$0xFFFFFEA0] =	vst v11;
	v11 =	vld [tilespmem:$0x183D0]  }
0x3f5: {  	v29 =	vld [tilespmem:$0x18420]  }
0x3f6: {  	[tilespmem:s30+$0xFFFFFF20] =	vst v10;
	v10 =	vld [tilespmem:$0x18450]  }
0x3f7: {  	v16 =	vld [tilespmem:$0x183A0]  }
0x3f8: {  	v20 =	vld [tilespmem:s30+$0xFFFFFC30]  }
0x3f9: {  	v18 =	vld [tilespmem:$0x183A0];
	v11 =	vmul.f32 v11, v14  }
0x3fa: {  	v14 =	vld [tilespmem:s30+$0xFFFFFD30]  }
0x3fb: {  	v15 =	vmul.f32 v15, v21;
	v21 =	vld [tilespmem:$0x18420];
	v10 =	vadd.f32 v10, v11  }
0x3fc: {  	v16 =	vmul.f32 v16, v59;
	v59 =	vld [tilespmem:s30+$0xFFFFFE80]  }
0x3fd: {  	[tilespmem:s30+$0xFFFFFFE0] =	vst v10;
	v10 =	vld [tilespmem:s30+$0xFFFFFFF0]  }
0x3fe: {  	v11 =	vld [tilespmem:$0x183E0]  }
0x3ff: {  	v18 =	vmul.f32 v18, v60;
	v60 =	vld [tilespmem:s30+$0xFFFFFF00];
	v13 =	vmul.f32 v13, v14;
	v14 =	vadd.f32 v63, v15  }
0x400: {  	v61 =	vld [tilespmem:$0x18460]  }
0x401: {  	v15 =	vmul.f32 v17, v23;
	v23 =	vld [tilespmem:s30+$0xFFFFFDC0];
	[tilespmem:s30+$0xFFFFFCB0] =	vst v14  }
0x402: {  	v14 =	vadd.f32 v30, v12;
	v37 =	vld [tilespmem:$0x18430]  }
0x403: {  	v10 =	vmul.f32 v11, v10;
	v11 =	vmul.f32 v19, v20;
	v19 =	vld [tilespmem:$0x18420]  }
0x404: {  	[tilespmem:s30+$0xFFFFFDB0] =	vst v14;
	v20 =	vld [tilespmem:$0x18420]  }
0x405: {  	v38 =	vld [tilespmem:$0x18430];
	v10 =	vadd.f32 v61, v10  }
0x406: {  	v11 =	vadd.f32 v62, v11;
	v61 =	vld [tilespmem:s30+$0xFFFFFF80]  }
0x407: {  	[tilespmem:s30+$0xFFFFFFF0] =	vst v10;
	v10 =	vld [tilespmem:s30+$0x0]  }
0x408: {  	[tilespmem:s30+$0xFFFFFC30] =	vst v11;
	v11 =	vld [tilespmem:$0x183F0]  }
0x409: {  	v13 =	vadd.f32 v29, v13;
	v17 =	vld [tilespmem:$0x183B0]  }
0x40a: {  	v12 =	vld [tilespmem:$0x18470]  }
0x40b: {  	[tilespmem:s30+$0xFFFFFD30] =	vst v13;
	v13 =	vadd.f32 v19, v15;
	v15 =	vld [tilespmem:$0x183B0]  }
0x40c: {  	v14 =	vadd.f32 v20, v16;
	v16 =	vld [tilespmem:$0x183B0]  }
0x40d: {  	v20 =	vld [tilespmem:s30+$0xFFFFFC40]  }
0x40e: {  	v35 =	vld [tilespmem:$0x18430]  }
0x40f: {  	[tilespmem:s30+$0xFFFFFE30] =	vst v13;
	v13 =	vadd.f32 v21, v18;
	v18 =	vld [tilespmem:$0x183B0]  }
0x410: {  	v21 =	vld [tilespmem:s30+$0xFFFFFCC0]  }
0x411: {  	[tilespmem:s30+$0xFFFFFEB0] =	vst v14;
	v14 =	vld [tilespmem:$0x183B0]  }
0x412: {  	[tilespmem:s30+$0xFFFFFF30] =	vst v13;
	v13 =	vld [tilespmem:$0x183B0]  }
0x413: {  	v19 =	vld [tilespmem:$0x183B0]  }
0x414: {  	v17 =	vmul.f32 v17, v20;
	v20 =	vld [tilespmem:$0x18430]  }
0x415: {  	v16 =	vmul.f32 v16, v22;
	v22 =	vld [tilespmem:$0x18430]  }
0x416: {  	v15 =	vmul.f32 v15, v21;
	v21 =	vld [tilespmem:$0x18430];
	v17 =	vadd.f32 v35, v17  }
0x417: {  	v18 =	vmul.f32 v18, v23;
	v23 =	vld [tilespmem:$0x18430]  }
0x418: {  	[tilespmem:s30+$0xFFFFFC40] =	vst v17;
	v17 =	vld [tilespmem:s30+$0xFFFFFC50]  }
0x419: {  	v15 =	vadd.f32 v37, v15;
	v13 =	vmul.f32 v13, v34;
	v16 =	vadd.f32 v20, v16;
	v20 =	vld [tilespmem:$0x183C0]  }
0x41a: {  	v41 =	vld [tilespmem:$0x18440]  }
0x41b: {  	v14 =	vmul.f32 v14, v33;
	[tilespmem:s30+$0xFFFFFCC0] =	vst v15;
	v13 =	vadd.f32 v22, v13;
	v22 =	vld [tilespmem:s30+$0xFFFFFD50]  }
0x41c: {  	v15 =	vadd.f32 v38, v18;
	v18 =	vmul.f32 v19, v36;
	v19 =	vld [tilespmem:$0x183C0]  }
0x41d: {  	v14 =	vadd.f32 v21, v14;
	v21 =	vld [tilespmem:s30+$0xFFFFFCD0]  }
0x41e: {  	[tilespmem:s30+$0xFFFFFD40] =	vst v16;
	v43 =	vld [tilespmem:$0x18440]  }
0x41f: {  	v16 =	vld [tilespmem:$0x183C0];
	[tilespmem:s30+$0xFFFFFDC0] =	vst v15  }
0x420: {  	[tilespmem:s30+$0xFFFFFEC0] =	vst v13;
	v15 =	vld [tilespmem:$0x183C0]  }
0x421: {  	v13 =	vld [tilespmem:$0x183C0]  }
0x422: {  	[tilespmem:s30+$0xFFFFFE40] =	vst v14;
	v14 =	vadd.f32 v23, v18;
	v23 =	vld [tilespmem:s30+$0xFFFFFDD0]  }
0x423: {  	v44 =	vld [tilespmem:$0x18440]  }
0x424: {  	v18 =	vld [tilespmem:$0x183C0]  }
0x425: {  	v17 =	vmul.f32 v20, v17;
	v20 =	vld [tilespmem:$0x18440];
	[tilespmem:s30+$0xFFFFFF40] =	vst v14  }
0x426: {  	v14 =	vld [tilespmem:$0x183C0]  }
0x427: {  	v19 =	vmul.f32 v19, v21;
	v21 =	vld [tilespmem:$0x18440]  }
0x428: {  	v17 =	vadd.f32 v41, v17;
	v16 =	vmul.f32 v16, v22;
	v22 =	vld [tilespmem:$0x18440]  }
0x429: {  	v15 =	vmul.f32 v15, v23;
	v23 =	vld [tilespmem:$0x18440]  }
0x42a: {  	v19 =	vadd.f32 v43, v19;
	[tilespmem:s30+$0xFFFFFC50] =	vst v17;
	v17 =	vmul.f32 v18, v39;
	v18 =	vld [tilespmem:s30+$0xFFFFFC60]  }
0x42b: {  	v16 =	vadd.f32 v20, v16;
	v20 =	vld [tilespmem:$0x183D0]  }
0x42c: {  	v47 =	vld [tilespmem:$0x18450];
	[tilespmem:s30+$0xFFFFFCD0] =	vst v19  }
0x42d: {  	v19 =	vld [tilespmem:$0x183D0]  }
0x42e: {  	[tilespmem:s30+$0xFFFFFD50] =	vst v16;
	v16 =	vadd.f32 v21, v17;
	v21 =	vld [tilespmem:s30+$0xFFFFFCE0]  }
0x42f: {  	v13 =	vmul.f32 v13, v40;
	v15 =	vadd.f32 v44, v15;
	v49 =	vld [tilespmem:$0x18450]  }
0x430: {  	v17 =	vld [tilespmem:$0x183D0]  }
0x431: {  	v14 =	vmul.f32 v14, v42;
	[tilespmem:s30+$0xFFFFFDD0] =	vst v15;
	v13 =	vadd.f32 v22, v13;
	v22 =	vld [tilespmem:s30+$0xFFFFFD60]  }
0x432: {  	v15 =	vld [tilespmem:$0x183D0]  }
0x433: {  	v14 =	vadd.f32 v23, v14;
	v23 =	vld [tilespmem:s30+$0xFFFFFDE0]  }
0x434: {  	[tilespmem:s30+$0xFFFFFE50] =	vst v16;
	v50 =	vld [tilespmem:$0x18450]  }
0x435: {  	v16 =	vld [tilespmem:$0x183D0]  }
0x436: {  	[tilespmem:s30+$0xFFFFFED0] =	vst v13;
	v18 =	vmul.f32 v20, v18;
	v20 =	vld [tilespmem:$0x18450]  }
0x437: {  	v13 =	vld [tilespmem:$0x183D0];
	[tilespmem:s30+$0xFFFFFF50] =	vst v14  }
0x438: {  	v14 =	vld [tilespmem:$0x183D0]  }
0x439: {  	v19 =	vmul.f32 v19, v21;
	v21 =	vld [tilespmem:$0x18450]  }
0x43a: {  	v18 =	vadd.f32 v47, v18;
	v17 =	vmul.f32 v17, v22;
	v22 =	vld [tilespmem:$0x18450]  }
0x43b: {  	v15 =	vmul.f32 v15, v23;
	v23 =	vld [tilespmem:$0x18450]  }
0x43c: {  	v19 =	vadd.f32 v49, v19;
	[tilespmem:s30+$0xFFFFFC60] =	vst v18;
	v18 =	vld [tilespmem:s30+$0xFFFFFC70]  }
0x43d: {  	v17 =	vadd.f32 v20, v17;
	v20 =	vld [tilespmem:$0x183E0]  }
0x43e: {  	v16 =	vmul.f32 v16, v45;
	v53 =	vld [tilespmem:$0x18460];
	[tilespmem:s30+$0xFFFFFCE0] =	vst v19  }
0x43f: {  	v19 =	vld [tilespmem:$0x183E0]  }
0x440: {  	v16 =	vadd.f32 v21, v16;
	v21 =	vld [tilespmem:s30+$0xFFFFFCF0]  }
0x441: {  	v13 =	vmul.f32 v13, v46;
	v15 =	vadd.f32 v50, v15;
	[tilespmem:s30+$0xFFFFFD60] =	vst v17;
	v55 =	vld [tilespmem:$0x18460]  }
0x442: {  	v17 =	vld [tilespmem:$0x183E0]  }
0x443: {  	v14 =	vmul.f32 v14, v48;
	[tilespmem:s30+$0xFFFFFDE0] =	vst v15;
	v13 =	vadd.f32 v22, v13;
	v22 =	vld [tilespmem:s30+$0xFFFFFD70]  }
0x444: {  	v15 =	vld [tilespmem:$0x183E0]  }
0x445: {  	v14 =	vadd.f32 v23, v14;
	v23 =	vld [tilespmem:s30+$0xFFFFFDF0]  }
0x446: {  	[tilespmem:s30+$0xFFFFFE60] =	vst v16;
	v56 =	vld [tilespmem:$0x18460]  }
0x447: {  	v16 =	vld [tilespmem:$0x183E0]  }
0x448: {  	[tilespmem:s30+$0xFFFFFEE0] =	vst v13;
	v18 =	vmul.f32 v20, v18;
	v20 =	vld [tilespmem:$0x18460]  }
0x449: {  	v13 =	vld [tilespmem:$0x183E0];
	[tilespmem:s30+$0xFFFFFF60] =	vst v14  }
0x44a: {  	v14 =	vld [tilespmem:$0x183E0]  }
0x44b: {  	v19 =	vmul.f32 v19, v21;
	v18 =	vadd.f32 v53, v18;
	v21 =	vld [tilespmem:$0x18460]  }
0x44c: {  	v17 =	vmul.f32 v17, v22;
	v22 =	vld [tilespmem:$0x18460]  }
0x44d: {  	v15 =	vmul.f32 v15, v23;
	v19 =	vadd.f32 v55, v19;
	v23 =	vld [tilespmem:$0x18460];
	[tilespmem:s30+$0xFFFFFC70] =	vst v18  }
0x44e: {  	v17 =	vadd.f32 v20, v17;
	v20 =	vld [tilespmem:$0x183F0]  }
0x44f: {  	v62 =	vld [tilespmem:$0x18470];
	[tilespmem:s30+$0xFFFFFCF0] =	vst v19  }
0x450: {  	v16 =	vmul.f32 v16, v51;
	v15 =	vadd.f32 v56, v15;
	v19 =	vld [tilespmem:$0x183F0]  }
0x451: {  	[tilespmem:s30+$0xFFFFFD70] =	vst v17;
	v63 =	vld [tilespmem:$0x18470]  }
0x452: {  	v13 =	vmul.f32 v13, v52;
	v14 =	vmul.f32 v14, v54;
	v16 =	vadd.f32 v21, v16;
	v17 =	vld [tilespmem:$0x183F0];
	[tilespmem:s30+$0xFFFFFDF0] =	vst v15  }
0x453: {  	v15 =	vld [tilespmem:$0x183F0]  }
0x454: {  	v13 =	vadd.f32 v22, v13;
	[tilespmem:s30+$0xFFFFFE70] =	vst v16;
	v14 =	vadd.f32 v23, v14;
	v23 =	vld [tilespmem:s30+$0xFFFFFD80]  }
0x455: {  	v16 =	vld [tilespmem:$0x183F0]  }
0x456: {  	[tilespmem:s30+$0xFFFFFEF0] =	vst v13;
	v13 =	vld [tilespmem:s30+$0xFFFFFD00]  }
0x457: {  	v21 =	vld [tilespmem:$0x183F0];
	[tilespmem:s30+$0xFFFFFF70] =	vst v14  }
0x458: {  	v22 =	vld [tilespmem:$0x183F0]  }
0x459: {  	v10 =	vmul.f32 v11, v10;
	v18 =	vld [tilespmem:$0x18470]  }
0x45a: {  	v20 =	vmul.f32 v20, v57;
	v14 =	vld [tilespmem:$0x18470];
	v17 =	vmul.f32 v17, v23  }
0x45b: {  	v11 =	vadd.f32 v12, v10;
	v19 =	vmul.f32 v19, v13;
	v13 =	vmul.f32 v15, v58;
	v15 =	vld [tilespmem:$0x18470]  }
0x45c: {  	v12 =	vmul.f32 v16, v59;
	v16 =	vld [tilespmem:$0x18470];
	v10 =	vmul.f32 v21, v60;
	v21 =	vadd.f32 v62, v20  }
0x45d: {  	s0 =	simm.s32 $0x100;
	s31 =	simm.s32 $0x83F0;
	[tilespmem:s30+$0x0] =	vst v11;
	v11 =	vmul.f32 v22, v61;
	v20 =	vadd.f32 v63, v19;
	v19 =	vld [tilespmem:$0x18470]  }
.LBB2_35:
0x45e: {  	v22 =	vld [tilespmem:$0x18380];
	[tilespmem:s30+$0xFFFFFC80] =	vst v21;
	v17 =	vadd.f32 v18, v17;
	s31 =	sadd.s32 $0x400, s31  }
0x45f: {  	s0 =	sadd.s32 $0x8, s0;
	v18 =	vld [tilespmem:s31+$0xFFFFFF90];
	[tilespmem:s30+$0xFFFFFD00] =	vst v20;
	v13 =	vadd.f32 v14, v13  }
0x460: {  	p0 =	slt.u32 s0, $0x1F8;
	v14 =	vld [tilespmem:s31+$0xFFFFFC90];
	[tilespmem:s30+$0xFFFFFD80] =	vst v17;
	v12 =	vadd.f32 v15, v12  }
0x461: {  	v15 =	vld [tilespmem:$0x18400];
	[tilespmem:s30+$0xFFFFFE00] =	vst v13;
	v10 =	vadd.f32 v16, v10  }
0x462: {  	v13 =	vld [tilespmem:s31+$0xFFFFFD10];
	[tilespmem:s30+$0xFFFFFE80] =	vst v12;
	v11 =	vadd.f32 v19, v11  }
0x463: {  	v12 =	vld [tilespmem:s31+$0xFFFFFD90];
	[tilespmem:s30+$0xFFFFFF00] =	vst v10  }
0x464: {  	v10 =	vld [tilespmem:s31+$0xFFFFFE10];
	v16 =	vmul.f32 v18, v22;
	[tilespmem:s30+$0xFFFFFF80] =	vst v11;
	s30 =	smov.u32 s31  }
0x465: {  	v11 =	vmul.f32 v14, v22;
	v14 =	vld [tilespmem:s31+$0xFFFFFE90]  }
0x466: {  	v17 =	vld [tilespmem:s31+$0xFFFFFF10];
	v16 =	vadd.f32 v16, v15  }
0x467: {  	v18 =	vld [tilespmem:s31+$0xFFFFFC10];
	v11 =	vadd.f32 v11, v15;
	v13 =	vmul.f32 v13, v22  }
0x468: {  	v12 =	vmul.f32 v12, v22;
	[tilespmem:s31+$0xFFFFFF90] =	vst v16;
	v16 =	vld [tilespmem:s31+$0xFFFFFFA0]  }
0x469: {  	[tilespmem:s31+$0xFFFFFC90] =	vst v11;
	v11 =	vadd.f32 v13, v15;
	v10 =	vmul.f32 v10, v22;
	v13 =	vld [tilespmem:$0x18390]  }
0x46a: {  	v19 =	vld [tilespmem:$0x18390];
	v12 =	vadd.f32 v12, v15;
	v14 =	vmul.f32 v14, v22  }
0x46b: {  	[tilespmem:s31+$0xFFFFFD10] =	vst v11;
	v10 =	vadd.f32 v10, v15;
	v11 =	vmul.f32 v17, v22;
	v17 =	vld [tilespmem:$0x18410]  }
0x46c: {  	v18 =	vmul.f32 v22, v18;
	v20 =	vld [tilespmem:$0x18390];
	[tilespmem:s31+$0xFFFFFD90] =	vst v12;
	v12 =	vadd.f32 v14, v15  }
0x46d: {  	v14 =	vld [tilespmem:$0x18390];
	[tilespmem:s31+$0xFFFFFE10] =	vst v10;
	v10 =	vadd.f32 v11, v15  }
0x46e: {  	v11 =	vadd.f32 v15, v18;
	v15 =	vld [tilespmem:$0x18390];
	[tilespmem:s31+$0xFFFFFE90] =	vst v12;
	v12 =	vmul.f32 v13, v16  }
0x46f: {  	v13 =	vld [tilespmem:$0x18390];
	[tilespmem:s31+$0xFFFFFF10] =	vst v10  }
0x470: {  	[tilespmem:s31+$0xFFFFFC10] =	vst v11;
	v10 =	vld [tilespmem:$0x18390];
	v11 =	vadd.f32 v17, v12  }
0x471: {  	v12 =	vld [tilespmem:$0x18390]  }
0x472: {  	[tilespmem:s31+$0xFFFFFFA0] =	vst v11;
	v11 =	vld [tilespmem:s31+$0xFFFFFFB0]  }
0x473: {  	v16 =	vld [tilespmem:$0x183A0]  }
0x474: {  	v17 =	vld [tilespmem:s31+$0xFFFFFC20]  }
0x475: {  	v18 =	vld [tilespmem:$0x18420]  }
0x476: {  	v21 =	vld [tilespmem:s31+$0xFFFFFCA0]  }
0x477: {  	v22 =	vld [tilespmem:s31+$0xFFFFFD20]  }
0x478: {  	v23 =	vld [tilespmem:s31+$0xFFFFFDA0];
	v11 =	vmul.f32 v16, v11  }
0x479: {  	v12 =	vmul.f32 v12, v17;
	v16 =	vld [tilespmem:s31+$0xFFFFFE20]  }
0x47a: {  	v17 =	vld [tilespmem:s31+$0xFFFFFEA0];
	v11 =	vadd.f32 v18, v11  }
0x47b: {  	v18 =	vmul.f32 v19, v21;
	v19 =	vld [tilespmem:s31+$0xFFFFFF20]  }
0x47c: {  	v20 =	vmul.f32 v20, v22;
	[tilespmem:s31+$0xFFFFFFB0] =	vst v11;
	v11 =	vld [tilespmem:s31+$0xFFFFFFC0]  }
0x47d: {  	v14 =	vmul.f32 v14, v23;
	v21 =	vld [tilespmem:$0x183B0]  }
0x47e: {  	v22 =	vld [tilespmem:$0x18410];
	v15 =	vmul.f32 v15, v16  }
0x47f: {  	v13 =	vmul.f32 v13, v17;
	v16 =	vld [tilespmem:$0x18430]  }
0x480: {  	v17 =	vld [tilespmem:$0x18410];
	v10 =	vmul.f32 v10, v19  }
0x481: {  	v19 =	vld [tilespmem:$0x18410]  }
0x482: {  	v23 =	vld [tilespmem:$0x18410];
	v11 =	vmul.f32 v21, v11  }
0x483: {  	v12 =	vadd.f32 v22, v12;
	v21 =	vld [tilespmem:$0x18410]  }
0x484: {  	v22 =	vld [tilespmem:$0x18410];
	v11 =	vadd.f32 v16, v11  }
0x485: {  	[tilespmem:s31+$0xFFFFFC20] =	vst v12;
	v12 =	vadd.f32 v17, v18;
	v16 =	vld [tilespmem:$0x18410]  }
0x486: {  	v17 =	vadd.f32 v19, v20;
	[tilespmem:s31+$0xFFFFFFC0] =	vst v11;
	v11 =	vld [tilespmem:s31+$0xFFFFFFD0]  }
0x487: {  	[tilespmem:s31+$0xFFFFFCA0] =	vst v12;
	v12 =	vadd.f32 v23, v14;
	v14 =	vld [tilespmem:$0x183C0]  }
0x488: {  	v18 =	vld [tilespmem:$0x183A0];
	[tilespmem:s31+$0xFFFFFD20] =	vst v17;
	v15 =	vadd.f32 v21, v15  }
0x489: {  	[tilespmem:s31+$0xFFFFFDA0] =	vst v12;
	v12 =	vadd.f32 v22, v13;
	v13 =	vld [tilespmem:$0x18440]  }
0x48a: {  	v17 =	vld [tilespmem:$0x183A0];
	[tilespmem:s31+$0xFFFFFE20] =	vst v15;
	v10 =	vadd.f32 v16, v10  }
0x48b: {  	v15 =	vld [tilespmem:$0x183A0];
	[tilespmem:s31+$0xFFFFFEA0] =	vst v12  }
0x48c: {  	v12 =	vld [tilespmem:$0x183A0];
	[tilespmem:s31+$0xFFFFFF20] =	vst v10;
	v10 =	vmul.f32 v14, v11  }
0x48d: {  	v11 =	vld [tilespmem:$0x183A0]  }
0x48e: {  	v14 =	vld [tilespmem:$0x183A0];
	v10 =	vadd.f32 v13, v10  }
0x48f: {  	v13 =	vld [tilespmem:$0x183A0]  }
0x490: {  	[tilespmem:s31+$0xFFFFFFD0] =	vst v10;
	v10 =	vld [tilespmem:s31+$0xFFFFFFE0]  }
0x491: {  	v16 =	vld [tilespmem:$0x183D0]  }
0x492: {  	v19 =	vld [tilespmem:s31+$0xFFFFFC30]  }
0x493: {  	v20 =	vld [tilespmem:$0x18450]  }
0x494: {  	v21 =	vld [tilespmem:s31+$0xFFFFFCB0]  }
0x495: {  	v22 =	vld [tilespmem:s31+$0xFFFFFD30]  }
0x496: {  	v23 =	vld [tilespmem:s31+$0xFFFFFDB0];
	v10 =	vmul.f32 v16, v10  }
0x497: {  	v16 =	vmul.f32 v18, v19;
	v18 =	vld [tilespmem:s31+$0xFFFFFE30]  }
0x498: {  	v19 =	vld [tilespmem:s31+$0xFFFFFEB0];
	v10 =	vadd.f32 v20, v10  }
0x499: {  	v17 =	vmul.f32 v17, v21;
	v20 =	vld [tilespmem:s31+$0xFFFFFF30]  }
0x49a: {  	v15 =	vmul.f32 v15, v22;
	[tilespmem:s31+$0xFFFFFFE0] =	vst v10;
	v10 =	vld [tilespmem:s31+$0xFFFFFFF0]  }
0x49b: {  	v12 =	vmul.f32 v12, v23;
	v21 =	vld [tilespmem:$0x183E0]  }
0x49c: {  	v22 =	vld [tilespmem:$0x18420];
	v11 =	vmul.f32 v11, v18  }
0x49d: {  	v14 =	vmul.f32 v14, v19;
	v18 =	vld [tilespmem:$0x18460]  }
0x49e: {  	v19 =	vld [tilespmem:$0x18420];
	v13 =	vmul.f32 v13, v20  }
0x49f: {  	v20 =	vld [tilespmem:$0x18420]  }
0x4a0: {  	v23 =	vld [tilespmem:$0x18420];
	v10 =	vmul.f32 v21, v10  }
0x4a1: {  	v16 =	vadd.f32 v22, v16;
	v21 =	vld [tilespmem:$0x18420]  }
0x4a2: {  	v22 =	vld [tilespmem:$0x18420];
	v10 =	vadd.f32 v18, v10  }
0x4a3: {  	[tilespmem:s31+$0xFFFFFC30] =	vst v16;
	v16 =	vadd.f32 v19, v17;
	v17 =	vld [tilespmem:$0x18420]  }
0x4a4: {  	v15 =	vadd.f32 v20, v15;
	[tilespmem:s31+$0xFFFFFFF0] =	vst v10;
	v10 =	vld [tilespmem:s31+$0x0]  }
0x4a5: {  	[tilespmem:s31+$0xFFFFFCB0] =	vst v16;
	v12 =	vadd.f32 v23, v12;
	v16 =	vld [tilespmem:$0x183F0]  }
0x4a6: {  	v18 =	vld [tilespmem:$0x183B0];
	[tilespmem:s31+$0xFFFFFD30] =	vst v15;
	v11 =	vadd.f32 v21, v11  }
0x4a7: {  	[tilespmem:s31+$0xFFFFFDB0] =	vst v12;
	v12 =	vadd.f32 v22, v14;
	v14 =	vld [tilespmem:$0x18470]  }
0x4a8: {  	v15 =	vld [tilespmem:$0x183B0];
	[tilespmem:s31+$0xFFFFFE30] =	vst v11;
	v11 =	vadd.f32 v17, v13  }
0x4a9: {  	v13 =	vld [tilespmem:$0x183B0];
	[tilespmem:s31+$0xFFFFFEB0] =	vst v12  }
0x4aa: {  	v12 =	vld [tilespmem:$0x183B0];
	[tilespmem:s31+$0xFFFFFF30] =	vst v11;
	v10 =	vmul.f32 v16, v10  }
0x4ab: {  	v11 =	vld [tilespmem:$0x183B0]  }
0x4ac: {  	v16 =	vld [tilespmem:$0x183B0];
	v10 =	vadd.f32 v14, v10  }
0x4ad: {  	v14 =	vld [tilespmem:$0x183B0]  }
0x4ae: {  	v17 =	vld [tilespmem:s31+$0xFFFFFC40];
	[tilespmem:s31+$0x0] =	vst v10  }
0x4af: {  	v10 =	vld [tilespmem:s31+$0xFFFFFCC0]  }
0x4b0: {  	v19 =	vld [tilespmem:s31+$0xFFFFFD40]  }
0x4b1: {  	v20 =	vld [tilespmem:s31+$0xFFFFFDC0]  }
0x4b2: {  	v21 =	vld [tilespmem:s31+$0xFFFFFE40]  }
0x4b3: {  	v17 =	vmul.f32 v18, v17;
	v18 =	vld [tilespmem:s31+$0xFFFFFEC0]  }
0x4b4: {  	v10 =	vmul.f32 v15, v10;
	v15 =	vld [tilespmem:s31+$0xFFFFFF40]  }
0x4b5: {  	v22 =	vld [tilespmem:$0x18430];
	v13 =	vmul.f32 v13, v19  }
0x4b6: {  	v19 =	vld [tilespmem:$0x18430];
	v12 =	vmul.f32 v12, v20  }
0x4b7: {  	v20 =	vld [tilespmem:$0x18430];
	v11 =	vmul.f32 v11, v21  }
0x4b8: {  	v21 =	vld [tilespmem:$0x18430];
	v16 =	vmul.f32 v16, v18  }
0x4b9: {  	v18 =	vld [tilespmem:$0x18430];
	v14 =	vmul.f32 v14, v15  }
0x4ba: {  	v15 =	vadd.f32 v22, v17;
	v17 =	vld [tilespmem:$0x18430]  }
0x4bb: {  	v10 =	vadd.f32 v19, v10;
	v19 =	vld [tilespmem:$0x18430]  }
0x4bc: {  	[tilespmem:s31+$0xFFFFFC40] =	vst v15;
	v15 =	vld [tilespmem:s31+$0xFFFFFC50];
	v13 =	vadd.f32 v20, v13  }
0x4bd: {  	v20 =	vld [tilespmem:$0x183C0];
	[tilespmem:s31+$0xFFFFFCC0] =	vst v10;
	v10 =	vadd.f32 v21, v12  }
0x4be: {  	v12 =	vld [tilespmem:$0x183C0];
	[tilespmem:s31+$0xFFFFFD40] =	vst v13;
	v11 =	vadd.f32 v18, v11  }
0x4bf: {  	v13 =	vld [tilespmem:$0x183C0];
	[tilespmem:s31+$0xFFFFFDC0] =	vst v10;
	v10 =	vadd.f32 v17, v16  }
0x4c0: {  	v16 =	vld [tilespmem:$0x183C0];
	[tilespmem:s31+$0xFFFFFE40] =	vst v11;
	v11 =	vadd.f32 v19, v14  }
0x4c1: {  	v14 =	vld [tilespmem:$0x183C0];
	[tilespmem:s31+$0xFFFFFEC0] =	vst v10  }
0x4c2: {  	v10 =	vmul.f32 v20, v15;
	v15 =	vld [tilespmem:$0x183C0];
	[tilespmem:s31+$0xFFFFFF40] =	vst v11  }
0x4c3: {  	v11 =	vld [tilespmem:$0x183C0]  }
0x4c4: {  	v17 =	vld [tilespmem:s31+$0xFFFFFCD0]  }
0x4c5: {  	v18 =	vld [tilespmem:s31+$0xFFFFFD50]  }
0x4c6: {  	v19 =	vld [tilespmem:s31+$0xFFFFFDD0]  }
0x4c7: {  	v20 =	vld [tilespmem:s31+$0xFFFFFE50]  }
0x4c8: {  	v21 =	vld [tilespmem:s31+$0xFFFFFED0]  }
0x4c9: {  	v12 =	vmul.f32 v12, v17;
	v17 =	vld [tilespmem:s31+$0xFFFFFF50]  }
0x4ca: {  	v22 =	vld [tilespmem:$0x18440];
	v13 =	vmul.f32 v13, v18  }
0x4cb: {  	v18 =	vld [tilespmem:$0x18440];
	v16 =	vmul.f32 v16, v19  }
0x4cc: {  	v19 =	vld [tilespmem:$0x18440];
	v14 =	vmul.f32 v14, v20  }
0x4cd: {  	v20 =	vld [tilespmem:$0x18440];
	v15 =	vmul.f32 v15, v21  }
0x4ce: {  	v21 =	vld [tilespmem:$0x18440];
	v11 =	vmul.f32 v11, v17  }
0x4cf: {  	v10 =	vadd.f32 v22, v10;
	v17 =	vld [tilespmem:$0x18440]  }
0x4d0: {  	v12 =	vadd.f32 v18, v12;
	v18 =	vld [tilespmem:$0x18440]  }
0x4d1: {  	[tilespmem:s31+$0xFFFFFC50] =	vst v10;
	v10 =	vld [tilespmem:s31+$0xFFFFFC60];
	v13 =	vadd.f32 v19, v13  }
0x4d2: {  	v19 =	vld [tilespmem:$0x183D0];
	[tilespmem:s31+$0xFFFFFCD0] =	vst v12;
	v12 =	vadd.f32 v20, v16  }
0x4d3: {  	v16 =	vld [tilespmem:$0x183D0];
	[tilespmem:s31+$0xFFFFFD50] =	vst v13;
	v13 =	vadd.f32 v21, v14  }
0x4d4: {  	v14 =	vld [tilespmem:$0x183D0];
	[tilespmem:s31+$0xFFFFFDD0] =	vst v12;
	v12 =	vadd.f32 v17, v15  }
0x4d5: {  	v15 =	vld [tilespmem:$0x183D0];
	[tilespmem:s31+$0xFFFFFE50] =	vst v13;
	v11 =	vadd.f32 v18, v11  }
0x4d6: {  	v13 =	vld [tilespmem:$0x183D0];
	[tilespmem:s31+$0xFFFFFED0] =	vst v12  }
0x4d7: {  	v10 =	vmul.f32 v19, v10;
	v12 =	vld [tilespmem:$0x183D0];
	[tilespmem:s31+$0xFFFFFF50] =	vst v11  }
0x4d8: {  	v11 =	vld [tilespmem:$0x183D0]  }
0x4d9: {  	v17 =	vld [tilespmem:s31+$0xFFFFFCE0]  }
0x4da: {  	v18 =	vld [tilespmem:s31+$0xFFFFFD60]  }
0x4db: {  	v19 =	vld [tilespmem:s31+$0xFFFFFDE0]  }
0x4dc: {  	v20 =	vld [tilespmem:s31+$0xFFFFFE60]  }
0x4dd: {  	v21 =	vld [tilespmem:s31+$0xFFFFFEE0]  }
0x4de: {  	v16 =	vmul.f32 v16, v17;
	v17 =	vld [tilespmem:s31+$0xFFFFFF60]  }
0x4df: {  	v22 =	vld [tilespmem:$0x18450];
	v14 =	vmul.f32 v14, v18  }
0x4e0: {  	v18 =	vld [tilespmem:$0x18450];
	v15 =	vmul.f32 v15, v19  }
0x4e1: {  	v19 =	vld [tilespmem:$0x18450];
	v13 =	vmul.f32 v13, v20  }
0x4e2: {  	v20 =	vld [tilespmem:$0x18450];
	v12 =	vmul.f32 v12, v21  }
0x4e3: {  	v21 =	vld [tilespmem:$0x18450];
	v11 =	vmul.f32 v11, v17  }
0x4e4: {  	v10 =	vadd.f32 v22, v10;
	v17 =	vld [tilespmem:$0x18450]  }
0x4e5: {  	v16 =	vadd.f32 v18, v16;
	v18 =	vld [tilespmem:$0x18450]  }
0x4e6: {  	[tilespmem:s31+$0xFFFFFC60] =	vst v10;
	v10 =	vld [tilespmem:s31+$0xFFFFFC70];
	v14 =	vadd.f32 v19, v14  }
0x4e7: {  	v19 =	vld [tilespmem:$0x183E0];
	[tilespmem:s31+$0xFFFFFCE0] =	vst v16;
	v15 =	vadd.f32 v20, v15  }
0x4e8: {  	v16 =	vld [tilespmem:$0x183E0];
	[tilespmem:s31+$0xFFFFFD60] =	vst v14;
	v13 =	vadd.f32 v21, v13  }
0x4e9: {  	v14 =	vld [tilespmem:$0x183E0];
	[tilespmem:s31+$0xFFFFFDE0] =	vst v15;
	v12 =	vadd.f32 v17, v12  }
0x4ea: {  	v15 =	vld [tilespmem:$0x183E0];
	[tilespmem:s31+$0xFFFFFE60] =	vst v13;
	v11 =	vadd.f32 v18, v11  }
0x4eb: {  	v13 =	vld [tilespmem:$0x183E0];
	[tilespmem:s31+$0xFFFFFEE0] =	vst v12  }
0x4ec: {  	v10 =	vmul.f32 v19, v10;
	v12 =	vld [tilespmem:$0x183E0];
	[tilespmem:s31+$0xFFFFFF60] =	vst v11  }
0x4ed: {  	v11 =	vld [tilespmem:$0x183E0]  }
0x4ee: {  	v17 =	vld [tilespmem:s31+$0xFFFFFCF0]  }
0x4ef: {  	v18 =	vld [tilespmem:s31+$0xFFFFFD70]  }
0x4f0: {  	v19 =	vld [tilespmem:s31+$0xFFFFFDF0]  }
0x4f1: {  	v20 =	vld [tilespmem:s31+$0xFFFFFE70]  }
0x4f2: {  	v21 =	vld [tilespmem:s31+$0xFFFFFEF0]  }
0x4f3: {  	v16 =	vmul.f32 v16, v17;
	v17 =	vld [tilespmem:s31+$0xFFFFFF70]  }
0x4f4: {  	v22 =	vld [tilespmem:$0x18460];
	v14 =	vmul.f32 v14, v18  }
0x4f5: {  	v18 =	vld [tilespmem:$0x18460];
	v15 =	vmul.f32 v15, v19  }
0x4f6: {  	v19 =	vld [tilespmem:$0x18460];
	v13 =	vmul.f32 v13, v20  }
0x4f7: {  	v20 =	vld [tilespmem:$0x18460];
	v12 =	vmul.f32 v12, v21  }
0x4f8: {  	v21 =	vld [tilespmem:$0x18460];
	v11 =	vmul.f32 v11, v17  }
0x4f9: {  	v10 =	vadd.f32 v22, v10;
	v17 =	vld [tilespmem:$0x18460]  }
0x4fa: {  	v16 =	vadd.f32 v18, v16;
	v18 =	vld [tilespmem:$0x18460]  }
0x4fb: {  	[tilespmem:s31+$0xFFFFFC70] =	vst v10;
	v10 =	vld [tilespmem:s31+$0xFFFFFC80];
	v14 =	vadd.f32 v19, v14  }
0x4fc: {  	v19 =	vld [tilespmem:$0x183F0];
	[tilespmem:s31+$0xFFFFFCF0] =	vst v16;
	v15 =	vadd.f32 v20, v15  }
0x4fd: {  	v16 =	vld [tilespmem:$0x183F0];
	[tilespmem:s31+$0xFFFFFD70] =	vst v14;
	v13 =	vadd.f32 v21, v13  }
0x4fe: {  	v14 =	vld [tilespmem:$0x183F0];
	[tilespmem:s31+$0xFFFFFDF0] =	vst v15;
	v12 =	vadd.f32 v17, v12  }
0x4ff: {  	v15 =	vld [tilespmem:$0x183F0];
	[tilespmem:s31+$0xFFFFFE70] =	vst v13;
	v11 =	vadd.f32 v18, v11  }
0x500: {  	v20 =	vld [tilespmem:$0x183F0];
	[tilespmem:s31+$0xFFFFFEF0] =	vst v12  }
0x501: {  	v19 =	vmul.f32 v19, v10;
	v10 =	vld [tilespmem:$0x183F0];
	[tilespmem:s31+$0xFFFFFF70] =	vst v11  }
0x502: {  	v11 =	vld [tilespmem:$0x183F0]  }
0x503: {  	v12 =	vld [tilespmem:s31+$0xFFFFFD00]  }
0x504: {  	v13 =	vld [tilespmem:s31+$0xFFFFFD80]  }
0x505: {  	v18 =	vld [tilespmem:s31+$0xFFFFFE00]  }
0x506: {  	v21 =	vld [tilespmem:s31+$0xFFFFFE80]  }
0x507: {  	v22 =	vld [tilespmem:s31+$0xFFFFFF00]  }
0x508: {  	v23 =	vmul.f32 v16, v12;
	v16 =	vld [tilespmem:s31+$0xFFFFFF80]  }
0x509: {  	v24 =	vld [tilespmem:$0x18470];
	v17 =	vmul.f32 v14, v13  }
0x50a: {  	v25 =	vld [tilespmem:$0x18470];
	v13 =	vmul.f32 v15, v18  }
.Ltmp21:
0x50b: {  	v18 =	vld [tilespmem:$0x18470];
	v12 =	vmul.f32 v20, v21;
	(pc) =	sbr.rel @p0 .LBB2_35-.Ltmp21, $4  }
0x50c: {  	v14 =	vld [tilespmem:$0x18470];
	v10 =	vmul.f32 v10, v22  }
0x50d: {  	v15 =	vld [tilespmem:$0x18470];
	v11 =	vmul.f32 v11, v16  }
0x50e: {  	v21 =	vadd.f32 v24, v19;
	v16 =	vld [tilespmem:$0x18470]  }
0x50f: {  	v20 =	vadd.f32 v25, v23;
	v19 =	vld [tilespmem:$0x18470]  }
0x510: {  	[tilespmem:s30+$0xFFFFFC80] =	vst v21;
	v17 =	vadd.f32 v18, v17  }
0x511: {  	[tilespmem:s30+$0xFFFFFD00] =	vst v20;
	v13 =	vadd.f32 v14, v13  }
0x512: {  	[tilespmem:s30+$0xFFFFFD80] =	vst v17;
	v12 =	vadd.f32 v15, v12  }
0x513: {  	[tilespmem:s30+$0xFFFFFE00] =	vst v13;
	v10 =	vadd.f32 v16, v10  }
0x514: {  	[tilespmem:s30+$0xFFFFFE80] =	vst v12;
	v11 =	vadd.f32 v19, v11  }
0x515: {  	[tilespmem:s30+$0xFFFFFF00] =	vst v10  }
0x516: {  	s0 =	simm.s32 $0x8000;
	[tilespmem:s30+$0xFFFFFF80] =	vst v11  }
0x517: {  	[hbm4b:s9+s6] =	stream.linear.scatter [tilespmem:s0], [sflag:$0x6], $0x8000, $0x200038;
	[tilespmem:$0x18480] =	vst v63  }
0x518: {  	s29 =	sadd.s32 $0x1, s29;
	_ =	swait.ge [sflag:s28], $0x8000  }
0x519: {  	p0 =	sne.s32 s29, s10;
	[sflag:s28] =	ssyncset.done $0x0  }
.Ltmp22:
0x51a: {  	[sflag:s28] =	ssyncadd.s32 $0xFFFF8000;
	(pc) =	sbr.rel @p0 .LBB2_1-.Ltmp22, $4  }
.Ltmp23:
0x51b: {  	_ =	swait.ge [sflag:s28], $0x8000;
	(pc) =	sbr.rel @!p0 .LBB2_37-.Ltmp23, $4  }
0x51c: {  	[sflag:s28] =	ssyncset.done $0x0  }
0x51d: {  	[sflag:s28] =	ssyncadd.s32 $0xFFFF8000  }
0x51e: {  	_ =	strace $0x9000004B  }
0x51f: {  	_ = 	snop  }
.LBB2_5:
.Ltmp24:
0x520: {  	(pc) =	sbr.rel .LBB2_6-.Ltmp24, $2  }
0x521: {  	_ =	sdelay $0x2  }
0x522: {  	p0 =	por $0x0, $0x0;
	p1 =	por $0x0, $0x0  }
.LBB2_37:
0x523: {  	_ =	sfence.sel $0x180000  }
0x524: {  	[bflag:$0x0] =	sbarrier.arrive $0xFFFF  }
0x525: {  	_ =	strace $0x90000047  }
0x526: {  	s0 =	stileid.u32;
	[bflag:$0x2] =	sbarrier.arrive $0xFFFF  }
0x527: {  	p0 =	sne.s32 s0, $0x0;
	s0 =	rddreg [dreg:$0x5]  }
0x528: {  	s0 =	sadd.s32 @!p0 $0x100000, s0  }
0x529: {  	[sflag:s0] =	ssyncadd.tile.s32 @!p0 $0x1;
	_ =	shalt  }
.Lfunc_end2:
_tile_overlayer_lowered:
.L_overlay_start_2:
0x52a: {  	(tag) =	ssettag $0x2  }
0x52b: {  	s0 =	rddreg [dreg:$0x0];
	s2 =	stileid.u32  }
0x52c: {  	s1 =	rddreg [dreg:$0x1];
	p0 =	sne.s32 s2, $0x0  }
0x52d: {  	s3 =	rddreg [dreg:$0x2];
	[bflag:$0x3] =	sbarrier.arrive $0xFFFF;
	s2 =	simm.s32 @!p0 $0x1C07  }
0x52e: {  	[timem:s3], [sflag:s2] =	dma.local @!p0 [hbm:s0], s1  }
0x52f: {  	s0 =	simm.s32 @!p0 $0x7  }
0x530: {  	_ =	swait.ge @!p0 [sflag:s0], s1  }
0x531: {  	s1 =	ssub.s32 @!p0 $0x0, s1;
	[sflag:s0] =	ssyncset.done @!p0 $0x0  }
0x532: {  	[sflag:s0] =	ssyncadd.s32 @!p0 s1  }
0x533: {  	[bflag:$0x3] =	sbarrier.arrive $0xFFFF  }
0x534: {  	_ =	shalt  }

</sc_bundles>
